<compile_context>
chip_gen: v7x
topology: tpu7x:2x2x1
jax: 0.10.2.dev20260603
libtpu: 0.0.44.dev20260713+nightly
codegen_flags: <defaults>
</compile_context>

<pallas_src>
import functools

import jax
import jax.numpy as jnp
from jax import lax
from jax.experimental import pallas as pl
from jax.experimental.pallas import tpu as pltpu
from jax.experimental.pallas import tpu_sc as plsc

NUM_WORKERS = 32
NC = 2
L = 16
B_TOTAL = 16384
DIM = 32
ROWS_PER_WORKER = B_TOTAL // NUM_WORKERS
CHUNK = 128
NCHUNK = ROWS_PER_WORKER // CHUNK
SROWS = 16
NSTAGE = ROWS_PER_WORKER // SROWS


def _sc_modeler(u_r, i_r, uvi_r, ivu_r, userW, itemW,
                out_hbm, regp_hbm,
                idx_u, idx_i, idx_uvi, idx_ivu,
                ue_v, ie_v, une_v, ine_v,
                out_v, regp_v, sem):
    wid = lax.axis_index("s") * NC + lax.axis_index("c")

    pltpu.sync_copy(u_r.at[wid], idx_u)
    pltpu.sync_copy(i_r.at[wid], idx_i)
    pltpu.sync_copy(uvi_r.at[wid], idx_uvi)
    pltpu.sync_copy(ivu_r.at[wid], idx_ivu)

    lanes = ((idx_u, userW, ue_v),
             (idx_i, itemW, ie_v),
             (idx_ivu, itemW, une_v),
             (idx_uvi, userW, ine_v))

    iota = lax.iota(jnp.int32, L)
    zero = jnp.zeros((L,), jnp.float32)

    def stage_body(s, carry):
        acc1, acc2 = carry
        j = s // 8
        off = (s % 8) * SROWS
        sl = pl.ds(off, L)

        for idx_t, tab_t, _buf in lanes:
            b8v = (idx_t[j, sl] >> 3) * 8
            for l in range(L):
                pltpu.async_copy(
                    tab_t.at[pl.ds(pl.multiple_of(b8v[l], 8), 8), :],
                    _buf.at[pl.ds(l * 8, 8), :], sem)

        for _idx_t, tab_t, _buf in lanes:
            pltpu.make_async_copy(
                tab_t.at[pl.ds(0, SROWS * 8), :], _buf, sem).wait()

        srow_ue = iota * 8 + (idx_u[j, sl] & 7)
        srow_ie = iota * 8 + (idx_i[j, sl] & 7)
        srow_une = iota * 8 + (idx_ivu[j, sl] & 7)
        srow_ine = iota * 8 + (idx_uvi[j, sl] & 7)
        outv = zero
        for col in range(DIM):
            scol = jnp.full((L,), col, jnp.int32)
            vue = plsc.load_gather(ue_v, [srow_ue, scol])
            vie = plsc.load_gather(ie_v, [srow_ie, scol])
            vune = plsc.load_gather(une_v, [srow_une, scol])
            vine = plsc.load_gather(ine_v, [srow_ine, scol])
            d = vue + vune * vine - vie
            t = d * d
            outv = outv + t
            acc1 = acc1 + t
            du = vue - vune
            di = vie - vine
            acc2 = acc2 + du * du + di * di
        out_v[pl.ds(s * SROWS, L)] = outv
        return acc1, acc2

    acc1, acc2 = lax.fori_loop(0, NSTAGE, stage_body, (zero, zero))

    regp_v[0, pl.ds(0, L)] = acc1
    regp_v[1, pl.ds(0, L)] = acc2

    pltpu.sync_copy(out_v, out_hbm.at[wid])
    pltpu.sync_copy(regp_v, regp_hbm.at[wid])


@jax.jit
def _run(u_r, i_r, uvi_r, ivu_r, userW, itemW):
    mesh = plsc.VectorSubcoreMesh(core_axis_name="c", subcore_axis_name="s")
    k = functools.partial(
        pl.kernel, mesh=mesh,
        compiler_params=pltpu.CompilerParams(needs_layout_passes=False),
        out_type=(
            jax.ShapeDtypeStruct((NUM_WORKERS, ROWS_PER_WORKER), jnp.float32),
            jax.ShapeDtypeStruct((NUM_WORKERS, 2, L), jnp.float32),
        ),
        scratch_types=(
            [pltpu.VMEM((NCHUNK, CHUNK), jnp.int32)] * 4
            + [pltpu.VMEM((SROWS * 8, DIM), jnp.float32)] * 4
            + [pltpu.VMEM((ROWS_PER_WORKER,), jnp.float32),
               pltpu.VMEM((2, L), jnp.float32),
               pltpu.SemaphoreType.DMA]
        ),
    )(_sc_modeler)
    return k(u_r, i_r, uvi_r, ivu_r, userW, itemW)


def kernel(u, i, u_viewed_i_idx, u_viewed_i_offset, i_viewed_u_idx,
           i_viewed_u_offset, userW, itemW):
    shape = (NUM_WORKERS, NCHUNK, CHUNK)
    u_r = u.astype(jnp.int32).reshape(shape)
    i_r = i.astype(jnp.int32).reshape(shape)
    uvi_r = u_viewed_i_idx.astype(jnp.int32).reshape(shape)
    ivu_r = i_viewed_u_idx.astype(jnp.int32).reshape(shape)
    out2, regp = _run(u_r, i_r, uvi_r, ivu_r, userW, itemW)
    out = out2.reshape(B_TOTAL)
    reg1 = jnp.sum(regp[:, 0, :])
    reg2 = jnp.sum(regp[:, 1, :])
    return (out, reg1, reg2)

# --- scband reference (transcript-rebuilt; emitter-appended) ---
"""Pipeline reference for scband-modeler-63952063037666 (READ-ONLY COPY).

The authoritative reference and input builder live on the scoring server;
editing this copy changes nothing except your own understanding.
"""

import jax, jax.numpy as jnp
import numpy as np

NUM_USERS = 1000000
NUM_ITEMS = 1000000
DIM = 32
B = 16384


def _bag_mean(table, indices, offsets):
    # Faithful jax translation of nn.EmbeddingBag(mode='mean'):
    # bag j = indices[offsets[j]:offsets[j+1]] (last bag runs to end); empty bags -> zeros.
    L = indices.shape[0]
    nb = offsets.shape[0]
    seg = jnp.searchsorted(offsets, jnp.arange(L), side='right') - 1
    emb = jnp.take(table, indices, axis=0)
    sums = jax.ops.segment_sum(emb, seg, num_segments=nb)
    cnt = jax.ops.segment_sum(jnp.ones((L,), dtype=table.dtype), seg, num_segments=nb)
    return sums / jnp.clip(cnt, 1.0, None)[:, None]


def setup_inputs(seed: int = 0) -> dict:
    key = jax.random.key(seed)
    ks = jax.random.split(key, 6)
    u = jax.random.randint(ks[0], (B,), 0, NUM_USERS, dtype=jnp.int64 if jax.config.jax_enable_x64 else jnp.int32)
    i = jax.random.randint(ks[1], (B,), 0, NUM_ITEMS, dtype=u.dtype)
    u_viewed_i_idx = jax.random.randint(ks[2], (B,), 0, NUM_USERS, dtype=u.dtype)
    u_viewed_i_offset = jnp.arange(B, dtype=u.dtype)
    i_viewed_u_idx = jax.random.randint(ks[3], (B,), 0, NUM_ITEMS, dtype=u.dtype)
    i_viewed_u_offset = jnp.arange(B, dtype=u.dtype)
    userW = jax.random.normal(ks[4], (NUM_USERS, DIM), dtype=jnp.float32) * 0.01
    itemW = jax.random.normal(ks[5], (NUM_ITEMS, DIM), dtype=jnp.float32) * 0.01
    return {
        'u': u,
        'i': i,
        'u_viewed_i_idx': u_viewed_i_idx,
        'u_viewed_i_offset': u_viewed_i_offset,
        'i_viewed_u_idx': i_viewed_u_idx,
        'i_viewed_u_offset': i_viewed_u_offset,
        'userW': userW,
        'itemW': itemW,
    }


def reference(u, i, u_viewed_i_idx, u_viewed_i_offset, i_viewed_u_idx, i_viewed_u_offset, userW, itemW):
    # userIdx/itemIdx = arange(len(u)) -> offsets giving one index per bag
    userEmbeds = _bag_mean(userW, u, jnp.arange(u.shape[0]))
    itemEmbeds = _bag_mean(itemW, i, jnp.arange(i.shape[0]))
    userNeighborEmbeds = _bag_mean(itemW, i_viewed_u_idx, i_viewed_u_offset)
    itemNeighborEmbeds = _bag_mean(userW, u_viewed_i_idx, u_viewed_i_offset)
    rel = userNeighborEmbeds * itemNeighborEmbeds
    tmp = (userEmbeds + rel - itemEmbeds) ** 2
    reg1 = jnp.sum(tmp)
    reg2 = jnp.sum((userEmbeds - userNeighborEmbeds) ** 2) + jnp.sum((itemEmbeds - itemNeighborEmbeds) ** 2)
    out = jnp.sum(tmp, axis=1)
    return (out, reg1, reg2)

if __name__ == "__main__":
    import jax
    _d = setup_inputs()
    print(jax.jit(kernel)(*tuple(_d.values())))

</pallas_src>

<mosaic_0001>
#map = affine_map<(d0, d1) -> (0, 0, 0)>
#map1 = affine_map<(d0, d1) -> (0, 0)>
module attributes {stable_mosaic.version = 14 : i64} {
  func.func @_sc_modeler(%arg0: i32, %arg1: i32, %arg2: memref<32x4x128xi32, #tpu.memory_space<hbm>>, %arg3: memref<32x4x128xi32, #tpu.memory_space<hbm>>, %arg4: memref<32x4x128xi32, #tpu.memory_space<hbm>>, %arg5: memref<32x4x128xi32, #tpu.memory_space<hbm>>, %arg6: memref<1000000x32xf32, #tpu.memory_space<hbm>>, %arg7: memref<1000000x32xf32, #tpu.memory_space<hbm>>, %arg8: memref<32x512xf32, #tpu.memory_space<hbm>>, %arg9: memref<32x2x16xf32, #tpu.memory_space<hbm>>, %arg10: memref<4x128xi32, #tpu.memory_space<vmem>>, %arg11: memref<4x128xi32, #tpu.memory_space<vmem>>, %arg12: memref<4x128xi32, #tpu.memory_space<vmem>>, %arg13: memref<4x128xi32, #tpu.memory_space<vmem>>, %arg14: memref<128x32xf32, #tpu.memory_space<vmem>>, %arg15: memref<128x32xf32, #tpu.memory_space<vmem>>, %arg16: memref<128x32xf32, #tpu.memory_space<vmem>>, %arg17: memref<128x32xf32, #tpu.memory_space<vmem>>, %arg18: memref<512xf32, #tpu.memory_space<vmem>>, %arg19: memref<2x16xf32, #tpu.memory_space<vmem>>, %arg20: memref<!tpu.dma_semaphore, #tpu.memory_space<semaphore_mem>>) attributes {dimension_semantics = [#tpu.dimension_semantics<core_parallel>, #tpu.dimension_semantics<subcore_parallel>], iteration_bounds = array<i64: 2, 16>, scalar_prefetch = 0 : i64, scratch_operands = 11 : i64, tpu.core_type = #tpu.core_type<sc_vector_subcore>, window_params = [{transform_indices = #map}, {transform_indices = #map}, {transform_indices = #map}, {transform_indices = #map}, {transform_indices = #map1}, {transform_indices = #map1}, {transform_indices = #map1}, {transform_indices = #map}]} {
    %mul3A = arith.constant 2 : i32
    %mul3A_0 = arith.muli %arg1, %mul3A : i32
    %add3A = arith.addi %mul3A_0, %arg0 : i32
    "tpu.region"() ({
      %run_scoped3A = tpu.sem_alloc : memref<!tpu.dma_semaphore, #tpu.memory_space<semaphore_mem>>
      %dma_start3A = arith.constant 0 : i32
      %dma_start3A_14 = arith.constant 0 : i32
      %dma_start3A_15 = tpu.memref_slice %arg2[%add3A, %dma_start3A, %dma_start3A_14] : memref<32x4x128xi32, #tpu.memory_space<hbm>> -> memref<1x4x128xi32, #tpu.memory_space<hbm>>
      %dma_start3A_16 = tpu.memref_squeeze %dma_start3A_15 : memref<1x4x128xi32, #tpu.memory_space<hbm>> -> memref<4x128xi32, #tpu.memory_space<hbm>>
      %dma_start3A_17 = arith.constant 0 : i32
      %dma_start3A_18 = arith.constant 0 : i32
      %dma_start3A_19 = tpu.memref_slice %arg2[%add3A, %dma_start3A_17, %dma_start3A_18] : memref<32x4x128xi32, #tpu.memory_space<hbm>> -> memref<1x4x128xi32, #tpu.memory_space<hbm>>
      %dma_start3A_20 = tpu.memref_squeeze %dma_start3A_19 : memref<1x4x128xi32, #tpu.memory_space<hbm>> -> memref<4x128xi32, #tpu.memory_space<hbm>>
      tpu.enqueue_dma source(%dma_start3A_20 : memref<4x128xi32, #tpu.memory_space<hbm>>) target(%arg10 : memref<4x128xi32, #tpu.memory_space<vmem>>) target_semaphore(%run_scoped3A : memref<!tpu.dma_semaphore, #tpu.memory_space<semaphore_mem>>)
      %dma_wait3A = arith.constant 0 : i32
      %dma_wait3A_21 = arith.constant 0 : i32
      %dma_wait3A_22 = tpu.memref_slice %arg2[%add3A, %dma_wait3A, %dma_wait3A_21] : memref<32x4x128xi32, #tpu.memory_space<hbm>> -> memref<1x4x128xi32, #tpu.memory_space<hbm>>
      %dma_wait3A_23 = tpu.memref_squeeze %dma_wait3A_22 : memref<1x4x128xi32, #tpu.memory_space<hbm>> -> memref<4x128xi32, #tpu.memory_space<hbm>>
      %dma_wait3A_24 = arith.constant 0 : i32
      %dma_wait3A_25 = arith.constant 0 : i32
      %dma_wait3A_26 = tpu.memref_slice %arg2[%add3A, %dma_wait3A_24, %dma_wait3A_25] : memref<32x4x128xi32, #tpu.memory_space<hbm>> -> memref<1x4x128xi32, #tpu.memory_space<hbm>>
      %dma_wait3A_27 = tpu.memref_squeeze %dma_wait3A_26 : memref<1x4x128xi32, #tpu.memory_space<hbm>> -> memref<4x128xi32, #tpu.memory_space<hbm>>
      tpu.wait_dma2 semaphore(%run_scoped3A : memref<!tpu.dma_semaphore, #tpu.memory_space<semaphore_mem>>) src(%dma_wait3A_27 : memref<4x128xi32, #tpu.memory_space<hbm>>) dst(%arg10 : memref<4x128xi32, #tpu.memory_space<vmem>>)
      tpu.yield
    }) : () -> ()
    "tpu.region"() ({
      %run_scoped3A = tpu.sem_alloc : memref<!tpu.dma_semaphore, #tpu.memory_space<semaphore_mem>>
      %dma_start3A = arith.constant 0 : i32
      %dma_start3A_14 = arith.constant 0 : i32
      %dma_start3A_15 = tpu.memref_slice %arg3[%add3A, %dma_start3A, %dma_start3A_14] : memref<32x4x128xi32, #tpu.memory_space<hbm>> -> memref<1x4x128xi32, #tpu.memory_space<hbm>>
      %dma_start3A_16 = tpu.memref_squeeze %dma_start3A_15 : memref<1x4x128xi32, #tpu.memory_space<hbm>> -> memref<4x128xi32, #tpu.memory_space<hbm>>
      %dma_start3A_17 = arith.constant 0 : i32
      %dma_start3A_18 = arith.constant 0 : i32
      %dma_start3A_19 = tpu.memref_slice %arg3[%add3A, %dma_start3A_17, %dma_start3A_18] : memref<32x4x128xi32, #tpu.memory_space<hbm>> -> memref<1x4x128xi32, #tpu.memory_space<hbm>>
      %dma_start3A_20 = tpu.memref_squeeze %dma_start3A_19 : memref<1x4x128xi32, #tpu.memory_space<hbm>> -> memref<4x128xi32, #tpu.memory_space<hbm>>
      tpu.enqueue_dma source(%dma_start3A_20 : memref<4x128xi32, #tpu.memory_space<hbm>>) target(%arg11 : memref<4x128xi32, #tpu.memory_space<vmem>>) target_semaphore(%run_scoped3A : memref<!tpu.dma_semaphore, #tpu.memory_space<semaphore_mem>>)
      %dma_wait3A = arith.constant 0 : i32
      %dma_wait3A_21 = arith.constant 0 : i32
      %dma_wait3A_22 = tpu.memref_slice %arg3[%add3A, %dma_wait3A, %dma_wait3A_21] : memref<32x4x128xi32, #tpu.memory_space<hbm>> -> memref<1x4x128xi32, #tpu.memory_space<hbm>>
      %dma_wait3A_23 = tpu.memref_squeeze %dma_wait3A_22 : memref<1x4x128xi32, #tpu.memory_space<hbm>> -> memref<4x128xi32, #tpu.memory_space<hbm>>
      %dma_wait3A_24 = arith.constant 0 : i32
      %dma_wait3A_25 = arith.constant 0 : i32
      %dma_wait3A_26 = tpu.memref_slice %arg3[%add3A, %dma_wait3A_24, %dma_wait3A_25] : memref<32x4x128xi32, #tpu.memory_space<hbm>> -> memref<1x4x128xi32, #tpu.memory_space<hbm>>
      %dma_wait3A_27 = tpu.memref_squeeze %dma_wait3A_26 : memref<1x4x128xi32, #tpu.memory_space<hbm>> -> memref<4x128xi32, #tpu.memory_space<hbm>>
      tpu.wait_dma2 semaphore(%run_scoped3A : memref<!tpu.dma_semaphore, #tpu.memory_space<semaphore_mem>>) src(%dma_wait3A_27 : memref<4x128xi32, #tpu.memory_space<hbm>>) dst(%arg11 : memref<4x128xi32, #tpu.memory_space<vmem>>)
      tpu.yield
    }) : () -> ()
    "tpu.region"() ({
      %run_scoped3A = tpu.sem_alloc : memref<!tpu.dma_semaphore, #tpu.memory_space<semaphore_mem>>
      %dma_start3A = arith.constant 0 : i32
      %dma_start3A_14 = arith.constant 0 : i32
      %dma_start3A_15 = tpu.memref_slice %arg4[%add3A, %dma_start3A, %dma_start3A_14] : memref<32x4x128xi32, #tpu.memory_space<hbm>> -> memref<1x4x128xi32, #tpu.memory_space<hbm>>
      %dma_start3A_16 = tpu.memref_squeeze %dma_start3A_15 : memref<1x4x128xi32, #tpu.memory_space<hbm>> -> memref<4x128xi32, #tpu.memory_space<hbm>>
      %dma_start3A_17 = arith.constant 0 : i32
      %dma_start3A_18 = arith.constant 0 : i32
      %dma_start3A_19 = tpu.memref_slice %arg4[%add3A, %dma_start3A_17, %dma_start3A_18] : memref<32x4x128xi32, #tpu.memory_space<hbm>> -> memref<1x4x128xi32, #tpu.memory_space<hbm>>
      %dma_start3A_20 = tpu.memref_squeeze %dma_start3A_19 : memref<1x4x128xi32, #tpu.memory_space<hbm>> -> memref<4x128xi32, #tpu.memory_space<hbm>>
      tpu.enqueue_dma source(%dma_start3A_20 : memref<4x128xi32, #tpu.memory_space<hbm>>) target(%arg12 : memref<4x128xi32, #tpu.memory_space<vmem>>) target_semaphore(%run_scoped3A : memref<!tpu.dma_semaphore, #tpu.memory_space<semaphore_mem>>)
      %dma_wait3A = arith.constant 0 : i32
      %dma_wait3A_21 = arith.constant 0 : i32
      %dma_wait3A_22 = tpu.memref_slice %arg4[%add3A, %dma_wait3A, %dma_wait3A_21] : memref<32x4x128xi32, #tpu.memory_space<hbm>> -> memref<1x4x128xi32, #tpu.memory_space<hbm>>
      %dma_wait3A_23 = tpu.memref_squeeze %dma_wait3A_22 : memref<1x4x128xi32, #tpu.memory_space<hbm>> -> memref<4x128xi32, #tpu.memory_space<hbm>>
      %dma_wait3A_24 = arith.constant 0 : i32
      %dma_wait3A_25 = arith.constant 0 : i32
      %dma_wait3A_26 = tpu.memref_slice %arg4[%add3A, %dma_wait3A_24, %dma_wait3A_25] : memref<32x4x128xi32, #tpu.memory_space<hbm>> -> memref<1x4x128xi32, #tpu.memory_space<hbm>>
      %dma_wait3A_27 = tpu.memref_squeeze %dma_wait3A_26 : memref<1x4x128xi32, #tpu.memory_space<hbm>> -> memref<4x128xi32, #tpu.memory_space<hbm>>
      tpu.wait_dma2 semaphore(%run_scoped3A : memref<!tpu.dma_semaphore, #tpu.memory_space<semaphore_mem>>) src(%dma_wait3A_27 : memref<4x128xi32, #tpu.memory_space<hbm>>) dst(%arg12 : memref<4x128xi32, #tpu.memory_space<vmem>>)
      tpu.yield
    }) : () -> ()
    "tpu.region"() ({
      %run_scoped3A = tpu.sem_alloc : memref<!tpu.dma_semaphore, #tpu.memory_space<semaphore_mem>>
      %dma_start3A = arith.constant 0 : i32
      %dma_start3A_14 = arith.constant 0 : i32
      %dma_start3A_15 = tpu.memref_slice %arg5[%add3A, %dma_start3A, %dma_start3A_14] : memref<32x4x128xi32, #tpu.memory_space<hbm>> -> memref<1x4x128xi32, #tpu.memory_space<hbm>>
      %dma_start3A_16 = tpu.memref_squeeze %dma_start3A_15 : memref<1x4x128xi32, #tpu.memory_space<hbm>> -> memref<4x128xi32, #tpu.memory_space<hbm>>
      %dma_start3A_17 = arith.constant 0 : i32
      %dma_start3A_18 = arith.constant 0 : i32
      %dma_start3A_19 = tpu.memref_slice %arg5[%add3A, %dma_start3A_17, %dma_start3A_18] : memref<32x4x128xi32, #tpu.memory_space<hbm>> -> memref<1x4x128xi32, #tpu.memory_space<hbm>>
      %dma_start3A_20 = tpu.memref_squeeze %dma_start3A_19 : memref<1x4x128xi32, #tpu.memory_space<hbm>> -> memref<4x128xi32, #tpu.memory_space<hbm>>
      tpu.enqueue_dma source(%dma_start3A_20 : memref<4x128xi32, #tpu.memory_space<hbm>>) target(%arg13 : memref<4x128xi32, #tpu.memory_space<vmem>>) target_semaphore(%run_scoped3A : memref<!tpu.dma_semaphore, #tpu.memory_space<semaphore_mem>>)
      %dma_wait3A = arith.constant 0 : i32
      %dma_wait3A_21 = arith.constant 0 : i32
      %dma_wait3A_22 = tpu.memref_slice %arg5[%add3A, %dma_wait3A, %dma_wait3A_21] : memref<32x4x128xi32, #tpu.memory_space<hbm>> -> memref<1x4x128xi32, #tpu.memory_space<hbm>>
      %dma_wait3A_23 = tpu.memref_squeeze %dma_wait3A_22 : memref<1x4x128xi32, #tpu.memory_space<hbm>> -> memref<4x128xi32, #tpu.memory_space<hbm>>
      %dma_wait3A_24 = arith.constant 0 : i32
      %dma_wait3A_25 = arith.constant 0 : i32
      %dma_wait3A_26 = tpu.memref_slice %arg5[%add3A, %dma_wait3A_24, %dma_wait3A_25] : memref<32x4x128xi32, #tpu.memory_space<hbm>> -> memref<1x4x128xi32, #tpu.memory_space<hbm>>
      %dma_wait3A_27 = tpu.memref_squeeze %dma_wait3A_26 : memref<1x4x128xi32, #tpu.memory_space<hbm>> -> memref<4x128xi32, #tpu.memory_space<hbm>>
      tpu.wait_dma2 semaphore(%run_scoped3A : memref<!tpu.dma_semaphore, #tpu.memory_space<semaphore_mem>>) src(%dma_wait3A_27 : memref<4x128xi32, #tpu.memory_space<hbm>>) dst(%arg13 : memref<4x128xi32, #tpu.memory_space<vmem>>)
      tpu.yield
    }) : () -> ()
    %iota3A = tpu.iota {dimensions = array<i32: 0>} : vector<16xi32>
    %broadcast_in_dim3A = arith.constant 0.000000e+00 : f32
    %broadcast_in_dim3A_1 = vector.broadcast %broadcast_in_dim3A : f32 to vector<16xf32>
    %scan3A = arith.constant 0 : i32
    %scan3A_2 = arith.constant 32 : i32
    %scan3A_3 = arith.addi %scan3A, %scan3A_2 : i32
    %scan3A_4 = arith.constant 1 : i32
    %scan3A_5:2 = scf.for %scan3A_14 = %scan3A to %scan3A_3 step %scan3A_4 iter_args(%scan3A_15 = %broadcast_in_dim3A_1, %scan3A_16 = %broadcast_in_dim3A_1) -> (vector<16xf32>, vector<16xf32>)  : i32 {
      %jit3A = arith.constant 8 : i32
      %div3A = arith.divsi %scan3A_14, %jit3A : i32
      %sign3A = arith.constant 0 : i32
      %sign3A_17 = arith.cmpi sgt, %scan3A_14, %sign3A : i32
      %sign3A_18 = arith.extui %sign3A_17 : i1 to i32
      %sign3A_19 = arith.constant 0 : i32
      %sign3A_20 = arith.cmpi slt, %scan3A_14, %sign3A_19 : i32
      %sign3A_21 = arith.extui %sign3A_20 : i1 to i32
      %sign3A_22 = arith.subi %sign3A_18, %sign3A_21 : i32
      %sign3A_23 = arith.constant 0 : i32
      %sign3A_24 = arith.cmpi sgt, %jit3A, %sign3A_23 : i32
      %sign3A_25 = arith.extui %sign3A_24 : i1 to i32
      %sign3A_26 = arith.constant 0 : i32
      %sign3A_27 = arith.cmpi slt, %jit3A, %sign3A_26 : i32
      %sign3A_28 = arith.extui %sign3A_27 : i1 to i32
      %sign3A_29 = arith.subi %sign3A_25, %sign3A_28 : i32
      %ne3A = arith.cmpi ne, %sign3A_22, %sign3A_29 : i32
      %rem3A = arith.remsi %scan3A_14, %jit3A : i32
      %ne3A_30 = arith.constant 0 : i32
      %ne3A_31 = arith.cmpi ne, %rem3A, %ne3A_30 : i32
      %and3A = arith.andi %ne3A, %ne3A_31 : i1
      %sub3A = arith.constant 1 : i32
      %sub3A_32 = arith.subi %div3A, %sub3A : i32
      %select_n3A = arith.select %and3A, %sub3A_32, %div3A : i32
      %jit3A_33 = arith.constant 8 : i32
      %eq3A = arith.constant 0 : i32
      %eq3A_34 = arith.cmpi eq, %jit3A_33, %eq3A : i32
      %jit3A_35 = arith.constant 1 : i32
      %select_n3A_36 = arith.select %eq3A_34, %jit3A_35, %jit3A_33 : i32
      %rem3A_37 = arith.remsi %scan3A_14, %select_n3A_36 : i32
      %ne3A_38 = arith.constant 0 : i32
      %ne3A_39 = arith.cmpi ne, %rem3A_37, %ne3A_38 : i32
      %lt3A = arith.constant 0 : i32
      %lt3A_40 = arith.cmpi slt, %rem3A_37, %lt3A : i32
      %lt3A_41 = arith.constant 0 : i32
      %lt3A_42 = arith.cmpi slt, %select_n3A_36, %lt3A_41 : i32
      %ne3A_43 = arith.xori %lt3A_40, %lt3A_42 : i1
      %and3A_44 = arith.andi %ne3A_43, %ne3A_39 : i1
      %add3A_45 = arith.addi %rem3A_37, %select_n3A_36 : i32
      %select_n3A_46 = arith.select %and3A_44, %add3A_45, %rem3A_37 : i32
      %mul3A_47 = arith.constant 16 : i32
      %mul3A_48 = arith.muli %select_n3A_46, %mul3A_47 : i32
      %get3A = arith.index_cast %select_n3A : i32 to index
      %get3A_49 = arith.index_cast %mul3A_48 : i32 to index
      %get3A_50 = tpu.vector_load %arg10[%get3A, %get3A_49] {strides = array<i32>} : memref<4x128xi32, #tpu.memory_space<vmem>>, vector<16xi32>,
      %shift_right_arithmetic3A = arith.constant 3 : i32
      %shift_right_arithmetic3A_51 = vector.broadcast %shift_right_arithmetic3A : i32 to vector<16xi32>
      %shift_right_arithmetic3A_52 = arith.shrsi %get3A_50, %shift_right_arithmetic3A_51 : vector<16xi32>
      %mul3A_53 = arith.constant 8 : i32
      %mul3A_54 = vector.broadcast %mul3A_53 : i32 to vector<16xi32>
      %mul3A_55 = arith.muli %shift_right_arithmetic3A_52, %mul3A_54 : vector<16xi32>
      %slice3A = vector.extract_strided_slice %mul3A_55 {offsets = [0], sizes = [1], strides = [1]} : vector<16xi32> to vector<1xi32>
      %squeeze3A = vector.extract %slice3A[0] : i32 from vector<1xi32>
      %multiple_of3A = tpu.assume_multiple %squeeze3A, 8 : i32
      %dma_start3A = arith.constant 0 : i32
      %dma_start3A_56 = arith.constant 0 : i32
      %dma_start3A_57 = tpu.memref_slice %arg14[%dma_start3A, %dma_start3A_56] : memref<128x32xf32, #tpu.memory_space<vmem>> -> memref<8x32xf32, #tpu.memory_space<vmem>>
      %dma_start3A_58 = arith.constant 0 : i32
      %dma_start3A_59 = tpu.memref_slice %arg6[%multiple_of3A, %dma_start3A_58] : memref<1000000x32xf32, #tpu.memory_space<hbm>> -> memref<8x32xf32, #tpu.memory_space<hbm>>
      %dma_start3A_60 = arith.constant 0 : i32
      %dma_start3A_61 = arith.constant 0 : i32
      %dma_start3A_62 = tpu.memref_slice %arg14[%dma_start3A_60, %dma_start3A_61] : memref<128x32xf32, #tpu.memory_space<vmem>> -> memref<8x32xf32, #tpu.memory_space<vmem>>
      %dma_start3A_63 = arith.constant 0 : i32
      %dma_start3A_64 = tpu.memref_slice %arg6[%multiple_of3A, %dma_start3A_63] : memref<1000000x32xf32, #tpu.memory_space<hbm>> -> memref<8x32xf32, #tpu.memory_space<hbm>>
      tpu.enqueue_dma source(%dma_start3A_64 : memref<8x32xf32, #tpu.memory_space<hbm>>) target(%dma_start3A_62 : memref<8x32xf32, #tpu.memory_space<vmem>>) target_semaphore(%arg20 : memref<!tpu.dma_semaphore, #tpu.memory_space<semaphore_mem>>)
      %slice3A_65 = vector.extract_strided_slice %mul3A_55 {offsets = [1], sizes = [1], strides = [1]} : vector<16xi32> to vector<1xi32>
      %squeeze3A_66 = vector.extract %slice3A_65[0] : i32 from vector<1xi32>
      %multiple_of3A_67 = tpu.assume_multiple %squeeze3A_66, 8 : i32
      %dma_start3A_68 = arith.constant 8 : i32
      %dma_start3A_69 = arith.constant 0 : i32
      %dma_start3A_70 = tpu.memref_slice %arg14[%dma_start3A_68, %dma_start3A_69] : memref<128x32xf32, #tpu.memory_space<vmem>> -> memref<8x32xf32, #tpu.memory_space<vmem>>
      %dma_start3A_71 = arith.constant 0 : i32
      %dma_start3A_72 = tpu.memref_slice %arg6[%multiple_of3A_67, %dma_start3A_71] : memref<1000000x32xf32, #tpu.memory_space<hbm>> -> memref<8x32xf32, #tpu.memory_space<hbm>>
      %dma_start3A_73 = arith.constant 8 : i32
      %dma_start3A_74 = arith.constant 0 : i32
      %dma_start3A_75 = tpu.memref_slice %arg14[%dma_start3A_73, %dma_start3A_74] : memref<128x32xf32, #tpu.memory_space<vmem>> -> memref<8x32xf32, #tpu.memory_space<vmem>>
      %dma_start3A_76 = arith.constant 0 : i32
      %dma_start3A_77 = tpu.memref_slice %arg6[%multiple_of3A_67, %dma_start3A_76] : memref<1000000x32xf32, #tpu.memory_space<hbm>> -> memref<8x32xf32, #tpu.memory_space<hbm>>
      tpu.enqueue_dma source(%dma_start3A_77 : memref<8x32xf32, #tpu.memory_space<hbm>>) target(%dma_start3A_75 : memref<8x32xf32, #tpu.memory_space<vmem>>) target_semaphore(%arg20 : memref<!tpu.dma_semaphore, #tpu.memory_space<semaphore_mem>>)
      %slice3A_78 = vector.extract_strided_slice %mul3A_55 {offsets = [2], sizes = [1], strides = [1]} : vector<16xi32> to vector<1xi32>
      %squeeze3A_79 = vector.extract %slice3A_78[0] : i32 from vector<1xi32>
      %multiple_of3A_80 = tpu.assume_multiple %squeeze3A_79, 8 : i32
      %dma_start3A_81 = arith.constant 16 : i32
      %dma_start3A_82 = arith.constant 0 : i32
      %dma_start3A_83 = tpu.memref_slice %arg14[%dma_start3A_81, %dma_start3A_82] : memref<128x32xf32, #tpu.memory_space<vmem>> -> memref<8x32xf32, #tpu.memory_space<vmem>>
      %dma_start3A_84 = arith.constant 0 : i32
      %dma_start3A_85 = tpu.memref_slice %arg6[%multiple_of3A_80, %dma_start3A_84] : memref<1000000x32xf32, #tpu.memory_space<hbm>> -> memref<8x32xf32, #tpu.memory_space<hbm>>
      %dma_start3A_86 = arith.constant 16 : i32
      %dma_start3A_87 = arith.constant 0 : i32
      %dma_start3A_88 = tpu.memref_slice %arg14[%dma_start3A_86, %dma_start3A_87] : memref<128x32xf32, #tpu.memory_space<vmem>> -> memref<8x32xf32, #tpu.memory_space<vmem>>
      %dma_start3A_89 = arith.constant 0 : i32
      %dma_start3A_90 = tpu.memref_slice %arg6[%multiple_of3A_80, %dma_start3A_89] : memref<1000000x32xf32, #tpu.memory_space<hbm>> -> memref<8x32xf32, #tpu.memory_space<hbm>>
      tpu.enqueue_dma source(%dma_start3A_90 : memref<8x32xf32, #tpu.memory_space<hbm>>) target(%dma_start3A_88 : memref<8x32xf32, #tpu.memory_space<vmem>>) target_semaphore(%arg20 : memref<!tpu.dma_semaphore, #tpu.memory_space<semaphore_mem>>)
      %slice3A_91 = vector.extract_strided_slice %mul3A_55 {offsets = [3], sizes = [1], strides = [1]} : vector<16xi32> to vector<1xi32>
      %squeeze3A_92 = vector.extract %slice3A_91[0] : i32 from vector<1xi32>
      %multiple_of3A_93 = tpu.assume_multiple %squeeze3A_92, 8 : i32
      %dma_start3A_94 = arith.constant 24 : i32
      %dma_start3A_95 = arith.constant 0 : i32
      %dma_start3A_96 = tpu.memref_slice %arg14[%dma_start3A_94, %dma_start3A_95] : memref<128x32xf32, #tpu.memory_space<vmem>> -> memref<8x32xf32, #tpu.memory_space<vmem>>
      %dma_start3A_97 = arith.constant 0 : i32
      %dma_start3A_98 = tpu.memref_slice %arg6[%multiple_of3A_93, %dma_start3A_97] : memref<1000000x32xf32, #tpu.memory_space<hbm>> -> memref<8x32xf32, #tpu.memory_space<hbm>>
      %dma_start3A_99 = arith.constant 24 : i32
      %dma_start3A_100 = arith.constant 0 : i32
      %dma_start3A_101 = tpu.memref_slice %arg14[%dma_start3A_99, %dma_start3A_100] : memref<128x32xf32, #tpu.memory_space<vmem>> -> memref<8x32xf32, #tpu.memory_space<vmem>>
      %dma_start3A_102 = arith.constant 0 : i32
      %dma_start3A_103 = tpu.memref_slice %arg6[%multiple_of3A_93, %dma_start3A_102] : memref<1000000x32xf32, #tpu.memory_space<hbm>> -> memref<8x32xf32, #tpu.memory_space<hbm>>
      tpu.enqueue_dma source(%dma_start3A_103 : memref<8x32xf32, #tpu.memory_space<hbm>>) target(%dma_start3A_101 : memref<8x32xf32, #tpu.memory_space<vmem>>) target_semaphore(%arg20 : memref<!tpu.dma_semaphore, #tpu.memory_space<semaphore_mem>>)
      %slice3A_104 = vector.extract_strided_slice %mul3A_55 {offsets = [4], sizes = [1], strides = [1]} : vector<16xi32> to vector<1xi32>
      %squeeze3A_105 = vector.extract %slice3A_104[0] : i32 from vector<1xi32>
      %multiple_of3A_106 = tpu.assume_multiple %squeeze3A_105, 8 : i32
      %dma_start3A_107 = arith.constant 32 : i32
      %dma_start3A_108 = arith.constant 0 : i32
      %dma_start3A_109 = tpu.memref_slice %arg14[%dma_start3A_107, %dma_start3A_108] : memref<128x32xf32, #tpu.memory_space<vmem>> -> memref<8x32xf32, #tpu.memory_space<vmem>>
      %dma_start3A_110 = arith.constant 0 : i32
      %dma_start3A_111 = tpu.memref_slice %arg6[%multiple_of3A_106, %dma_start3A_110] : memref<1000000x32xf32, #tpu.memory_space<hbm>> -> memref<8x32xf32, #tpu.memory_space<hbm>>
      %dma_start3A_112 = arith.constant 32 : i32
      %dma_start3A_113 = arith.constant 0 : i32
      %dma_start3A_114 = tpu.memref_slice %arg14[%dma_start3A_112, %dma_start3A_113] : memref<128x32xf32, #tpu.memory_space<vmem>> -> memref<8x32xf32, #tpu.memory_space<vmem>>
      %dma_start3A_115 = arith.constant 0 : i32
      %dma_start3A_116 = tpu.memref_slice %arg6[%multiple_of3A_106, %dma_start3A_115] : memref<1000000x32xf32, #tpu.memory_space<hbm>> -> memref<8x32xf32, #tpu.memory_space<hbm>>
      tpu.enqueue_dma source(%dma_start3A_116 : memref<8x32xf32, #tpu.memory_space<hbm>>) target(%dma_start3A_114 : memref<8x32xf32, #tpu.memory_space<vmem>>) target_semaphore(%arg20 : memref<!tpu.dma_semaphore, #tpu.memory_space<semaphore_mem>>)
      %slice3A_117 = vector.extract_strided_slice %mul3A_55 {offsets = [5], sizes = [1], strides = [1]} : vector<16xi32> to vector<1xi32>
      %squeeze3A_118 = vector.extract %slice3A_117[0] : i32 from vector<1xi32>
      %multiple_of3A_119 = tpu.assume_multiple %squeeze3A_118, 8 : i32
      %dma_start3A_120 = arith.constant 40 : i32
      %dma_start3A_121 = arith.constant 0 : i32
      %dma_start3A_122 = tpu.memref_slice %arg14[%dma_start3A_120, %dma_start3A_121] : memref<128x32xf32, #tpu.memory_space<vmem>> -> memref<8x32xf32, #tpu.memory_space<vmem>>
      %dma_start3A_123 = arith.constant 0 : i32
      %dma_start3A_124 = tpu.memref_slice %arg6[%multiple_of3A_119, %dma_start3A_123] : memref<1000000x32xf32, #tpu.memory_space<hbm>> -> memref<8x32xf32, #tpu.memory_space<hbm>>
      %dma_start3A_125 = arith.constant 40 : i32
      %dma_start3A_126 = arith.constant 0 : i32
      %dma_start3A_127 = tpu.memref_slice %arg14[%dma_start3A_125, %dma_start3A_126] : memref<128x32xf32, #tpu.memory_space<vmem>> -> memref<8x32xf32, #tpu.memory_space<vmem>>
      %dma_start3A_128 = arith.constant 0 : i32
      %dma_start3A_129 = tpu.memref_slice %arg6[%multiple_of3A_119, %dma_start3A_128] : memref<1000000x32xf32, #tpu.memory_space<hbm>> -> memref<8x32xf32, #tpu.memory_space<hbm>>
      tpu.enqueue_dma source(%dma_start3A_129 : memref<8x32xf32, #tpu.memory_space<hbm>>) target(%dma_start3A_127 : memref<8x32xf32, #tpu.memory_space<vmem>>) target_semaphore(%arg20 : memref<!tpu.dma_semaphore, #tpu.memory_space<semaphore_mem>>)
      %slice3A_130 = vector.extract_strided_slice %mul3A_55 {offsets = [6], sizes = [1], strides = [1]} : vector<16xi32> to vector<1xi32>
      %squeeze3A_131 = vector.extract %slice3A_130[0] : i32 from vector<1xi32>
      %multiple_of3A_132 = tpu.assume_multiple %squeeze3A_131, 8 : i32
      %dma_start3A_133 = arith.constant 48 : i32
      %dma_start3A_134 = arith.constant 0 : i32
      %dma_start3A_135 = tpu.memref_slice %arg14[%dma_start3A_133, %dma_start3A_134] : memref<128x32xf32, #tpu.memory_space<vmem>> -> memref<8x32xf32, #tpu.memory_space<vmem>>
      %dma_start3A_136 = arith.constant 0 : i32
      %dma_start3A_137 = tpu.memref_slice %arg6[%multiple_of3A_132, %dma_start3A_136] : memref<1000000x32xf32, #tpu.memory_space<hbm>> -> memref<8x32xf32, #tpu.memory_space<hbm>>
      %dma_start3A_138 = arith.constant 48 : i32
      %dma_start3A_139 = arith.constant 0 : i32
      %dma_start3A_140 = tpu.memref_slice %arg14[%dma_start3A_138, %dma_start3A_139] : memref<128x32xf32, #tpu.memory_space<vmem>> -> memref<8x32xf32, #tpu.memory_space<vmem>>
      %dma_start3A_141 = arith.constant 0 : i32
      %dma_start3A_142 = tpu.memref_slice %arg6[%multiple_of3A_132, %dma_start3A_141] : memref<1000000x32xf32, #tpu.memory_space<hbm>> -> memref<8x32xf32, #tpu.memory_space<hbm>>
      tpu.enqueue_dma source(%dma_start3A_142 : memref<8x32xf32, #tpu.memory_space<hbm>>) target(%dma_start3A_140 : memref<8x32xf32, #tpu.memory_space<vmem>>) target_semaphore(%arg20 : memref<!tpu.dma_semaphore, #tpu.memory_space<semaphore_mem>>)
      %slice3A_143 = vector.extract_strided_slice %mul3A_55 {offsets = [7], sizes = [1], strides = [1]} : vector<16xi32> to vector<1xi32>
      %squeeze3A_144 = vector.extract %slice3A_143[0] : i32 from vector<1xi32>
      %multiple_of3A_145 = tpu.assume_multiple %squeeze3A_144, 8 : i32
      %dma_start3A_146 = arith.constant 56 : i32
      %dma_start3A_147 = arith.constant 0 : i32
      %dma_start3A_148 = tpu.memref_slice %arg14[%dma_start3A_146, %dma_start3A_147] : memref<128x32xf32, #tpu.memory_space<vmem>> -> memref<8x32xf32, #tpu.memory_space<vmem>>
      %dma_start3A_149 = arith.constant 0 : i32
      %dma_start3A_150 = tpu.memref_slice %arg6[%multiple_of3A_145, %dma_start3A_149] : memref<1000000x32xf32, #tpu.memory_space<hbm>> -> memref<8x32xf32, #tpu.memory_space<hbm>>
      %dma_start3A_151 = arith.constant 56 : i32
      %dma_start3A_152 = arith.constant 0 : i32
      %dma_start3A_153 = tpu.memref_slice %arg14[%dma_start3A_151, %dma_start3A_152] : memref<128x32xf32, #tpu.memory_space<vmem>> -> memref<8x32xf32, #tpu.memory_space<vmem>>
      %dma_start3A_154 = arith.constant 0 : i32
      %dma_start3A_155 = tpu.memref_slice %arg6[%multiple_of3A_145, %dma_start3A_154] : memref<1000000x32xf32, #tpu.memory_space<hbm>> -> memref<8x32xf32, #tpu.memory_space<hbm>>
      tpu.enqueue_dma source(%dma_start3A_155 : memref<8x32xf32, #tpu.memory_space<hbm>>) target(%dma_start3A_153 : memref<8x32xf32, #tpu.memory_space<vmem>>) target_semaphore(%arg20 : memref<!tpu.dma_semaphore, #tpu.memory_space<semaphore_mem>>)
      %slice3A_156 = vector.extract_strided_slice %mul3A_55 {offsets = [8], sizes = [1], strides = [1]} : vector<16xi32> to vector<1xi32>
      %squeeze3A_157 = vector.extract %slice3A_156[0] : i32 from vector<1xi32>
      %multiple_of3A_158 = tpu.assume_multiple %squeeze3A_157, 8 : i32
      %dma_start3A_159 = arith.constant 64 : i32
      %dma_start3A_160 = arith.constant 0 : i32
      %dma_start3A_161 = tpu.memref_slice %arg14[%dma_start3A_159, %dma_start3A_160] : memref<128x32xf32, #tpu.memory_space<vmem>> -> memref<8x32xf32, #tpu.memory_space<vmem>>
      %dma_start3A_162 = arith.constant 0 : i32
      %dma_start3A_163 = tpu.memref_slice %arg6[%multiple_of3A_158, %dma_start3A_162] : memref<1000000x32xf32, #tpu.memory_space<hbm>> -> memref<8x32xf32, #tpu.memory_space<hbm>>
      %dma_start3A_164 = arith.constant 64 : i32
      %dma_start3A_165 = arith.constant 0 : i32
      %dma_start3A_166 = tpu.memref_slice %arg14[%dma_start3A_164, %dma_start3A_165] : memref<128x32xf32, #tpu.memory_space<vmem>> -> memref<8x32xf32, #tpu.memory_space<vmem>>
      %dma_start3A_167 = arith.constant 0 : i32
      %dma_start3A_168 = tpu.memref_slice %arg6[%multiple_of3A_158, %dma_start3A_167] : memref<1000000x32xf32, #tpu.memory_space<hbm>> -> memref<8x32xf32, #tpu.memory_space<hbm>>
      tpu.enqueue_dma source(%dma_start3A_168 : memref<8x32xf32, #tpu.memory_space<hbm>>) target(%dma_start3A_166 : memref<8x32xf32, #tpu.memory_space<vmem>>) target_semaphore(%arg20 : memref<!tpu.dma_semaphore, #tpu.memory_space<semaphore_mem>>)
      %slice3A_169 = vector.extract_strided_slice %mul3A_55 {offsets = [9], sizes = [1], strides = [1]} : vector<16xi32> to vector<1xi32>
      %squeeze3A_170 = vector.extract %slice3A_169[0] : i32 from vector<1xi32>
      %multiple_of3A_171 = tpu.assume_multiple %squeeze3A_170, 8 : i32
      %dma_start3A_172 = arith.constant 72 : i32
      %dma_start3A_173 = arith.constant 0 : i32
      %dma_start3A_174 = tpu.memref_slice %arg14[%dma_start3A_172, %dma_start3A_173] : memref<128x32xf32, #tpu.memory_space<vmem>> -> memref<8x32xf32, #tpu.memory_space<vmem>>
      %dma_start3A_175 = arith.constant 0 : i32
      %dma_start3A_176 = tpu.memref_slice %arg6[%multiple_of3A_171, %dma_start3A_175] : memref<1000000x32xf32, #tpu.memory_space<hbm>> -> memref<8x32xf32, #tpu.memory_space<hbm>>
      %dma_start3A_177 = arith.constant 72 : i32
      %dma_start3A_178 = arith.constant 0 : i32
      %dma_start3A_179 = tpu.memref_slice %arg14[%dma_start3A_177, %dma_start3A_178] : memref<128x32xf32, #tpu.memory_space<vmem>> -> memref<8x32xf32, #tpu.memory_space<vmem>>
      %dma_start3A_180 = arith.constant 0 : i32
      %dma_start3A_181 = tpu.memref_slice %arg6[%multiple_of3A_171, %dma_start3A_180] : memref<1000000x32xf32, #tpu.memory_space<hbm>> -> memref<8x32xf32, #tpu.memory_space<hbm>>
      tpu.enqueue_dma source(%dma_start3A_181 : memref<8x32xf32, #tpu.memory_space<hbm>>) target(%dma_start3A_179 : memref<8x32xf32, #tpu.memory_space<vmem>>) target_semaphore(%arg20 : memref<!tpu.dma_semaphore, #tpu.memory_space<semaphore_mem>>)
      %slice3A_182 = vector.extract_strided_slice %mul3A_55 {offsets = [10], sizes = [1], strides = [1]} : vector<16xi32> to vector<1xi32>
      %squeeze3A_183 = vector.extract %slice3A_182[0] : i32 from vector<1xi32>
      %multiple_of3A_184 = tpu.assume_multiple %squeeze3A_183, 8 : i32
      %dma_start3A_185 = arith.constant 80 : i32
      %dma_start3A_186 = arith.constant 0 : i32
      %dma_start3A_187 = tpu.memref_slice %arg14[%dma_start3A_185, %dma_start3A_186] : memref<128x32xf32, #tpu.memory_space<vmem>> -> memref<8x32xf32, #tpu.memory_space<vmem>>
      %dma_start3A_188 = arith.constant 0 : i32
      %dma_start3A_189 = tpu.memref_slice %arg6[%multiple_of3A_184, %dma_start3A_188] : memref<1000000x32xf32, #tpu.memory_space<hbm>> -> memref<8x32xf32, #tpu.memory_space<hbm>>
      %dma_start3A_190 = arith.constant 80 : i32
      %dma_start3A_191 = arith.constant 0 : i32
      %dma_start3A_192 = tpu.memref_slice %arg14[%dma_start3A_190, %dma_start3A_191] : memref<128x32xf32, #tpu.memory_space<vmem>> -> memref<8x32xf32, #tpu.memory_space<vmem>>
      %dma_start3A_193 = arith.constant 0 : i32
      %dma_start3A_194 = tpu.memref_slice %arg6[%multiple_of3A_184, %dma_start3A_193] : memref<1000000x32xf32, #tpu.memory_space<hbm>> -> memref<8x32xf32, #tpu.memory_space<hbm>>
      tpu.enqueue_dma source(%dma_start3A_194 : memref<8x32xf32, #tpu.memory_space<hbm>>) target(%dma_start3A_192 : memref<8x32xf32, #tpu.memory_space<vmem>>) target_semaphore(%arg20 : memref<!tpu.dma_semaphore, #tpu.memory_space<semaphore_mem>>)
      %slice3A_195 = vector.extract_strided_slice %mul3A_55 {offsets = [11], sizes = [1], strides = [1]} : vector<16xi32> to vector<1xi32>
      %squeeze3A_196 = vector.extract %slice3A_195[0] : i32 from vector<1xi32>
      %multiple_of3A_197 = tpu.assume_multiple %squeeze3A_196, 8 : i32
      %dma_start3A_198 = arith.constant 88 : i32
      %dma_start3A_199 = arith.constant 0 : i32
      %dma_start3A_200 = tpu.memref_slice %arg14[%dma_start3A_198, %dma_start3A_199] : memref<128x32xf32, #tpu.memory_space<vmem>> -> memref<8x32xf32, #tpu.memory_space<vmem>>
      %dma_start3A_201 = arith.constant 0 : i32
      %dma_start3A_202 = tpu.memref_slice %arg6[%multiple_of3A_197, %dma_start3A_201] : memref<1000000x32xf32, #tpu.memory_space<hbm>> -> memref<8x32xf32, #tpu.memory_space<hbm>>
      %dma_start3A_203 = arith.constant 88 : i32
      %dma_start3A_204 = arith.constant 0 : i32
      %dma_start3A_205 = tpu.memref_slice %arg14[%dma_start3A_203, %dma_start3A_204] : memref<128x32xf32, #tpu.memory_space<vmem>> -> memref<8x32xf32, #tpu.memory_space<vmem>>
      %dma_start3A_206 = arith.constant 0 : i32
      %dma_start3A_207 = tpu.memref_slice %arg6[%multiple_of3A_197, %dma_start3A_206] : memref<1000000x32xf32, #tpu.memory_space<hbm>> -> memref<8x32xf32, #tpu.memory_space<hbm>>
      tpu.enqueue_dma source(%dma_start3A_207 : memref<8x32xf32, #tpu.memory_space<hbm>>) target(%dma_start3A_205 : memref<8x32xf32, #tpu.memory_space<vmem>>) target_semaphore(%arg20 : memref<!tpu.dma_semaphore, #tpu.memory_space<semaphore_mem>>)
      %slice3A_208 = vector.extract_strided_slice %mul3A_55 {offsets = [12], sizes = [1], strides = [1]} : vector<16xi32> to vector<1xi32>
      %squeeze3A_209 = vector.extract %slice3A_208[0] : i32 from vector<1xi32>
      %multiple_of3A_210 = tpu.assume_multiple %squeeze3A_209, 8 : i32
      %dma_start3A_211 = arith.constant 96 : i32
      %dma_start3A_212 = arith.constant 0 : i32
      %dma_start3A_213 = tpu.memref_slice %arg14[%dma_start3A_211, %dma_start3A_212] : memref<128x32xf32, #tpu.memory_space<vmem>> -> memref<8x32xf32, #tpu.memory_space<vmem>>
      %dma_start3A_214 = arith.constant 0 : i32
      %dma_start3A_215 = tpu.memref_slice %arg6[%multiple_of3A_210, %dma_start3A_214] : memref<1000000x32xf32, #tpu.memory_space<hbm>> -> memref<8x32xf32, #tpu.memory_space<hbm>>
      %dma_start3A_216 = arith.constant 96 : i32
      %dma_start3A_217 = arith.constant 0 : i32
      %dma_start3A_218 = tpu.memref_slice %arg14[%dma_start3A_216, %dma_start3A_217] : memref<128x32xf32, #tpu.memory_space<vmem>> -> memref<8x32xf32, #tpu.memory_space<vmem>>
      %dma_start3A_219 = arith.constant 0 : i32
      %dma_start3A_220 = tpu.memref_slice %arg6[%multiple_of3A_210, %dma_start3A_219] : memref<1000000x32xf32, #tpu.memory_space<hbm>> -> memref<8x32xf32, #tpu.memory_space<hbm>>
      tpu.enqueue_dma source(%dma_start3A_220 : memref<8x32xf32, #tpu.memory_space<hbm>>) target(%dma_start3A_218 : memref<8x32xf32, #tpu.memory_space<vmem>>) target_semaphore(%arg20 : memref<!tpu.dma_semaphore, #tpu.memory_space<semaphore_mem>>)
      %slice3A_221 = vector.extract_strided_slice %mul3A_55 {offsets = [13], sizes = [1], strides = [1]} : vector<16xi32> to vector<1xi32>
      %squeeze3A_222 = vector.extract %slice3A_221[0] : i32 from vector<1xi32>
      %multiple_of3A_223 = tpu.assume_multiple %squeeze3A_222, 8 : i32
      %dma_start3A_224 = arith.constant 104 : i32
      %dma_start3A_225 = arith.constant 0 : i32
      %dma_start3A_226 = tpu.memref_slice %arg14[%dma_start3A_224, %dma_start3A_225] : memref<128x32xf32, #tpu.memory_space<vmem>> -> memref<8x32xf32, #tpu.memory_space<vmem>>
      %dma_start3A_227 = arith.constant 0 : i32
      %dma_start3A_228 = tpu.memref_slice %arg6[%multiple_of3A_223, %dma_start3A_227] : memref<1000000x32xf32, #tpu.memory_space<hbm>> -> memref<8x32xf32, #tpu.memory_space<hbm>>
      %dma_start3A_229 = arith.constant 104 : i32
      %dma_start3A_230 = arith.constant 0 : i32
      %dma_start3A_231 = tpu.memref_slice %arg14[%dma_start3A_229, %dma_start3A_230] : memref<128x32xf32, #tpu.memory_space<vmem>> -> memref<8x32xf32, #tpu.memory_space<vmem>>
      %dma_start3A_232 = arith.constant 0 : i32
      %dma_start3A_233 = tpu.memref_slice %arg6[%multiple_of3A_223, %dma_start3A_232] : memref<1000000x32xf32, #tpu.memory_space<hbm>> -> memref<8x32xf32, #tpu.memory_space<hbm>>
      tpu.enqueue_dma source(%dma_start3A_233 : memref<8x32xf32, #tpu.memory_space<hbm>>) target(%dma_start3A_231 : memref<8x32xf32, #tpu.memory_space<vmem>>) target_semaphore(%arg20 : memref<!tpu.dma_semaphore, #tpu.memory_space<semaphore_mem>>)
      %slice3A_234 = vector.extract_strided_slice %mul3A_55 {offsets = [14], sizes = [1], strides = [1]} : vector<16xi32> to vector<1xi32>
      %squeeze3A_235 = vector.extract %slice3A_234[0] : i32 from vector<1xi32>
      %multiple_of3A_236 = tpu.assume_multiple %squeeze3A_235, 8 : i32
      %dma_start3A_237 = arith.constant 112 : i32
      %dma_start3A_238 = arith.constant 0 : i32
      %dma_start3A_239 = tpu.memref_slice %arg14[%dma_start3A_237, %dma_start3A_238] : memref<128x32xf32, #tpu.memory_space<vmem>> -> memref<8x32xf32, #tpu.memory_space<vmem>>
      %dma_start3A_240 = arith.constant 0 : i32
      %dma_start3A_241 = tpu.memref_slice %arg6[%multiple_of3A_236, %dma_start3A_240] : memref<1000000x32xf32, #tpu.memory_space<hbm>> -> memref<8x32xf32, #tpu.memory_space<hbm>>
      %dma_start3A_242 = arith.constant 112 : i32
      %dma_start3A_243 = arith.constant 0 : i32
      %dma_start3A_244 = tpu.memref_slice %arg14[%dma_start3A_242, %dma_start3A_243] : memref<128x32xf32, #tpu.memory_space<vmem>> -> memref<8x32xf32, #tpu.memory_space<vmem>>
      %dma_start3A_245 = arith.constant 0 : i32
      %dma_start3A_246 = tpu.memref_slice %arg6[%multiple_of3A_236, %dma_start3A_245] : memref<1000000x32xf32, #tpu.memory_space<hbm>> -> memref<8x32xf32, #tpu.memory_space<hbm>>
      tpu.enqueue_dma source(%dma_start3A_246 : memref<8x32xf32, #tpu.memory_space<hbm>>) target(%dma_start3A_244 : memref<8x32xf32, #tpu.memory_space<vmem>>) target_semaphore(%arg20 : memref<!tpu.dma_semaphore, #tpu.memory_space<semaphore_mem>>)
      %slice3A_247 = vector.extract_strided_slice %mul3A_55 {offsets = [15], sizes = [1], strides = [1]} : vector<16xi32> to vector<1xi32>
      %squeeze3A_248 = vector.extract %slice3A_247[0] : i32 from vector<1xi32>
      %multiple_of3A_249 = tpu.assume_multiple %squeeze3A_248, 8 : i32
      %dma_start3A_250 = arith.constant 120 : i32
      %dma_start3A_251 = arith.constant 0 : i32
      %dma_start3A_252 = tpu.memref_slice %arg14[%dma_start3A_250, %dma_start3A_251] : memref<128x32xf32, #tpu.memory_space<vmem>> -> memref<8x32xf32, #tpu.memory_space<vmem>>
      %dma_start3A_253 = arith.constant 0 : i32
      %dma_start3A_254 = tpu.memref_slice %arg6[%multiple_of3A_249, %dma_start3A_253] : memref<1000000x32xf32, #tpu.memory_space<hbm>> -> memref<8x32xf32, #tpu.memory_space<hbm>>
      %dma_start3A_255 = arith.constant 120 : i32
      %dma_start3A_256 = arith.constant 0 : i32
      %dma_start3A_257 = tpu.memref_slice %arg14[%dma_start3A_255, %dma_start3A_256] : memref<128x32xf32, #tpu.memory_space<vmem>> -> memref<8x32xf32, #tpu.memory_space<vmem>>
      %dma_start3A_258 = arith.constant 0 : i32
      %dma_start3A_259 = tpu.memref_slice %arg6[%multiple_of3A_249, %dma_start3A_258] : memref<1000000x32xf32, #tpu.memory_space<hbm>> -> memref<8x32xf32, #tpu.memory_space<hbm>>
      tpu.enqueue_dma source(%dma_start3A_259 : memref<8x32xf32, #tpu.memory_space<hbm>>) target(%dma_start3A_257 : memref<8x32xf32, #tpu.memory_space<vmem>>) target_semaphore(%arg20 : memref<!tpu.dma_semaphore, #tpu.memory_space<semaphore_mem>>)
      %get3A_260 = arith.index_cast %select_n3A : i32 to index
      %get3A_261 = arith.index_cast %mul3A_48 : i32 to index
      %get3A_262 = tpu.vector_load %arg11[%get3A_260, %get3A_261] {strides = array<i32>} : memref<4x128xi32, #tpu.memory_space<vmem>>, vector<16xi32>,
      %shift_right_arithmetic3A_263 = arith.constant 3 : i32
      %shift_right_arithmetic3A_264 = vector.broadcast %shift_right_arithmetic3A_263 : i32 to vector<16xi32>
      %shift_right_arithmetic3A_265 = arith.shrsi %get3A_262, %shift_right_arithmetic3A_264 : vector<16xi32>
      %mul3A_266 = arith.constant 8 : i32
      %mul3A_267 = vector.broadcast %mul3A_266 : i32 to vector<16xi32>
      %mul3A_268 = arith.muli %shift_right_arithmetic3A_265, %mul3A_267 : vector<16xi32>
      %slice3A_269 = vector.extract_strided_slice %mul3A_268 {offsets = [0], sizes = [1], strides = [1]} : vector<16xi32> to vector<1xi32>
      %squeeze3A_270 = vector.extract %slice3A_269[0] : i32 from vector<1xi32>
      %multiple_of3A_271 = tpu.assume_multiple %squeeze3A_270, 8 : i32
      %dma_start3A_272 = arith.constant 0 : i32
      %dma_start3A_273 = arith.constant 0 : i32
      %dma_start3A_274 = tpu.memref_slice %arg15[%dma_start3A_272, %dma_start3A_273] : memref<128x32xf32, #tpu.memory_space<vmem>> -> memref<8x32xf32, #tpu.memory_space<vmem>>
      %dma_start3A_275 = arith.constant 0 : i32
      %dma_start3A_276 = tpu.memref_slice %arg7[%multiple_of3A_271, %dma_start3A_275] : memref<1000000x32xf32, #tpu.memory_space<hbm>> -> memref<8x32xf32, #tpu.memory_space<hbm>>
      %dma_start3A_277 = arith.constant 0 : i32
      %dma_start3A_278 = arith.constant 0 : i32
      %dma_start3A_279 = tpu.memref_slice %arg15[%dma_start3A_277, %dma_start3A_278] : memref<128x32xf32, #tpu.memory_space<vmem>> -> memref<8x32xf32, #tpu.memory_space<vmem>>
      %dma_start3A_280 = arith.constant 0 : i32
      %dma_start3A_281 = tpu.memref_slice %arg7[%multiple_of3A_271, %dma_start3A_280] : memref<1000000x32xf32, #tpu.memory_space<hbm>> -> memref<8x32xf32, #tpu.memory_space<hbm>>
      tpu.enqueue_dma source(%dma_start3A_281 : memref<8x32xf32, #tpu.memory_space<hbm>>) target(%dma_start3A_279 : memref<8x32xf32, #tpu.memory_space<vmem>>) target_semaphore(%arg20 : memref<!tpu.dma_semaphore, #tpu.memory_space<semaphore_mem>>)
      %slice3A_282 = vector.extract_strided_slice %mul3A_268 {offsets = [1], sizes = [1], strides = [1]} : vector<16xi32> to vector<1xi32>
      %squeeze3A_283 = vector.extract %slice3A_282[0] : i32 from vector<1xi32>
      %multiple_of3A_284 = tpu.assume_multiple %squeeze3A_283, 8 : i32
      %dma_start3A_285 = arith.constant 8 : i32
      %dma_start3A_286 = arith.constant 0 : i32
      %dma_start3A_287 = tpu.memref_slice %arg15[%dma_start3A_285, %dma_start3A_286] : memref<128x32xf32, #tpu.memory_space<vmem>> -> memref<8x32xf32, #tpu.memory_space<vmem>>
      %dma_start3A_288 = arith.constant 0 : i32
      %dma_start3A_289 = tpu.memref_slice %arg7[%multiple_of3A_284, %dma_start3A_288] : memref<1000000x32xf32, #tpu.memory_space<hbm>> -> memref<8x32xf32, #tpu.memory_space<hbm>>
      %dma_start3A_290 = arith.constant 8 : i32
      %dma_start3A_291 = arith.constant 0 : i32
      %dma_start3A_292 = tpu.memref_slice %arg15[%dma_start3A_290, %dma_start3A_291] : memref<128x32xf32, #tpu.memory_space<vmem>> -> memref<8x32xf32, #tpu.memory_space<vmem>>
      %dma_start3A_293 = arith.constant 0 : i32
      %dma_start3A_294 = tpu.memref_slice %arg7[%multiple_of3A_284, %dma_start3A_293] : memref<1000000x32xf32, #tpu.memory_space<hbm>> -> memref<8x32xf32, #tpu.memory_space<hbm>>
      tpu.enqueue_dma source(%dma_start3A_294 : memref<8x32xf32, #tpu.memory_space<hbm>>) target(%dma_start3A_292 : memref<8x32xf32, #tpu.memory_space<vmem>>) target_semaphore(%arg20 : memref<!tpu.dma_semaphore, #tpu.memory_space<semaphore_mem>>)
      %slice3A_295 = vector.extract_strided_slice %mul3A_268 {offsets = [2], sizes = [1], strides = [1]} : vector<16xi32> to vector<1xi32>
      %squeeze3A_296 = vector.extract %slice3A_295[0] : i32 from vector<1xi32>
      %multiple_of3A_297 = tpu.assume_multiple %squeeze3A_296, 8 : i32
      %dma_start3A_298 = arith.constant 16 : i32
      %dma_start3A_299 = arith.constant 0 : i32
      %dma_start3A_300 = tpu.memref_slice %arg15[%dma_start3A_298, %dma_start3A_299] : memref<128x32xf32, #tpu.memory_space<vmem>> -> memref<8x32xf32, #tpu.memory_space<vmem>>
      %dma_start3A_301 = arith.constant 0 : i32
      %dma_start3A_302 = tpu.memref_slice %arg7[%multiple_of3A_297, %dma_start3A_301] : memref<1000000x32xf32, #tpu.memory_space<hbm>> -> memref<8x32xf32, #tpu.memory_space<hbm>>
      %dma_start3A_303 = arith.constant 16 : i32
      %dma_start3A_304 = arith.constant 0 : i32
      %dma_start3A_305 = tpu.memref_slice %arg15[%dma_start3A_303, %dma_start3A_304] : memref<128x32xf32, #tpu.memory_space<vmem>> -> memref<8x32xf32, #tpu.memory_space<vmem>>
      %dma_start3A_306 = arith.constant 0 : i32
      %dma_start3A_307 = tpu.memref_slice %arg7[%multiple_of3A_297, %dma_start3A_306] : memref<1000000x32xf32, #tpu.memory_space<hbm>> -> memref<8x32xf32, #tpu.memory_space<hbm>>
      tpu.enqueue_dma source(%dma_start3A_307 : memref<8x32xf32, #tpu.memory_space<hbm>>) target(%dma_start3A_305 : memref<8x32xf32, #tpu.memory_space<vmem>>) target_semaphore(%arg20 : memref<!tpu.dma_semaphore, #tpu.memory_space<semaphore_mem>>)
      %slice3A_308 = vector.extract_strided_slice %mul3A_268 {offsets = [3], sizes = [1], strides = [1]} : vector<16xi32> to vector<1xi32>
      %squeeze3A_309 = vector.extract %slice3A_308[0] : i32 from vector<1xi32>
      %multiple_of3A_310 = tpu.assume_multiple %squeeze3A_309, 8 : i32
      %dma_start3A_311 = arith.constant 24 : i32
      %dma_start3A_312 = arith.constant 0 : i32
      %dma_start3A_313 = tpu.memref_slice %arg15[%dma_start3A_311, %dma_start3A_312] : memref<128x32xf32, #tpu.memory_space<vmem>> -> memref<8x32xf32, #tpu.memory_space<vmem>>
      %dma_start3A_314 = arith.constant 0 : i32
      %dma_start3A_315 = tpu.memref_slice %arg7[%multiple_of3A_310, %dma_start3A_314] : memref<1000000x32xf32, #tpu.memory_space<hbm>> -> memref<8x32xf32, #tpu.memory_space<hbm>>
      %dma_start3A_316 = arith.constant 24 : i32
      %dma_start3A_317 = arith.constant 0 : i32
      %dma_start3A_318 = tpu.memref_slice %arg15[%dma_start3A_316, %dma_start3A_317] : memref<128x32xf32, #tpu.memory_space<vmem>> -> memref<8x32xf32, #tpu.memory_space<vmem>>
      %dma_start3A_319 = arith.constant 0 : i32
      %dma_start3A_320 = tpu.memref_slice %arg7[%multiple_of3A_310, %dma_start3A_319] : memref<1000000x32xf32, #tpu.memory_space<hbm>> -> memref<8x32xf32, #tpu.memory_space<hbm>>
      tpu.enqueue_dma source(%dma_start3A_320 : memref<8x32xf32, #tpu.memory_space<hbm>>) target(%dma_start3A_318 : memref<8x32xf32, #tpu.memory_space<vmem>>) target_semaphore(%arg20 : memref<!tpu.dma_semaphore, #tpu.memory_space<semaphore_mem>>)
      %slice3A_321 = vector.extract_strided_slice %mul3A_268 {offsets = [4], sizes = [1], strides = [1]} : vector<16xi32> to vector<1xi32>
      %squeeze3A_322 = vector.extract %slice3A_321[0] : i32 from vector<1xi32>
      %multiple_of3A_323 = tpu.assume_multiple %squeeze3A_322, 8 : i32
      %dma_start3A_324 = arith.constant 32 : i32
      %dma_start3A_325 = arith.constant 0 : i32
      %dma_start3A_326 = tpu.memref_slice %arg15[%dma_start3A_324, %dma_start3A_325] : memref<128x32xf32, #tpu.memory_space<vmem>> -> memref<8x32xf32, #tpu.memory_space<vmem>>
      %dma_start3A_327 = arith.constant 0 : i32
      %dma_start3A_328 = tpu.memref_slice %arg7[%multiple_of3A_323, %dma_start3A_327] : memref<1000000x32xf32, #tpu.memory_space<hbm>> -> memref<8x32xf32, #tpu.memory_space<hbm>>
      %dma_start3A_329 = arith.constant 32 : i32
      %dma_start3A_330 = arith.constant 0 : i32
      %dma_start3A_331 = tpu.memref_slice %arg15[%dma_start3A_329, %dma_start3A_330] : memref<128x32xf32, #tpu.memory_space<vmem>> -> memref<8x32xf32, #tpu.memory_space<vmem>>
      %dma_start3A_332 = arith.constant 0 : i32
      %dma_start3A_333 = tpu.memref_slice %arg7[%multiple_of3A_323, %dma_start3A_332] : memref<1000000x32xf32, #tpu.memory_space<hbm>> -> memref<8x32xf32, #tpu.memory_space<hbm>>
      tpu.enqueue_dma source(%dma_start3A_333 : memref<8x32xf32, #tpu.memory_space<hbm>>) target(%dma_start3A_331 : memref<8x32xf32, #tpu.memory_space<vmem>>) target_semaphore(%arg20 : memref<!tpu.dma_semaphore, #tpu.memory_space<semaphore_mem>>)
      %slice3A_334 = vector.extract_strided_slice %mul3A_268 {offsets = [5], sizes = [1], strides = [1]} : vector<16xi32> to vector<1xi32>
      %squeeze3A_335 = vector.extract %slice3A_334[0] : i32 from vector<1xi32>
      %multiple_of3A_336 = tpu.assume_multiple %squeeze3A_335, 8 : i32
      %dma_start3A_337 = arith.constant 40 : i32
      %dma_start3A_338 = arith.constant 0 : i32
      %dma_start3A_339 = tpu.memref_slice %arg15[%dma_start3A_337, %dma_start3A_338] : memref<128x32xf32, #tpu.memory_space<vmem>> -> memref<8x32xf32, #tpu.memory_space<vmem>>
      %dma_start3A_340 = arith.constant 0 : i32
      %dma_start3A_341 = tpu.memref_slice %arg7[%multiple_of3A_336, %dma_start3A_340] : memref<1000000x32xf32, #tpu.memory_space<hbm>> -> memref<8x32xf32, #tpu.memory_space<hbm>>
      %dma_start3A_342 = arith.constant 40 : i32
      %dma_start3A_343 = arith.constant 0 : i32
      %dma_start3A_344 = tpu.memref_slice %arg15[%dma_start3A_342, %dma_start3A_343] : memref<128x32xf32, #tpu.memory_space<vmem>> -> memref<8x32xf32, #tpu.memory_space<vmem>>
      %dma_start3A_345 = arith.constant 0 : i32
      %dma_start3A_346 = tpu.memref_slice %arg7[%multiple_of3A_336, %dma_start3A_345] : memref<1000000x32xf32, #tpu.memory_space<hbm>> -> memref<8x32xf32, #tpu.memory_space<hbm>>
      tpu.enqueue_dma source(%dma_start3A_346 : memref<8x32xf32, #tpu.memory_space<hbm>>) target(%dma_start3A_344 : memref<8x32xf32, #tpu.memory_space<vmem>>) target_semaphore(%arg20 : memref<!tpu.dma_semaphore, #tpu.memory_space<semaphore_mem>>)
      %slice3A_347 = vector.extract_strided_slice %mul3A_268 {offsets = [6], sizes = [1], strides = [1]} : vector<16xi32> to vector<1xi32>
      %squeeze3A_348 = vector.extract %slice3A_347[0] : i32 from vector<1xi32>
      %multiple_of3A_349 = tpu.assume_multiple %squeeze3A_348, 8 : i32
      %dma_start3A_350 = arith.constant 48 : i32
      %dma_start3A_351 = arith.constant 0 : i32
      %dma_start3A_352 = tpu.memref_slice %arg15[%dma_start3A_350, %dma_start3A_351] : memref<128x32xf32, #tpu.memory_space<vmem>> -> memref<8x32xf32, #tpu.memory_space<vmem>>
      %dma_start3A_353 = arith.constant 0 : i32
      %dma_start3A_354 = tpu.memref_slice %arg7[%multiple_of3A_349, %dma_start3A_353] : memref<1000000x32xf32, #tpu.memory_space<hbm>> -> memref<8x32xf32, #tpu.memory_space<hbm>>
      %dma_start3A_355 = arith.constant 48 : i32
      %dma_start3A_356 = arith.constant 0 : i32
      %dma_start3A_357 = tpu.memref_slice %arg15[%dma_start3A_355, %dma_start3A_356] : memref<128x32xf32, #tpu.memory_space<vmem>> -> memref<8x32xf32, #tpu.memory_space<vmem>>
      %dma_start3A_358 = arith.constant 0 : i32
      %dma_start3A_359 = tpu.memref_slice %arg7[%multiple_of3A_349, %dma_start3A_358] : memref<1000000x32xf32, #tpu.memory_space<hbm>> -> memref<8x32xf32, #tpu.memory_space<hbm>>
      tpu.enqueue_dma source(%dma_start3A_359 : memref<8x32xf32, #tpu.memory_space<hbm>>) target(%dma_start3A_357 : memref<8x32xf32, #tpu.memory_space<vmem>>) target_semaphore(%arg20 : memref<!tpu.dma_semaphore, #tpu.memory_space<semaphore_mem>>)
      %slice3A_360 = vector.extract_strided_slice %mul3A_268 {offsets = [7], sizes = [1], strides = [1]} : vector<16xi32> to vector<1xi32>
      %squeeze3A_361 = vector.extract %slice3A_360[0] : i32 from vector<1xi32>
      %multiple_of3A_362 = tpu.assume_multiple %squeeze3A_361, 8 : i32
      %dma_start3A_363 = arith.constant 56 : i32
      %dma_start3A_364 = arith.constant 0 : i32
      %dma_start3A_365 = tpu.memref_slice %arg15[%dma_start3A_363, %dma_start3A_364] : memref<128x32xf32, #tpu.memory_space<vmem>> -> memref<8x32xf32, #tpu.memory_space<vmem>>
      %dma_start3A_366 = arith.constant 0 : i32
      %dma_start3A_367 = tpu.memref_slice %arg7[%multiple_of3A_362, %dma_start3A_366] : memref<1000000x32xf32, #tpu.memory_space<hbm>> -> memref<8x32xf32, #tpu.memory_space<hbm>>
      %dma_start3A_368 = arith.constant 56 : i32
      %dma_start3A_369 = arith.constant 0 : i32
      %dma_start3A_370 = tpu.memref_slice %arg15[%dma_start3A_368, %dma_start3A_369] : memref<128x32xf32, #tpu.memory_space<vmem>> -> memref<8x32xf32, #tpu.memory_space<vmem>>
      %dma_start3A_371 = arith.constant 0 : i32
      %dma_start3A_372 = tpu.memref_slice %arg7[%multiple_of3A_362, %dma_start3A_371] : memref<1000000x32xf32, #tpu.memory_space<hbm>> -> memref<8x32xf32, #tpu.memory_space<hbm>>
      tpu.enqueue_dma source(%dma_start3A_372 : memref<8x32xf32, #tpu.memory_space<hbm>>) target(%dma_start3A_370 : memref<8x32xf32, #tpu.memory_space<vmem>>) target_semaphore(%arg20 : memref<!tpu.dma_semaphore, #tpu.memory_space<semaphore_mem>>)
      %slice3A_373 = vector.extract_strided_slice %mul3A_268 {offsets = [8], sizes = [1], strides = [1]} : vector<16xi32> to vector<1xi32>
      %squeeze3A_374 = vector.extract %slice3A_373[0] : i32 from vector<1xi32>
      %multiple_of3A_375 = tpu.assume_multiple %squeeze3A_374, 8 : i32
      %dma_start3A_376 = arith.constant 64 : i32
      %dma_start3A_377 = arith.constant 0 : i32
      %dma_start3A_378 = tpu.memref_slice %arg15[%dma_start3A_376, %dma_start3A_377] : memref<128x32xf32, #tpu.memory_space<vmem>> -> memref<8x32xf32, #tpu.memory_space<vmem>>
      %dma_start3A_379 = arith.constant 0 : i32
      %dma_start3A_380 = tpu.memref_slice %arg7[%multiple_of3A_375, %dma_start3A_379] : memref<1000000x32xf32, #tpu.memory_space<hbm>> -> memref<8x32xf32, #tpu.memory_space<hbm>>
      %dma_start3A_381 = arith.constant 64 : i32
      %dma_start3A_382 = arith.constant 0 : i32
      %dma_start3A_383 = tpu.memref_slice %arg15[%dma_start3A_381, %dma_start3A_382] : memref<128x32xf32, #tpu.memory_space<vmem>> -> memref<8x32xf32, #tpu.memory_space<vmem>>
      %dma_start3A_384 = arith.constant 0 : i32
      %dma_start3A_385 = tpu.memref_slice %arg7[%multiple_of3A_375, %dma_start3A_384] : memref<1000000x32xf32, #tpu.memory_space<hbm>> -> memref<8x32xf32, #tpu.memory_space<hbm>>
      tpu.enqueue_dma source(%dma_start3A_385 : memref<8x32xf32, #tpu.memory_space<hbm>>) target(%dma_start3A_383 : memref<8x32xf32, #tpu.memory_space<vmem>>) target_semaphore(%arg20 : memref<!tpu.dma_semaphore, #tpu.memory_space<semaphore_mem>>)
      %slice3A_386 = vector.extract_strided_slice %mul3A_268 {offsets = [9], sizes = [1], strides = [1]} : vector<16xi32> to vector<1xi32>
      %squeeze3A_387 = vector.extract %slice3A_386[0] : i32 from vector<1xi32>
      %multiple_of3A_388 = tpu.assume_multiple %squeeze3A_387, 8 : i32
      %dma_start3A_389 = arith.constant 72 : i32
      %dma_start3A_390 = arith.constant 0 : i32
      %dma_start3A_391 = tpu.memref_slice %arg15[%dma_start3A_389, %dma_start3A_390] : memref<128x32xf32, #tpu.memory_space<vmem>> -> memref<8x32xf32, #tpu.memory_space<vmem>>
      %dma_start3A_392 = arith.constant 0 : i32
      %dma_start3A_393 = tpu.memref_slice %arg7[%multiple_of3A_388, %dma_start3A_392] : memref<1000000x32xf32, #tpu.memory_space<hbm>> -> memref<8x32xf32, #tpu.memory_space<hbm>>
      %dma_start3A_394 = arith.constant 72 : i32
      %dma_start3A_395 = arith.constant 0 : i32
      %dma_start3A_396 = tpu.memref_slice %arg15[%dma_start3A_394, %dma_start3A_395] : memref<128x32xf32, #tpu.memory_space<vmem>> -> memref<8x32xf32, #tpu.memory_space<vmem>>
      %dma_start3A_397 = arith.constant 0 : i32
      %dma_start3A_398 = tpu.memref_slice %arg7[%multiple_of3A_388, %dma_start3A_397] : memref<1000000x32xf32, #tpu.memory_space<hbm>> -> memref<8x32xf32, #tpu.memory_space<hbm>>
      tpu.enqueue_dma source(%dma_start3A_398 : memref<8x32xf32, #tpu.memory_space<hbm>>) target(%dma_start3A_396 : memref<8x32xf32, #tpu.memory_space<vmem>>) target_semaphore(%arg20 : memref<!tpu.dma_semaphore, #tpu.memory_space<semaphore_mem>>)
      %slice3A_399 = vector.extract_strided_slice %mul3A_268 {offsets = [10], sizes = [1], strides = [1]} : vector<16xi32> to vector<1xi32>
      %squeeze3A_400 = vector.extract %slice3A_399[0] : i32 from vector<1xi32>
      %multiple_of3A_401 = tpu.assume_multiple %squeeze3A_400, 8 : i32
      %dma_start3A_402 = arith.constant 80 : i32
      %dma_start3A_403 = arith.constant 0 : i32
      %dma_start3A_404 = tpu.memref_slice %arg15[%dma_start3A_402, %dma_start3A_403] : memref<128x32xf32, #tpu.memory_space<vmem>> -> memref<8x32xf32, #tpu.memory_space<vmem>>
      %dma_start3A_405 = arith.constant 0 : i32
      %dma_start3A_406 = tpu.memref_slice %arg7[%multiple_of3A_401, %dma_start3A_405] : memref<1000000x32xf32, #tpu.memory_space<hbm>> -> memref<8x32xf32, #tpu.memory_space<hbm>>
      %dma_start3A_407 = arith.constant 80 : i32
      %dma_start3A_408 = arith.constant 0 : i32
      %dma_start3A_409 = tpu.memref_slice %arg15[%dma_start3A_407, %dma_start3A_408] : memref<128x32xf32, #tpu.memory_space<vmem>> -> memref<8x32xf32, #tpu.memory_space<vmem>>
      %dma_start3A_410 = arith.constant 0 : i32
      %dma_start3A_411 = tpu.memref_slice %arg7[%multiple_of3A_401, %dma_start3A_410] : memref<1000000x32xf32, #tpu.memory_space<hbm>> -> memref<8x32xf32, #tpu.memory_space<hbm>>
      tpu.enqueue_dma source(%dma_start3A_411 : memref<8x32xf32, #tpu.memory_space<hbm>>) target(%dma_start3A_409 : memref<8x32xf32, #tpu.memory_space<vmem>>) target_semaphore(%arg20 : memref<!tpu.dma_semaphore, #tpu.memory_space<semaphore_mem>>)
      %slice3A_412 = vector.extract_strided_slice %mul3A_268 {offsets = [11], sizes = [1], strides = [1]} : vector<16xi32> to vector<1xi32>
      %squeeze3A_413 = vector.extract %slice3A_412[0] : i32 from vector<1xi32>
      %multiple_of3A_414 = tpu.assume_multiple %squeeze3A_413, 8 : i32
      %dma_start3A_415 = arith.constant 88 : i32
      %dma_start3A_416 = arith.constant 0 : i32
      %dma_start3A_417 = tpu.memref_slice %arg15[%dma_start3A_415, %dma_start3A_416] : memref<128x32xf32, #tpu.memory_space<vmem>> -> memref<8x32xf32, #tpu.memory_space<vmem>>
      %dma_start3A_418 = arith.constant 0 : i32
      %dma_start3A_419 = tpu.memref_slice %arg7[%multiple_of3A_414, %dma_start3A_418] : memref<1000000x32xf32, #tpu.memory_space<hbm>> -> memref<8x32xf32, #tpu.memory_space<hbm>>
      %dma_start3A_420 = arith.constant 88 : i32
      %dma_start3A_421 = arith.constant 0 : i32
      %dma_start3A_422 = tpu.memref_slice %arg15[%dma_start3A_420, %dma_start3A_421] : memref<128x32xf32, #tpu.memory_space<vmem>> -> memref<8x32xf32, #tpu.memory_space<vmem>>
      %dma_start3A_423 = arith.constant 0 : i32
      %dma_start3A_424 = tpu.memref_slice %arg7[%multiple_of3A_414, %dma_start3A_423] : memref<1000000x32xf32, #tpu.memory_space<hbm>> -> memref<8x32xf32, #tpu.memory_space<hbm>>
      tpu.enqueue_dma source(%dma_start3A_424 : memref<8x32xf32, #tpu.memory_space<hbm>>) target(%dma_start3A_422 : memref<8x32xf32, #tpu.memory_space<vmem>>) target_semaphore(%arg20 : memref<!tpu.dma_semaphore, #tpu.memory_space<semaphore_mem>>)
      %slice3A_425 = vector.extract_strided_slice %mul3A_268 {offsets = [12], sizes = [1], strides = [1]} : vector<16xi32> to vector<1xi32>
      %squeeze3A_426 = vector.extract %slice3A_425[0] : i32 from vector<1xi32>
      %multiple_of3A_427 = tpu.assume_multiple %squeeze3A_426, 8 : i32
      %dma_start3A_428 = arith.constant 96 : i32
      %dma_start3A_429 = arith.constant 0 : i32
      %dma_start3A_430 = tpu.memref_slice %arg15[%dma_start3A_428, %dma_start3A_429] : memref<128x32xf32, #tpu.memory_space<vmem>> -> memref<8x32xf32, #tpu.memory_space<vmem>>
      %dma_start3A_431 = arith.constant 0 : i32
      %dma_start3A_432 = tpu.memref_slice %arg7[%multiple_of3A_427, %dma_start3A_431] : memref<1000000x32xf32, #tpu.memory_space<hbm>> -> memref<8x32xf32, #tpu.memory_space<hbm>>
      %dma_start3A_433 = arith.constant 96 : i32
      %dma_start3A_434 = arith.constant 0 : i32
      %dma_start3A_435 = tpu.memref_slice %arg15[%dma_start3A_433, %dma_start3A_434] : memref<128x32xf32, #tpu.memory_space<vmem>> -> memref<8x32xf32, #tpu.memory_space<vmem>>
      %dma_start3A_436 = arith.constant 0 : i32
      %dma_start3A_437 = tpu.memref_slice %arg7[%multiple_of3A_427, %dma_start3A_436] : memref<1000000x32xf32, #tpu.memory_space<hbm>> -> memref<8x32xf32, #tpu.memory_space<hbm>>
      tpu.enqueue_dma source(%dma_start3A_437 : memref<8x32xf32, #tpu.memory_space<hbm>>) target(%dma_start3A_435 : memref<8x32xf32, #tpu.memory_space<vmem>>) target_semaphore(%arg20 : memref<!tpu.dma_semaphore, #tpu.memory_space<semaphore_mem>>)
      %slice3A_438 = vector.extract_strided_slice %mul3A_268 {offsets = [13], sizes = [1], strides = [1]} : vector<16xi32> to vector<1xi32>
      %squeeze3A_439 = vector.extract %slice3A_438[0] : i32 from vector<1xi32>
      %multiple_of3A_440 = tpu.assume_multiple %squeeze3A_439, 8 : i32
      %dma_start3A_441 = arith.constant 104 : i32
      %dma_start3A_442 = arith.constant 0 : i32
      %dma_start3A_443 = tpu.memref_slice %arg15[%dma_start3A_441, %dma_start3A_442] : memref<128x32xf32, #tpu.memory_space<vmem>> -> memref<8x32xf32, #tpu.memory_space<vmem>>
      %dma_start3A_444 = arith.constant 0 : i32
      %dma_start3A_445 = tpu.memref_slice %arg7[%multiple_of3A_440, %dma_start3A_444] : memref<1000000x32xf32, #tpu.memory_space<hbm>> -> memref<8x32xf32, #tpu.memory_space<hbm>>
      %dma_start3A_446 = arith.constant 104 : i32
      %dma_start3A_447 = arith.constant 0 : i32
      %dma_start3A_448 = tpu.memref_slice %arg15[%dma_start3A_446, %dma_start3A_447] : memref<128x32xf32, #tpu.memory_space<vmem>> -> memref<8x32xf32, #tpu.memory_space<vmem>>
      %dma_start3A_449 = arith.constant 0 : i32
      %dma_start3A_450 = tpu.memref_slice %arg7[%multiple_of3A_440, %dma_start3A_449] : memref<1000000x32xf32, #tpu.memory_space<hbm>> -> memref<8x32xf32, #tpu.memory_space<hbm>>
      tpu.enqueue_dma source(%dma_start3A_450 : memref<8x32xf32, #tpu.memory_space<hbm>>) target(%dma_start3A_448 : memref<8x32xf32, #tpu.memory_space<vmem>>) target_semaphore(%arg20 : memref<!tpu.dma_semaphore, #tpu.memory_space<semaphore_mem>>)
      %slice3A_451 = vector.extract_strided_slice %mul3A_268 {offsets = [14], sizes = [1], strides = [1]} : vector<16xi32> to vector<1xi32>
      %squeeze3A_452 = vector.extract %slice3A_451[0] : i32 from vector<1xi32>
      %multiple_of3A_453 = tpu.assume_multiple %squeeze3A_452, 8 : i32
      %dma_start3A_454 = arith.constant 112 : i32
      %dma_start3A_455 = arith.constant 0 : i32
      %dma_start3A_456 = tpu.memref_slice %arg15[%dma_start3A_454, %dma_start3A_455] : memref<128x32xf32, #tpu.memory_space<vmem>> -> memref<8x32xf32, #tpu.memory_space<vmem>>
      %dma_start3A_457 = arith.constant 0 : i32
      %dma_start3A_458 = tpu.memref_slice %arg7[%multiple_of3A_453, %dma_start3A_457] : memref<1000000x32xf32, #tpu.memory_space<hbm>> -> memref<8x32xf32, #tpu.memory_space<hbm>>
      %dma_start3A_459 = arith.constant 112 : i32
      %dma_start3A_460 = arith.constant 0 : i32
      %dma_start3A_461 = tpu.memref_slice %arg15[%dma_start3A_459, %dma_start3A_460] : memref<128x32xf32, #tpu.memory_space<vmem>> -> memref<8x32xf32, #tpu.memory_space<vmem>>
      %dma_start3A_462 = arith.constant 0 : i32
      %dma_start3A_463 = tpu.memref_slice %arg7[%multiple_of3A_453, %dma_start3A_462] : memref<1000000x32xf32, #tpu.memory_space<hbm>> -> memref<8x32xf32, #tpu.memory_space<hbm>>
      tpu.enqueue_dma source(%dma_start3A_463 : memref<8x32xf32, #tpu.memory_space<hbm>>) target(%dma_start3A_461 : memref<8x32xf32, #tpu.memory_space<vmem>>) target_semaphore(%arg20 : memref<!tpu.dma_semaphore, #tpu.memory_space<semaphore_mem>>)
      %slice3A_464 = vector.extract_strided_slice %mul3A_268 {offsets = [15], sizes = [1], strides = [1]} : vector<16xi32> to vector<1xi32>
      %squeeze3A_465 = vector.extract %slice3A_464[0] : i32 from vector<1xi32>
      %multiple_of3A_466 = tpu.assume_multiple %squeeze3A_465, 8 : i32
      %dma_start3A_467 = arith.constant 120 : i32
      %dma_start3A_468 = arith.constant 0 : i32
      %dma_start3A_469 = tpu.memref_slice %arg15[%dma_start3A_467, %dma_start3A_468] : memref<128x32xf32, #tpu.memory_space<vmem>> -> memref<8x32xf32, #tpu.memory_space<vmem>>
      %dma_start3A_470 = arith.constant 0 : i32
      %dma_start3A_471 = tpu.memref_slice %arg7[%multiple_of3A_466, %dma_start3A_470] : memref<1000000x32xf32, #tpu.memory_space<hbm>> -> memref<8x32xf32, #tpu.memory_space<hbm>>
      %dma_start3A_472 = arith.constant 120 : i32
      %dma_start3A_473 = arith.constant 0 : i32
      %dma_start3A_474 = tpu.memref_slice %arg15[%dma_start3A_472, %dma_start3A_473] : memref<128x32xf32, #tpu.memory_space<vmem>> -> memref<8x32xf32, #tpu.memory_space<vmem>>
      %dma_start3A_475 = arith.constant 0 : i32
      %dma_start3A_476 = tpu.memref_slice %arg7[%multiple_of3A_466, %dma_start3A_475] : memref<1000000x32xf32, #tpu.memory_space<hbm>> -> memref<8x32xf32, #tpu.memory_space<hbm>>
      tpu.enqueue_dma source(%dma_start3A_476 : memref<8x32xf32, #tpu.memory_space<hbm>>) target(%dma_start3A_474 : memref<8x32xf32, #tpu.memory_space<vmem>>) target_semaphore(%arg20 : memref<!tpu.dma_semaphore, #tpu.memory_space<semaphore_mem>>)
      %get3A_477 = arith.index_cast %select_n3A : i32 to index
      %get3A_478 = arith.index_cast %mul3A_48 : i32 to index
      %get3A_479 = tpu.vector_load %arg13[%get3A_477, %get3A_478] {strides = array<i32>} : memref<4x128xi32, #tpu.memory_space<vmem>>, vector<16xi32>,
      %shift_right_arithmetic3A_480 = arith.constant 3 : i32
      %shift_right_arithmetic3A_481 = vector.broadcast %shift_right_arithmetic3A_480 : i32 to vector<16xi32>
      %shift_right_arithmetic3A_482 = arith.shrsi %get3A_479, %shift_right_arithmetic3A_481 : vector<16xi32>
      %mul3A_483 = arith.constant 8 : i32
      %mul3A_484 = vector.broadcast %mul3A_483 : i32 to vector<16xi32>
      %mul3A_485 = arith.muli %shift_right_arithmetic3A_482, %mul3A_484 : vector<16xi32>
      %slice3A_486 = vector.extract_strided_slice %mul3A_485 {offsets = [0], sizes = [1], strides = [1]} : vector<16xi32> to vector<1xi32>
      %squeeze3A_487 = vector.extract %slice3A_486[0] : i32 from vector<1xi32>
      %multiple_of3A_488 = tpu.assume_multiple %squeeze3A_487, 8 : i32
      %dma_start3A_489 = arith.constant 0 : i32
      %dma_start3A_490 = arith.constant 0 : i32
      %dma_start3A_491 = tpu.memref_slice %arg16[%dma_start3A_489, %dma_start3A_490] : memref<128x32xf32, #tpu.memory_space<vmem>> -> memref<8x32xf32, #tpu.memory_space<vmem>>
      %dma_start3A_492 = arith.constant 0 : i32
      %dma_start3A_493 = tpu.memref_slice %arg7[%multiple_of3A_488, %dma_start3A_492] : memref<1000000x32xf32, #tpu.memory_space<hbm>> -> memref<8x32xf32, #tpu.memory_space<hbm>>
      %dma_start3A_494 = arith.constant 0 : i32
      %dma_start3A_495 = arith.constant 0 : i32
      %dma_start3A_496 = tpu.memref_slice %arg16[%dma_start3A_494, %dma_start3A_495] : memref<128x32xf32, #tpu.memory_space<vmem>> -> memref<8x32xf32, #tpu.memory_space<vmem>>
      %dma_start3A_497 = arith.constant 0 : i32
      %dma_start3A_498 = tpu.memref_slice %arg7[%multiple_of3A_488, %dma_start3A_497] : memref<1000000x32xf32, #tpu.memory_space<hbm>> -> memref<8x32xf32, #tpu.memory_space<hbm>>
      tpu.enqueue_dma source(%dma_start3A_498 : memref<8x32xf32, #tpu.memory_space<hbm>>) target(%dma_start3A_496 : memref<8x32xf32, #tpu.memory_space<vmem>>) target_semaphore(%arg20 : memref<!tpu.dma_semaphore, #tpu.memory_space<semaphore_mem>>)
      %slice3A_499 = vector.extract_strided_slice %mul3A_485 {offsets = [1], sizes = [1], strides = [1]} : vector<16xi32> to vector<1xi32>
      %squeeze3A_500 = vector.extract %slice3A_499[0] : i32 from vector<1xi32>
      %multiple_of3A_501 = tpu.assume_multiple %squeeze3A_500, 8 : i32
      %dma_start3A_502 = arith.constant 8 : i32
      %dma_start3A_503 = arith.constant 0 : i32
      %dma_start3A_504 = tpu.memref_slice %arg16[%dma_start3A_502, %dma_start3A_503] : memref<128x32xf32, #tpu.memory_space<vmem>> -> memref<8x32xf32, #tpu.memory_space<vmem>>
      %dma_start3A_505 = arith.constant 0 : i32
      %dma_start3A_506 = tpu.memref_slice %arg7[%multiple_of3A_501, %dma_start3A_505] : memref<1000000x32xf32, #tpu.memory_space<hbm>> -> memref<8x32xf32, #tpu.memory_space<hbm>>
      %dma_start3A_507 = arith.constant 8 : i32
      %dma_start3A_508 = arith.constant 0 : i32
      %dma_start3A_509 = tpu.memref_slice %arg16[%dma_start3A_507, %dma_start3A_508] : memref<128x32xf32, #tpu.memory_space<vmem>> -> memref<8x32xf32, #tpu.memory_space<vmem>>
      %dma_start3A_510 = arith.constant 0 : i32
      %dma_start3A_511 = tpu.memref_slice %arg7[%multiple_of3A_501, %dma_start3A_510] : memref<1000000x32xf32, #tpu.memory_space<hbm>> -> memref<8x32xf32, #tpu.memory_space<hbm>>
      tpu.enqueue_dma source(%dma_start3A_511 : memref<8x32xf32, #tpu.memory_space<hbm>>) target(%dma_start3A_509 : memref<8x32xf32, #tpu.memory_space<vmem>>) target_semaphore(%arg20 : memref<!tpu.dma_semaphore, #tpu.memory_space<semaphore_mem>>)
      %slice3A_512 = vector.extract_strided_slice %mul3A_485 {offsets = [2], sizes = [1], strides = [1]} : vector<16xi32> to vector<1xi32>
      %squeeze3A_513 = vector.extract %slice3A_512[0] : i32 from vector<1xi32>
      %multiple_of3A_514 = tpu.assume_multiple %squeeze3A_513, 8 : i32
      %dma_start3A_515 = arith.constant 16 : i32
      %dma_start3A_516 = arith.constant 0 : i32
      %dma_start3A_517 = tpu.memref_slice %arg16[%dma_start3A_515, %dma_start3A_516] : memref<128x32xf32, #tpu.memory_space<vmem>> -> memref<8x32xf32, #tpu.memory_space<vmem>>
      %dma_start3A_518 = arith.constant 0 : i32
      %dma_start3A_519 = tpu.memref_slice %arg7[%multiple_of3A_514, %dma_start3A_518] : memref<1000000x32xf32, #tpu.memory_space<hbm>> -> memref<8x32xf32, #tpu.memory_space<hbm>>
      %dma_start3A_520 = arith.constant 16 : i32
      %dma_start3A_521 = arith.constant 0 : i32
      %dma_start3A_522 = tpu.memref_slice %arg16[%dma_start3A_520, %dma_start3A_521] : memref<128x32xf32, #tpu.memory_space<vmem>> -> memref<8x32xf32, #tpu.memory_space<vmem>>
      %dma_start3A_523 = arith.constant 0 : i32
      %dma_start3A_524 = tpu.memref_slice %arg7[%multiple_of3A_514, %dma_start3A_523] : memref<1000000x32xf32, #tpu.memory_space<hbm>> -> memref<8x32xf32, #tpu.memory_space<hbm>>
      tpu.enqueue_dma source(%dma_start3A_524 : memref<8x32xf32, #tpu.memory_space<hbm>>) target(%dma_start3A_522 : memref<8x32xf32, #tpu.memory_space<vmem>>) target_semaphore(%arg20 : memref<!tpu.dma_semaphore, #tpu.memory_space<semaphore_mem>>)
      %slice3A_525 = vector.extract_strided_slice %mul3A_485 {offsets = [3], sizes = [1], strides = [1]} : vector<16xi32> to vector<1xi32>
      %squeeze3A_526 = vector.extract %slice3A_525[0] : i32 from vector<1xi32>
      %multiple_of3A_527 = tpu.assume_multiple %squeeze3A_526, 8 : i32
      %dma_start3A_528 = arith.constant 24 : i32
      %dma_start3A_529 = arith.constant 0 : i32
      %dma_start3A_530 = tpu.memref_slice %arg16[%dma_start3A_528, %dma_start3A_529] : memref<128x32xf32, #tpu.memory_space<vmem>> -> memref<8x32xf32, #tpu.memory_space<vmem>>
      %dma_start3A_531 = arith.constant 0 : i32
      %dma_start3A_532 = tpu.memref_slice %arg7[%multiple_of3A_527, %dma_start3A_531] : memref<1000000x32xf32, #tpu.memory_space<hbm>> -> memref<8x32xf32, #tpu.memory_space<hbm>>
      %dma_start3A_533 = arith.constant 24 : i32
      %dma_start3A_534 = arith.constant 0 : i32
      %dma_start3A_535 = tpu.memref_slice %arg16[%dma_start3A_533, %dma_start3A_534] : memref<128x32xf32, #tpu.memory_space<vmem>> -> memref<8x32xf32, #tpu.memory_space<vmem>>
      %dma_start3A_536 = arith.constant 0 : i32
      %dma_start3A_537 = tpu.memref_slice %arg7[%multiple_of3A_527, %dma_start3A_536] : memref<1000000x32xf32, #tpu.memory_space<hbm>> -> memref<8x32xf32, #tpu.memory_space<hbm>>
      tpu.enqueue_dma source(%dma_start3A_537 : memref<8x32xf32, #tpu.memory_space<hbm>>) target(%dma_start3A_535 : memref<8x32xf32, #tpu.memory_space<vmem>>) target_semaphore(%arg20 : memref<!tpu.dma_semaphore, #tpu.memory_space<semaphore_mem>>)
      %slice3A_538 = vector.extract_strided_slice %mul3A_485 {offsets = [4], sizes = [1], strides = [1]} : vector<16xi32> to vector<1xi32>
      %squeeze3A_539 = vector.extract %slice3A_538[0] : i32 from vector<1xi32>
      %multiple_of3A_540 = tpu.assume_multiple %squeeze3A_539, 8 : i32
      %dma_start3A_541 = arith.constant 32 : i32
      %dma_start3A_542 = arith.constant 0 : i32
      %dma_start3A_543 = tpu.memref_slice %arg16[%dma_start3A_541, %dma_start3A_542] : memref<128x32xf32, #tpu.memory_space<vmem>> -> memref<8x32xf32, #tpu.memory_space<vmem>>
      %dma_start3A_544 = arith.constant 0 : i32
      %dma_start3A_545 = tpu.memref_slice %arg7[%multiple_of3A_540, %dma_start3A_544] : memref<1000000x32xf32, #tpu.memory_space<hbm>> -> memref<8x32xf32, #tpu.memory_space<hbm>>
      %dma_start3A_546 = arith.constant 32 : i32
      %dma_start3A_547 = arith.constant 0 : i32
      %dma_start3A_548 = tpu.memref_slice %arg16[%dma_start3A_546, %dma_start3A_547] : memref<128x32xf32, #tpu.memory_space<vmem>> -> memref<8x32xf32, #tpu.memory_space<vmem>>
      %dma_start3A_549 = arith.constant 0 : i32
      %dma_start3A_550 = tpu.memref_slice %arg7[%multiple_of3A_540, %dma_start3A_549] : memref<1000000x32xf32, #tpu.memory_space<hbm>> -> memref<8x32xf32, #tpu.memory_space<hbm>>
      tpu.enqueue_dma source(%dma_start3A_550 : memref<8x32xf32, #tpu.memory_space<hbm>>) target(%dma_start3A_548 : memref<8x32xf32, #tpu.memory_space<vmem>>) target_semaphore(%arg20 : memref<!tpu.dma_semaphore, #tpu.memory_space<semaphore_mem>>)
      %slice3A_551 = vector.extract_strided_slice %mul3A_485 {offsets = [5], sizes = [1], strides = [1]} : vector<16xi32> to vector<1xi32>
      %squeeze3A_552 = vector.extract %slice3A_551[0] : i32 from vector<1xi32>
      %multiple_of3A_553 = tpu.assume_multiple %squeeze3A_552, 8 : i32
      %dma_start3A_554 = arith.constant 40 : i32
      %dma_start3A_555 = arith.constant 0 : i32
      %dma_start3A_556 = tpu.memref_slice %arg16[%dma_start3A_554, %dma_start3A_555] : memref<128x32xf32, #tpu.memory_space<vmem>> -> memref<8x32xf32, #tpu.memory_space<vmem>>
      %dma_start3A_557 = arith.constant 0 : i32
      %dma_start3A_558 = tpu.memref_slice %arg7[%multiple_of3A_553, %dma_start3A_557] : memref<1000000x32xf32, #tpu.memory_space<hbm>> -> memref<8x32xf32, #tpu.memory_space<hbm>>
      %dma_start3A_559 = arith.constant 40 : i32
      %dma_start3A_560 = arith.constant 0 : i32
      %dma_start3A_561 = tpu.memref_slice %arg16[%dma_start3A_559, %dma_start3A_560] : memref<128x32xf32, #tpu.memory_space<vmem>> -> memref<8x32xf32, #tpu.memory_space<vmem>>
      %dma_start3A_562 = arith.constant 0 : i32
      %dma_start3A_563 = tpu.memref_slice %arg7[%multiple_of3A_553, %dma_start3A_562] : memref<1000000x32xf32, #tpu.memory_space<hbm>> -> memref<8x32xf32, #tpu.memory_space<hbm>>
      tpu.enqueue_dma source(%dma_start3A_563 : memref<8x32xf32, #tpu.memory_space<hbm>>) target(%dma_start3A_561 : memref<8x32xf32, #tpu.memory_space<vmem>>) target_semaphore(%arg20 : memref<!tpu.dma_semaphore, #tpu.memory_space<semaphore_mem>>)
      %slice3A_564 = vector.extract_strided_slice %mul3A_485 {offsets = [6], sizes = [1], strides = [1]} : vector<16xi32> to vector<1xi32>
      %squeeze3A_565 = vector.extract %slice3A_564[0] : i32 from vector<1xi32>
      %multiple_of3A_566 = tpu.assume_multiple %squeeze3A_565, 8 : i32
      %dma_start3A_567 = arith.constant 48 : i32
      %dma_start3A_568 = arith.constant 0 : i32
      %dma_start3A_569 = tpu.memref_slice %arg16[%dma_start3A_567, %dma_start3A_568] : memref<128x32xf32, #tpu.memory_space<vmem>> -> memref<8x32xf32, #tpu.memory_space<vmem>>
      %dma_start3A_570 = arith.constant 0 : i32
      %dma_start3A_571 = tpu.memref_slice %arg7[%multiple_of3A_566, %dma_start3A_570] : memref<1000000x32xf32, #tpu.memory_space<hbm>> -> memref<8x32xf32, #tpu.memory_space<hbm>>
      %dma_start3A_572 = arith.constant 48 : i32
      %dma_start3A_573 = arith.constant 0 : i32
      %dma_start3A_574 = tpu.memref_slice %arg16[%dma_start3A_572, %dma_start3A_573] : memref<128x32xf32, #tpu.memory_space<vmem>> -> memref<8x32xf32, #tpu.memory_space<vmem>>
      %dma_start3A_575 = arith.constant 0 : i32
      %dma_start3A_576 = tpu.memref_slice %arg7[%multiple_of3A_566, %dma_start3A_575] : memref<1000000x32xf32, #tpu.memory_space<hbm>> -> memref<8x32xf32, #tpu.memory_space<hbm>>
      tpu.enqueue_dma source(%dma_start3A_576 : memref<8x32xf32, #tpu.memory_space<hbm>>) target(%dma_start3A_574 : memref<8x32xf32, #tpu.memory_space<vmem>>) target_semaphore(%arg20 : memref<!tpu.dma_semaphore, #tpu.memory_space<semaphore_mem>>)
      %slice3A_577 = vector.extract_strided_slice %mul3A_485 {offsets = [7], sizes = [1], strides = [1]} : vector<16xi32> to vector<1xi32>
      %squeeze3A_578 = vector.extract %slice3A_577[0] : i32 from vector<1xi32>
      %multiple_of3A_579 = tpu.assume_multiple %squeeze3A_578, 8 : i32
      %dma_start3A_580 = arith.constant 56 : i32
      %dma_start3A_581 = arith.constant 0 : i32
      %dma_start3A_582 = tpu.memref_slice %arg16[%dma_start3A_580, %dma_start3A_581] : memref<128x32xf32, #tpu.memory_space<vmem>> -> memref<8x32xf32, #tpu.memory_space<vmem>>
      %dma_start3A_583 = arith.constant 0 : i32
      %dma_start3A_584 = tpu.memref_slice %arg7[%multiple_of3A_579, %dma_start3A_583] : memref<1000000x32xf32, #tpu.memory_space<hbm>> -> memref<8x32xf32, #tpu.memory_space<hbm>>
      %dma_start3A_585 = arith.constant 56 : i32
      %dma_start3A_586 = arith.constant 0 : i32
      %dma_start3A_587 = tpu.memref_slice %arg16[%dma_start3A_585, %dma_start3A_586] : memref<128x32xf32, #tpu.memory_space<vmem>> -> memref<8x32xf32, #tpu.memory_space<vmem>>
      %dma_start3A_588 = arith.constant 0 : i32
      %dma_start3A_589 = tpu.memref_slice %arg7[%multiple_of3A_579, %dma_start3A_588] : memref<1000000x32xf32, #tpu.memory_space<hbm>> -> memref<8x32xf32, #tpu.memory_space<hbm>>
      tpu.enqueue_dma source(%dma_start3A_589 : memref<8x32xf32, #tpu.memory_space<hbm>>) target(%dma_start3A_587 : memref<8x32xf32, #tpu.memory_space<vmem>>) target_semaphore(%arg20 : memref<!tpu.dma_semaphore, #tpu.memory_space<semaphore_mem>>)
      %slice3A_590 = vector.extract_strided_slice %mul3A_485 {offsets = [8], sizes = [1], strides = [1]} : vector<16xi32> to vector<1xi32>
      %squeeze3A_591 = vector.extract %slice3A_590[0] : i32 from vector<1xi32>
      %multiple_of3A_592 = tpu.assume_multiple %squeeze3A_591, 8 : i32
      %dma_start3A_593 = arith.constant 64 : i32
      %dma_start3A_594 = arith.constant 0 : i32
      %dma_start3A_595 = tpu.memref_slice %arg16[%dma_start3A_593, %dma_start3A_594] : memref<128x32xf32, #tpu.memory_space<vmem>> -> memref<8x32xf32, #tpu.memory_space<vmem>>
      %dma_start3A_596 = arith.constant 0 : i32
      %dma_start3A_597 = tpu.memref_slice %arg7[%multiple_of3A_592, %dma_start3A_596] : memref<1000000x32xf32, #tpu.memory_space<hbm>> -> memref<8x32xf32, #tpu.memory_space<hbm>>
      %dma_start3A_598 = arith.constant 64 : i32
      %dma_start3A_599 = arith.constant 0 : i32
      %dma_start3A_600 = tpu.memref_slice %arg16[%dma_start3A_598, %dma_start3A_599] : memref<128x32xf32, #tpu.memory_space<vmem>> -> memref<8x32xf32, #tpu.memory_space<vmem>>
      %dma_start3A_601 = arith.constant 0 : i32
      %dma_start3A_602 = tpu.memref_slice %arg7[%multiple_of3A_592, %dma_start3A_601] : memref<1000000x32xf32, #tpu.memory_space<hbm>> -> memref<8x32xf32, #tpu.memory_space<hbm>>
      tpu.enqueue_dma source(%dma_start3A_602 : memref<8x32xf32, #tpu.memory_space<hbm>>) target(%dma_start3A_600 : memref<8x32xf32, #tpu.memory_space<vmem>>) target_semaphore(%arg20 : memref<!tpu.dma_semaphore, #tpu.memory_space<semaphore_mem>>)
      %slice3A_603 = vector.extract_strided_slice %mul3A_485 {offsets = [9], sizes = [1], strides = [1]} : vector<16xi32> to vector<1xi32>
      %squeeze3A_604 = vector.extract %slice3A_603[0] : i32 from vector<1xi32>
      %multiple_of3A_605 = tpu.assume_multiple %squeeze3A_604, 8 : i32
      %dma_start3A_606 = arith.constant 72 : i32
      %dma_start3A_607 = arith.constant 0 : i32
      %dma_start3A_608 = tpu.memref_slice %arg16[%dma_start3A_606, %dma_start3A_607] : memref<128x32xf32, #tpu.memory_space<vmem>> -> memref<8x32xf32, #tpu.memory_space<vmem>>
      %dma_start3A_609 = arith.constant 0 : i32
      %dma_start3A_610 = tpu.memref_slice %arg7[%multiple_of3A_605, %dma_start3A_609] : memref<1000000x32xf32, #tpu.memory_space<hbm>> -> memref<8x32xf32, #tpu.memory_space<hbm>>
      %dma_start3A_611 = arith.constant 72 : i32
      %dma_start3A_612 = arith.constant 0 : i32
      %dma_start3A_613 = tpu.memref_slice %arg16[%dma_start3A_611, %dma_start3A_612] : memref<128x32xf32, #tpu.memory_space<vmem>> -> memref<8x32xf32, #tpu.memory_space<vmem>>
      %dma_start3A_614 = arith.constant 0 : i32
      %dma_start3A_615 = tpu.memref_slice %arg7[%multiple_of3A_605, %dma_start3A_614] : memref<1000000x32xf32, #tpu.memory_space<hbm>> -> memref<8x32xf32, #tpu.memory_space<hbm>>
      tpu.enqueue_dma source(%dma_start3A_615 : memref<8x32xf32, #tpu.memory_space<hbm>>) target(%dma_start3A_613 : memref<8x32xf32, #tpu.memory_space<vmem>>) target_semaphore(%arg20 : memref<!tpu.dma_semaphore, #tpu.memory_space<semaphore_mem>>)
      %slice3A_616 = vector.extract_strided_slice %mul3A_485 {offsets = [10], sizes = [1], strides = [1]} : vector<16xi32> to vector<1xi32>
      %squeeze3A_617 = vector.extract %slice3A_616[0] : i32 from vector<1xi32>
      %multiple_of3A_618 = tpu.assume_multiple %squeeze3A_617, 8 : i32
      %dma_start3A_619 = arith.constant 80 : i32
      %dma_start3A_620 = arith.constant 0 : i32
      %dma_start3A_621 = tpu.memref_slice %arg16[%dma_start3A_619, %dma_start3A_620] : memref<128x32xf32, #tpu.memory_space<vmem>> -> memref<8x32xf32, #tpu.memory_space<vmem>>
      %dma_start3A_622 = arith.constant 0 : i32
      %dma_start3A_623 = tpu.memref_slice %arg7[%multiple_of3A_618, %dma_start3A_622] : memref<1000000x32xf32, #tpu.memory_space<hbm>> -> memref<8x32xf32, #tpu.memory_space<hbm>>
      %dma_start3A_624 = arith.constant 80 : i32
      %dma_start3A_625 = arith.constant 0 : i32
      %dma_start3A_626 = tpu.memref_slice %arg16[%dma_start3A_624, %dma_start3A_625] : memref<128x32xf32, #tpu.memory_space<vmem>> -> memref<8x32xf32, #tpu.memory_space<vmem>>
      %dma_start3A_627 = arith.constant 0 : i32
      %dma_start3A_628 = tpu.memref_slice %arg7[%multiple_of3A_618, %dma_start3A_627] : memref<1000000x32xf32, #tpu.memory_space<hbm>> -> memref<8x32xf32, #tpu.memory_space<hbm>>
      tpu.enqueue_dma source(%dma_start3A_628 : memref<8x32xf32, #tpu.memory_space<hbm>>) target(%dma_start3A_626 : memref<8x32xf32, #tpu.memory_space<vmem>>) target_semaphore(%arg20 : memref<!tpu.dma_semaphore, #tpu.memory_space<semaphore_mem>>)
      %slice3A_629 = vector.extract_strided_slice %mul3A_485 {offsets = [11], sizes = [1], strides = [1]} : vector<16xi32> to vector<1xi32>
      %squeeze3A_630 = vector.extract %slice3A_629[0] : i32 from vector<1xi32>
      %multiple_of3A_631 = tpu.assume_multiple %squeeze3A_630, 8 : i32
      %dma_start3A_632 = arith.constant 88 : i32
      %dma_start3A_633 = arith.constant 0 : i32
      %dma_start3A_634 = tpu.memref_slice %arg16[%dma_start3A_632, %dma_start3A_633] : memref<128x32xf32, #tpu.memory_space<vmem>> -> memref<8x32xf32, #tpu.memory_space<vmem>>
      %dma_start3A_635 = arith.constant 0 : i32
      %dma_start3A_636 = tpu.memref_slice %arg7[%multiple_of3A_631, %dma_start3A_635] : memref<1000000x32xf32, #tpu.memory_space<hbm>> -> memref<8x32xf32, #tpu.memory_space<hbm>>
      %dma_start3A_637 = arith.constant 88 : i32
      %dma_start3A_638 = arith.constant 0 : i32
      %dma_start3A_639 = tpu.memref_slice %arg16[%dma_start3A_637, %dma_start3A_638] : memref<128x32xf32, #tpu.memory_space<vmem>> -> memref<8x32xf32, #tpu.memory_space<vmem>>
      %dma_start3A_640 = arith.constant 0 : i32
      %dma_start3A_641 = tpu.memref_slice %arg7[%multiple_of3A_631, %dma_start3A_640] : memref<1000000x32xf32, #tpu.memory_space<hbm>> -> memref<8x32xf32, #tpu.memory_space<hbm>>
      tpu.enqueue_dma source(%dma_start3A_641 : memref<8x32xf32, #tpu.memory_space<hbm>>) target(%dma_start3A_639 : memref<8x32xf32, #tpu.memory_space<vmem>>) target_semaphore(%arg20 : memref<!tpu.dma_semaphore, #tpu.memory_space<semaphore_mem>>)
      %slice3A_642 = vector.extract_strided_slice %mul3A_485 {offsets = [12], sizes = [1], strides = [1]} : vector<16xi32> to vector<1xi32>
      %squeeze3A_643 = vector.extract %slice3A_642[0] : i32 from vector<1xi32>
      %multiple_of3A_644 = tpu.assume_multiple %squeeze3A_643, 8 : i32
      %dma_start3A_645 = arith.constant 96 : i32
      %dma_start3A_646 = arith.constant 0 : i32
      %dma_start3A_647 = tpu.memref_slice %arg16[%dma_start3A_645, %dma_start3A_646] : memref<128x32xf32, #tpu.memory_space<vmem>> -> memref<8x32xf32, #tpu.memory_space<vmem>>
      %dma_start3A_648 = arith.constant 0 : i32
      %dma_start3A_649 = tpu.memref_slice %arg7[%multiple_of3A_644, %dma_start3A_648] : memref<1000000x32xf32, #tpu.memory_space<hbm>> -> memref<8x32xf32, #tpu.memory_space<hbm>>
      %dma_start3A_650 = arith.constant 96 : i32
      %dma_start3A_651 = arith.constant 0 : i32
      %dma_start3A_652 = tpu.memref_slice %arg16[%dma_start3A_650, %dma_start3A_651] : memref<128x32xf32, #tpu.memory_space<vmem>> -> memref<8x32xf32, #tpu.memory_space<vmem>>
      %dma_start3A_653 = arith.constant 0 : i32
      %dma_start3A_654 = tpu.memref_slice %arg7[%multiple_of3A_644, %dma_start3A_653] : memref<1000000x32xf32, #tpu.memory_space<hbm>> -> memref<8x32xf32, #tpu.memory_space<hbm>>
      tpu.enqueue_dma source(%dma_start3A_654 : memref<8x32xf32, #tpu.memory_space<hbm>>) target(%dma_start3A_652 : memref<8x32xf32, #tpu.memory_space<vmem>>) target_semaphore(%arg20 : memref<!tpu.dma_semaphore, #tpu.memory_space<semaphore_mem>>)
      %slice3A_655 = vector.extract_strided_slice %mul3A_485 {offsets = [13], sizes = [1], strides = [1]} : vector<16xi32> to vector<1xi32>
      %squeeze3A_656 = vector.extract %slice3A_655[0] : i32 from vector<1xi32>
      %multiple_of3A_657 = tpu.assume_multiple %squeeze3A_656, 8 : i32
      %dma_start3A_658 = arith.constant 104 : i32
      %dma_start3A_659 = arith.constant 0 : i32
      %dma_start3A_660 = tpu.memref_slice %arg16[%dma_start3A_658, %dma_start3A_659] : memref<128x32xf32, #tpu.memory_space<vmem>> -> memref<8x32xf32, #tpu.memory_space<vmem>>
      %dma_start3A_661 = arith.constant 0 : i32
      %dma_start3A_662 = tpu.memref_slice %arg7[%multiple_of3A_657, %dma_start3A_661] : memref<1000000x32xf32, #tpu.memory_space<hbm>> -> memref<8x32xf32, #tpu.memory_space<hbm>>
      %dma_start3A_663 = arith.constant 104 : i32
      %dma_start3A_664 = arith.constant 0 : i32
      %dma_start3A_665 = tpu.memref_slice %arg16[%dma_start3A_663, %dma_start3A_664] : memref<128x32xf32, #tpu.memory_space<vmem>> -> memref<8x32xf32, #tpu.memory_space<vmem>>
      %dma_start3A_666 = arith.constant 0 : i32
      %dma_start3A_667 = tpu.memref_slice %arg7[%multiple_of3A_657, %dma_start3A_666] : memref<1000000x32xf32, #tpu.memory_space<hbm>> -> memref<8x32xf32, #tpu.memory_space<hbm>>
      tpu.enqueue_dma source(%dma_start3A_667 : memref<8x32xf32, #tpu.memory_space<hbm>>) target(%dma_start3A_665 : memref<8x32xf32, #tpu.memory_space<vmem>>) target_semaphore(%arg20 : memref<!tpu.dma_semaphore, #tpu.memory_space<semaphore_mem>>)
      %slice3A_668 = vector.extract_strided_slice %mul3A_485 {offsets = [14], sizes = [1], strides = [1]} : vector<16xi32> to vector<1xi32>
      %squeeze3A_669 = vector.extract %slice3A_668[0] : i32 from vector<1xi32>
      %multiple_of3A_670 = tpu.assume_multiple %squeeze3A_669, 8 : i32
      %dma_start3A_671 = arith.constant 112 : i32
      %dma_start3A_672 = arith.constant 0 : i32
      %dma_start3A_673 = tpu.memref_slice %arg16[%dma_start3A_671, %dma_start3A_672] : memref<128x32xf32, #tpu.memory_space<vmem>> -> memref<8x32xf32, #tpu.memory_space<vmem>>
      %dma_start3A_674 = arith.constant 0 : i32
      %dma_start3A_675 = tpu.memref_slice %arg7[%multiple_of3A_670, %dma_start3A_674] : memref<1000000x32xf32, #tpu.memory_space<hbm>> -> memref<8x32xf32, #tpu.memory_space<hbm>>
      %dma_start3A_676 = arith.constant 112 : i32
      %dma_start3A_677 = arith.constant 0 : i32
      %dma_start3A_678 = tpu.memref_slice %arg16[%dma_start3A_676, %dma_start3A_677] : memref<128x32xf32, #tpu.memory_space<vmem>> -> memref<8x32xf32, #tpu.memory_space<vmem>>
      %dma_start3A_679 = arith.constant 0 : i32
      %dma_start3A_680 = tpu.memref_slice %arg7[%multiple_of3A_670, %dma_start3A_679] : memref<1000000x32xf32, #tpu.memory_space<hbm>> -> memref<8x32xf32, #tpu.memory_space<hbm>>
      tpu.enqueue_dma source(%dma_start3A_680 : memref<8x32xf32, #tpu.memory_space<hbm>>) target(%dma_start3A_678 : memref<8x32xf32, #tpu.memory_space<vmem>>) target_semaphore(%arg20 : memref<!tpu.dma_semaphore, #tpu.memory_space<semaphore_mem>>)
      %slice3A_681 = vector.extract_strided_slice %mul3A_485 {offsets = [15], sizes = [1], strides = [1]} : vector<16xi32> to vector<1xi32>
      %squeeze3A_682 = vector.extract %slice3A_681[0] : i32 from vector<1xi32>
      %multiple_of3A_683 = tpu.assume_multiple %squeeze3A_682, 8 : i32
      %dma_start3A_684 = arith.constant 120 : i32
      %dma_start3A_685 = arith.constant 0 : i32
      %dma_start3A_686 = tpu.memref_slice %arg16[%dma_start3A_684, %dma_start3A_685] : memref<128x32xf32, #tpu.memory_space<vmem>> -> memref<8x32xf32, #tpu.memory_space<vmem>>
      %dma_start3A_687 = arith.constant 0 : i32
      %dma_start3A_688 = tpu.memref_slice %arg7[%multiple_of3A_683, %dma_start3A_687] : memref<1000000x32xf32, #tpu.memory_space<hbm>> -> memref<8x32xf32, #tpu.memory_space<hbm>>
      %dma_start3A_689 = arith.constant 120 : i32
      %dma_start3A_690 = arith.constant 0 : i32
      %dma_start3A_691 = tpu.memref_slice %arg16[%dma_start3A_689, %dma_start3A_690] : memref<128x32xf32, #tpu.memory_space<vmem>> -> memref<8x32xf32, #tpu.memory_space<vmem>>
      %dma_start3A_692 = arith.constant 0 : i32
      %dma_start3A_693 = tpu.memref_slice %arg7[%multiple_of3A_683, %dma_start3A_692] : memref<1000000x32xf32, #tpu.memory_space<hbm>> -> memref<8x32xf32, #tpu.memory_space<hbm>>
      tpu.enqueue_dma source(%dma_start3A_693 : memref<8x32xf32, #tpu.memory_space<hbm>>) target(%dma_start3A_691 : memref<8x32xf32, #tpu.memory_space<vmem>>) target_semaphore(%arg20 : memref<!tpu.dma_semaphore, #tpu.memory_space<semaphore_mem>>)
      %get3A_694 = arith.index_cast %select_n3A : i32 to index
      %get3A_695 = arith.index_cast %mul3A_48 : i32 to index
      %get3A_696 = tpu.vector_load %arg12[%get3A_694, %get3A_695] {strides = array<i32>} : memref<4x128xi32, #tpu.memory_space<vmem>>, vector<16xi32>,
      %shift_right_arithmetic3A_697 = arith.constant 3 : i32
      %shift_right_arithmetic3A_698 = vector.broadcast %shift_right_arithmetic3A_697 : i32 to vector<16xi32>
      %shift_right_arithmetic3A_699 = arith.shrsi %get3A_696, %shift_right_arithmetic3A_698 : vector<16xi32>
      %mul3A_700 = arith.constant 8 : i32
      %mul3A_701 = vector.broadcast %mul3A_700 : i32 to vector<16xi32>
      %mul3A_702 = arith.muli %shift_right_arithmetic3A_699, %mul3A_701 : vector<16xi32>
      %slice3A_703 = vector.extract_strided_slice %mul3A_702 {offsets = [0], sizes = [1], strides = [1]} : vector<16xi32> to vector<1xi32>
      %squeeze3A_704 = vector.extract %slice3A_703[0] : i32 from vector<1xi32>
      %multiple_of3A_705 = tpu.assume_multiple %squeeze3A_704, 8 : i32
      %dma_start3A_706 = arith.constant 0 : i32
      %dma_start3A_707 = arith.constant 0 : i32
      %dma_start3A_708 = tpu.memref_slice %arg17[%dma_start3A_706, %dma_start3A_707] : memref<128x32xf32, #tpu.memory_space<vmem>> -> memref<8x32xf32, #tpu.memory_space<vmem>>
      %dma_start3A_709 = arith.constant 0 : i32
      %dma_start3A_710 = tpu.memref_slice %arg6[%multiple_of3A_705, %dma_start3A_709] : memref<1000000x32xf32, #tpu.memory_space<hbm>> -> memref<8x32xf32, #tpu.memory_space<hbm>>
      %dma_start3A_711 = arith.constant 0 : i32
      %dma_start3A_712 = arith.constant 0 : i32
      %dma_start3A_713 = tpu.memref_slice %arg17[%dma_start3A_711, %dma_start3A_712] : memref<128x32xf32, #tpu.memory_space<vmem>> -> memref<8x32xf32, #tpu.memory_space<vmem>>
      %dma_start3A_714 = arith.constant 0 : i32
      %dma_start3A_715 = tpu.memref_slice %arg6[%multiple_of3A_705, %dma_start3A_714] : memref<1000000x32xf32, #tpu.memory_space<hbm>> -> memref<8x32xf32, #tpu.memory_space<hbm>>
      tpu.enqueue_dma source(%dma_start3A_715 : memref<8x32xf32, #tpu.memory_space<hbm>>) target(%dma_start3A_713 : memref<8x32xf32, #tpu.memory_space<vmem>>) target_semaphore(%arg20 : memref<!tpu.dma_semaphore, #tpu.memory_space<semaphore_mem>>)
      %slice3A_716 = vector.extract_strided_slice %mul3A_702 {offsets = [1], sizes = [1], strides = [1]} : vector<16xi32> to vector<1xi32>
      %squeeze3A_717 = vector.extract %slice3A_716[0] : i32 from vector<1xi32>
      %multiple_of3A_718 = tpu.assume_multiple %squeeze3A_717, 8 : i32
      %dma_start3A_719 = arith.constant 8 : i32
      %dma_start3A_720 = arith.constant 0 : i32
      %dma_start3A_721 = tpu.memref_slice %arg17[%dma_start3A_719, %dma_start3A_720] : memref<128x32xf32, #tpu.memory_space<vmem>> -> memref<8x32xf32, #tpu.memory_space<vmem>>
      %dma_start3A_722 = arith.constant 0 : i32
      %dma_start3A_723 = tpu.memref_slice %arg6[%multiple_of3A_718, %dma_start3A_722] : memref<1000000x32xf32, #tpu.memory_space<hbm>> -> memref<8x32xf32, #tpu.memory_space<hbm>>
      %dma_start3A_724 = arith.constant 8 : i32
      %dma_start3A_725 = arith.constant 0 : i32
      %dma_start3A_726 = tpu.memref_slice %arg17[%dma_start3A_724, %dma_start3A_725] : memref<128x32xf32, #tpu.memory_space<vmem>> -> memref<8x32xf32, #tpu.memory_space<vmem>>
      %dma_start3A_727 = arith.constant 0 : i32
      %dma_start3A_728 = tpu.memref_slice %arg6[%multiple_of3A_718, %dma_start3A_727] : memref<1000000x32xf32, #tpu.memory_space<hbm>> -> memref<8x32xf32, #tpu.memory_space<hbm>>
      tpu.enqueue_dma source(%dma_start3A_728 : memref<8x32xf32, #tpu.memory_space<hbm>>) target(%dma_start3A_726 : memref<8x32xf32, #tpu.memory_space<vmem>>) target_semaphore(%arg20 : memref<!tpu.dma_semaphore, #tpu.memory_space<semaphore_mem>>)
      %slice3A_729 = vector.extract_strided_slice %mul3A_702 {offsets = [2], sizes = [1], strides = [1]} : vector<16xi32> to vector<1xi32>
      %squeeze3A_730 = vector.extract %slice3A_729[0] : i32 from vector<1xi32>
      %multiple_of3A_731 = tpu.assume_multiple %squeeze3A_730, 8 : i32
      %dma_start3A_732 = arith.constant 16 : i32
      %dma_start3A_733 = arith.constant 0 : i32
      %dma_start3A_734 = tpu.memref_slice %arg17[%dma_start3A_732, %dma_start3A_733] : memref<128x32xf32, #tpu.memory_space<vmem>> -> memref<8x32xf32, #tpu.memory_space<vmem>>
      %dma_start3A_735 = arith.constant 0 : i32
      %dma_start3A_736 = tpu.memref_slice %arg6[%multiple_of3A_731, %dma_start3A_735] : memref<1000000x32xf32, #tpu.memory_space<hbm>> -> memref<8x32xf32, #tpu.memory_space<hbm>>
      %dma_start3A_737 = arith.constant 16 : i32
      %dma_start3A_738 = arith.constant 0 : i32
      %dma_start3A_739 = tpu.memref_slice %arg17[%dma_start3A_737, %dma_start3A_738] : memref<128x32xf32, #tpu.memory_space<vmem>> -> memref<8x32xf32, #tpu.memory_space<vmem>>
      %dma_start3A_740 = arith.constant 0 : i32
      %dma_start3A_741 = tpu.memref_slice %arg6[%multiple_of3A_731, %dma_start3A_740] : memref<1000000x32xf32, #tpu.memory_space<hbm>> -> memref<8x32xf32, #tpu.memory_space<hbm>>
      tpu.enqueue_dma source(%dma_start3A_741 : memref<8x32xf32, #tpu.memory_space<hbm>>) target(%dma_start3A_739 : memref<8x32xf32, #tpu.memory_space<vmem>>) target_semaphore(%arg20 : memref<!tpu.dma_semaphore, #tpu.memory_space<semaphore_mem>>)
      %slice3A_742 = vector.extract_strided_slice %mul3A_702 {offsets = [3], sizes = [1], strides = [1]} : vector<16xi32> to vector<1xi32>
      %squeeze3A_743 = vector.extract %slice3A_742[0] : i32 from vector<1xi32>
      %multiple_of3A_744 = tpu.assume_multiple %squeeze3A_743, 8 : i32
      %dma_start3A_745 = arith.constant 24 : i32
      %dma_start3A_746 = arith.constant 0 : i32
      %dma_start3A_747 = tpu.memref_slice %arg17[%dma_start3A_745, %dma_start3A_746] : memref<128x32xf32, #tpu.memory_space<vmem>> -> memref<8x32xf32, #tpu.memory_space<vmem>>
      %dma_start3A_748 = arith.constant 0 : i32
      %dma_start3A_749 = tpu.memref_slice %arg6[%multiple_of3A_744, %dma_start3A_748] : memref<1000000x32xf32, #tpu.memory_space<hbm>> -> memref<8x32xf32, #tpu.memory_space<hbm>>
      %dma_start3A_750 = arith.constant 24 : i32
      %dma_start3A_751 = arith.constant 0 : i32
      %dma_start3A_752 = tpu.memref_slice %arg17[%dma_start3A_750, %dma_start3A_751] : memref<128x32xf32, #tpu.memory_space<vmem>> -> memref<8x32xf32, #tpu.memory_space<vmem>>
      %dma_start3A_753 = arith.constant 0 : i32
      %dma_start3A_754 = tpu.memref_slice %arg6[%multiple_of3A_744, %dma_start3A_753] : memref<1000000x32xf32, #tpu.memory_space<hbm>> -> memref<8x32xf32, #tpu.memory_space<hbm>>
      tpu.enqueue_dma source(%dma_start3A_754 : memref<8x32xf32, #tpu.memory_space<hbm>>) target(%dma_start3A_752 : memref<8x32xf32, #tpu.memory_space<vmem>>) target_semaphore(%arg20 : memref<!tpu.dma_semaphore, #tpu.memory_space<semaphore_mem>>)
      %slice3A_755 = vector.extract_strided_slice %mul3A_702 {offsets = [4], sizes = [1], strides = [1]} : vector<16xi32> to vector<1xi32>
      %squeeze3A_756 = vector.extract %slice3A_755[0] : i32 from vector<1xi32>
      %multiple_of3A_757 = tpu.assume_multiple %squeeze3A_756, 8 : i32
      %dma_start3A_758 = arith.constant 32 : i32
      %dma_start3A_759 = arith.constant 0 : i32
      %dma_start3A_760 = tpu.memref_slice %arg17[%dma_start3A_758, %dma_start3A_759] : memref<128x32xf32, #tpu.memory_space<vmem>> -> memref<8x32xf32, #tpu.memory_space<vmem>>
      %dma_start3A_761 = arith.constant 0 : i32
      %dma_start3A_762 = tpu.memref_slice %arg6[%multiple_of3A_757, %dma_start3A_761] : memref<1000000x32xf32, #tpu.memory_space<hbm>> -> memref<8x32xf32, #tpu.memory_space<hbm>>
      %dma_start3A_763 = arith.constant 32 : i32
      %dma_start3A_764 = arith.constant 0 : i32
      %dma_start3A_765 = tpu.memref_slice %arg17[%dma_start3A_763, %dma_start3A_764] : memref<128x32xf32, #tpu.memory_space<vmem>> -> memref<8x32xf32, #tpu.memory_space<vmem>>
      %dma_start3A_766 = arith.constant 0 : i32
      %dma_start3A_767 = tpu.memref_slice %arg6[%multiple_of3A_757, %dma_start3A_766] : memref<1000000x32xf32, #tpu.memory_space<hbm>> -> memref<8x32xf32, #tpu.memory_space<hbm>>
      tpu.enqueue_dma source(%dma_start3A_767 : memref<8x32xf32, #tpu.memory_space<hbm>>) target(%dma_start3A_765 : memref<8x32xf32, #tpu.memory_space<vmem>>) target_semaphore(%arg20 : memref<!tpu.dma_semaphore, #tpu.memory_space<semaphore_mem>>)
      %slice3A_768 = vector.extract_strided_slice %mul3A_702 {offsets = [5], sizes = [1], strides = [1]} : vector<16xi32> to vector<1xi32>
      %squeeze3A_769 = vector.extract %slice3A_768[0] : i32 from vector<1xi32>
      %multiple_of3A_770 = tpu.assume_multiple %squeeze3A_769, 8 : i32
      %dma_start3A_771 = arith.constant 40 : i32
      %dma_start3A_772 = arith.constant 0 : i32
      %dma_start3A_773 = tpu.memref_slice %arg17[%dma_start3A_771, %dma_start3A_772] : memref<128x32xf32, #tpu.memory_space<vmem>> -> memref<8x32xf32, #tpu.memory_space<vmem>>
      %dma_start3A_774 = arith.constant 0 : i32
      %dma_start3A_775 = tpu.memref_slice %arg6[%multiple_of3A_770, %dma_start3A_774] : memref<1000000x32xf32, #tpu.memory_space<hbm>> -> memref<8x32xf32, #tpu.memory_space<hbm>>
      %dma_start3A_776 = arith.constant 40 : i32
      %dma_start3A_777 = arith.constant 0 : i32
      %dma_start3A_778 = tpu.memref_slice %arg17[%dma_start3A_776, %dma_start3A_777] : memref<128x32xf32, #tpu.memory_space<vmem>> -> memref<8x32xf32, #tpu.memory_space<vmem>>
      %dma_start3A_779 = arith.constant 0 : i32
      %dma_start3A_780 = tpu.memref_slice %arg6[%multiple_of3A_770, %dma_start3A_779] : memref<1000000x32xf32, #tpu.memory_space<hbm>> -> memref<8x32xf32, #tpu.memory_space<hbm>>
      tpu.enqueue_dma source(%dma_start3A_780 : memref<8x32xf32, #tpu.memory_space<hbm>>) target(%dma_start3A_778 : memref<8x32xf32, #tpu.memory_space<vmem>>) target_semaphore(%arg20 : memref<!tpu.dma_semaphore, #tpu.memory_space<semaphore_mem>>)
      %slice3A_781 = vector.extract_strided_slice %mul3A_702 {offsets = [6], sizes = [1], strides = [1]} : vector<16xi32> to vector<1xi32>
      %squeeze3A_782 = vector.extract %slice3A_781[0] : i32 from vector<1xi32>
      %multiple_of3A_783 = tpu.assume_multiple %squeeze3A_782, 8 : i32
      %dma_start3A_784 = arith.constant 48 : i32
      %dma_start3A_785 = arith.constant 0 : i32
      %dma_start3A_786 = tpu.memref_slice %arg17[%dma_start3A_784, %dma_start3A_785] : memref<128x32xf32, #tpu.memory_space<vmem>> -> memref<8x32xf32, #tpu.memory_space<vmem>>
      %dma_start3A_787 = arith.constant 0 : i32
      %dma_start3A_788 = tpu.memref_slice %arg6[%multiple_of3A_783, %dma_start3A_787] : memref<1000000x32xf32, #tpu.memory_space<hbm>> -> memref<8x32xf32, #tpu.memory_space<hbm>>
      %dma_start3A_789 = arith.constant 48 : i32
      %dma_start3A_790 = arith.constant 0 : i32
      %dma_start3A_791 = tpu.memref_slice %arg17[%dma_start3A_789, %dma_start3A_790] : memref<128x32xf32, #tpu.memory_space<vmem>> -> memref<8x32xf32, #tpu.memory_space<vmem>>
      %dma_start3A_792 = arith.constant 0 : i32
      %dma_start3A_793 = tpu.memref_slice %arg6[%multiple_of3A_783, %dma_start3A_792] : memref<1000000x32xf32, #tpu.memory_space<hbm>> -> memref<8x32xf32, #tpu.memory_space<hbm>>
      tpu.enqueue_dma source(%dma_start3A_793 : memref<8x32xf32, #tpu.memory_space<hbm>>) target(%dma_start3A_791 : memref<8x32xf32, #tpu.memory_space<vmem>>) target_semaphore(%arg20 : memref<!tpu.dma_semaphore, #tpu.memory_space<semaphore_mem>>)
      %slice3A_794 = vector.extract_strided_slice %mul3A_702 {offsets = [7], sizes = [1], strides = [1]} : vector<16xi32> to vector<1xi32>
      %squeeze3A_795 = vector.extract %slice3A_794[0] : i32 from vector<1xi32>
      %multiple_of3A_796 = tpu.assume_multiple %squeeze3A_795, 8 : i32
      %dma_start3A_797 = arith.constant 56 : i32
      %dma_start3A_798 = arith.constant 0 : i32
      %dma_start3A_799 = tpu.memref_slice %arg17[%dma_start3A_797, %dma_start3A_798] : memref<128x32xf32, #tpu.memory_space<vmem>> -> memref<8x32xf32, #tpu.memory_space<vmem>>
      %dma_start3A_800 = arith.constant 0 : i32
      %dma_start3A_801 = tpu.memref_slice %arg6[%multiple_of3A_796, %dma_start3A_800] : memref<1000000x32xf32, #tpu.memory_space<hbm>> -> memref<8x32xf32, #tpu.memory_space<hbm>>
      %dma_start3A_802 = arith.constant 56 : i32
      %dma_start3A_803 = arith.constant 0 : i32
      %dma_start3A_804 = tpu.memref_slice %arg17[%dma_start3A_802, %dma_start3A_803] : memref<128x32xf32, #tpu.memory_space<vmem>> -> memref<8x32xf32, #tpu.memory_space<vmem>>
      %dma_start3A_805 = arith.constant 0 : i32
      %dma_start3A_806 = tpu.memref_slice %arg6[%multiple_of3A_796, %dma_start3A_805] : memref<1000000x32xf32, #tpu.memory_space<hbm>> -> memref<8x32xf32, #tpu.memory_space<hbm>>
      tpu.enqueue_dma source(%dma_start3A_806 : memref<8x32xf32, #tpu.memory_space<hbm>>) target(%dma_start3A_804 : memref<8x32xf32, #tpu.memory_space<vmem>>) target_semaphore(%arg20 : memref<!tpu.dma_semaphore, #tpu.memory_space<semaphore_mem>>)
      %slice3A_807 = vector.extract_strided_slice %mul3A_702 {offsets = [8], sizes = [1], strides = [1]} : vector<16xi32> to vector<1xi32>
      %squeeze3A_808 = vector.extract %slice3A_807[0] : i32 from vector<1xi32>
      %multiple_of3A_809 = tpu.assume_multiple %squeeze3A_808, 8 : i32
      %dma_start3A_810 = arith.constant 64 : i32
      %dma_start3A_811 = arith.constant 0 : i32
      %dma_start3A_812 = tpu.memref_slice %arg17[%dma_start3A_810, %dma_start3A_811] : memref<128x32xf32, #tpu.memory_space<vmem>> -> memref<8x32xf32, #tpu.memory_space<vmem>>
      %dma_start3A_813 = arith.constant 0 : i32
      %dma_start3A_814 = tpu.memref_slice %arg6[%multiple_of3A_809, %dma_start3A_813] : memref<1000000x32xf32, #tpu.memory_space<hbm>> -> memref<8x32xf32, #tpu.memory_space<hbm>>
      %dma_start3A_815 = arith.constant 64 : i32
      %dma_start3A_816 = arith.constant 0 : i32
      %dma_start3A_817 = tpu.memref_slice %arg17[%dma_start3A_815, %dma_start3A_816] : memref<128x32xf32, #tpu.memory_space<vmem>> -> memref<8x32xf32, #tpu.memory_space<vmem>>
      %dma_start3A_818 = arith.constant 0 : i32
      %dma_start3A_819 = tpu.memref_slice %arg6[%multiple_of3A_809, %dma_start3A_818] : memref<1000000x32xf32, #tpu.memory_space<hbm>> -> memref<8x32xf32, #tpu.memory_space<hbm>>
      tpu.enqueue_dma source(%dma_start3A_819 : memref<8x32xf32, #tpu.memory_space<hbm>>) target(%dma_start3A_817 : memref<8x32xf32, #tpu.memory_space<vmem>>) target_semaphore(%arg20 : memref<!tpu.dma_semaphore, #tpu.memory_space<semaphore_mem>>)
      %slice3A_820 = vector.extract_strided_slice %mul3A_702 {offsets = [9], sizes = [1], strides = [1]} : vector<16xi32> to vector<1xi32>
      %squeeze3A_821 = vector.extract %slice3A_820[0] : i32 from vector<1xi32>
      %multiple_of3A_822 = tpu.assume_multiple %squeeze3A_821, 8 : i32
      %dma_start3A_823 = arith.constant 72 : i32
      %dma_start3A_824 = arith.constant 0 : i32
      %dma_start3A_825 = tpu.memref_slice %arg17[%dma_start3A_823, %dma_start3A_824] : memref<128x32xf32, #tpu.memory_space<vmem>> -> memref<8x32xf32, #tpu.memory_space<vmem>>
      %dma_start3A_826 = arith.constant 0 : i32
      %dma_start3A_827 = tpu.memref_slice %arg6[%multiple_of3A_822, %dma_start3A_826] : memref<1000000x32xf32, #tpu.memory_space<hbm>> -> memref<8x32xf32, #tpu.memory_space<hbm>>
      %dma_start3A_828 = arith.constant 72 : i32
      %dma_start3A_829 = arith.constant 0 : i32
      %dma_start3A_830 = tpu.memref_slice %arg17[%dma_start3A_828, %dma_start3A_829] : memref<128x32xf32, #tpu.memory_space<vmem>> -> memref<8x32xf32, #tpu.memory_space<vmem>>
      %dma_start3A_831 = arith.constant 0 : i32
      %dma_start3A_832 = tpu.memref_slice %arg6[%multiple_of3A_822, %dma_start3A_831] : memref<1000000x32xf32, #tpu.memory_space<hbm>> -> memref<8x32xf32, #tpu.memory_space<hbm>>
      tpu.enqueue_dma source(%dma_start3A_832 : memref<8x32xf32, #tpu.memory_space<hbm>>) target(%dma_start3A_830 : memref<8x32xf32, #tpu.memory_space<vmem>>) target_semaphore(%arg20 : memref<!tpu.dma_semaphore, #tpu.memory_space<semaphore_mem>>)
      %slice3A_833 = vector.extract_strided_slice %mul3A_702 {offsets = [10], sizes = [1], strides = [1]} : vector<16xi32> to vector<1xi32>
      %squeeze3A_834 = vector.extract %slice3A_833[0] : i32 from vector<1xi32>
      %multiple_of3A_835 = tpu.assume_multiple %squeeze3A_834, 8 : i32
      %dma_start3A_836 = arith.constant 80 : i32
      %dma_start3A_837 = arith.constant 0 : i32
      %dma_start3A_838 = tpu.memref_slice %arg17[%dma_start3A_836, %dma_start3A_837] : memref<128x32xf32, #tpu.memory_space<vmem>> -> memref<8x32xf32, #tpu.memory_space<vmem>>
      %dma_start3A_839 = arith.constant 0 : i32
      %dma_start3A_840 = tpu.memref_slice %arg6[%multiple_of3A_835, %dma_start3A_839] : memref<1000000x32xf32, #tpu.memory_space<hbm>> -> memref<8x32xf32, #tpu.memory_space<hbm>>
      %dma_start3A_841 = arith.constant 80 : i32
      %dma_start3A_842 = arith.constant 0 : i32
      %dma_start3A_843 = tpu.memref_slice %arg17[%dma_start3A_841, %dma_start3A_842] : memref<128x32xf32, #tpu.memory_space<vmem>> -> memref<8x32xf32, #tpu.memory_space<vmem>>
      %dma_start3A_844 = arith.constant 0 : i32
      %dma_start3A_845 = tpu.memref_slice %arg6[%multiple_of3A_835, %dma_start3A_844] : memref<1000000x32xf32, #tpu.memory_space<hbm>> -> memref<8x32xf32, #tpu.memory_space<hbm>>
      tpu.enqueue_dma source(%dma_start3A_845 : memref<8x32xf32, #tpu.memory_space<hbm>>) target(%dma_start3A_843 : memref<8x32xf32, #tpu.memory_space<vmem>>) target_semaphore(%arg20 : memref<!tpu.dma_semaphore, #tpu.memory_space<semaphore_mem>>)
      %slice3A_846 = vector.extract_strided_slice %mul3A_702 {offsets = [11], sizes = [1], strides = [1]} : vector<16xi32> to vector<1xi32>
      %squeeze3A_847 = vector.extract %slice3A_846[0] : i32 from vector<1xi32>
      %multiple_of3A_848 = tpu.assume_multiple %squeeze3A_847, 8 : i32
      %dma_start3A_849 = arith.constant 88 : i32
      %dma_start3A_850 = arith.constant 0 : i32
      %dma_start3A_851 = tpu.memref_slice %arg17[%dma_start3A_849, %dma_start3A_850] : memref<128x32xf32, #tpu.memory_space<vmem>> -> memref<8x32xf32, #tpu.memory_space<vmem>>
      %dma_start3A_852 = arith.constant 0 : i32
      %dma_start3A_853 = tpu.memref_slice %arg6[%multiple_of3A_848, %dma_start3A_852] : memref<1000000x32xf32, #tpu.memory_space<hbm>> -> memref<8x32xf32, #tpu.memory_space<hbm>>
      %dma_start3A_854 = arith.constant 88 : i32
      %dma_start3A_855 = arith.constant 0 : i32
      %dma_start3A_856 = tpu.memref_slice %arg17[%dma_start3A_854, %dma_start3A_855] : memref<128x32xf32, #tpu.memory_space<vmem>> -> memref<8x32xf32, #tpu.memory_space<vmem>>
      %dma_start3A_857 = arith.constant 0 : i32
      %dma_start3A_858 = tpu.memref_slice %arg6[%multiple_of3A_848, %dma_start3A_857] : memref<1000000x32xf32, #tpu.memory_space<hbm>> -> memref<8x32xf32, #tpu.memory_space<hbm>>
      tpu.enqueue_dma source(%dma_start3A_858 : memref<8x32xf32, #tpu.memory_space<hbm>>) target(%dma_start3A_856 : memref<8x32xf32, #tpu.memory_space<vmem>>) target_semaphore(%arg20 : memref<!tpu.dma_semaphore, #tpu.memory_space<semaphore_mem>>)
      %slice3A_859 = vector.extract_strided_slice %mul3A_702 {offsets = [12], sizes = [1], strides = [1]} : vector<16xi32> to vector<1xi32>
      %squeeze3A_860 = vector.extract %slice3A_859[0] : i32 from vector<1xi32>
      %multiple_of3A_861 = tpu.assume_multiple %squeeze3A_860, 8 : i32
      %dma_start3A_862 = arith.constant 96 : i32
      %dma_start3A_863 = arith.constant 0 : i32
      %dma_start3A_864 = tpu.memref_slice %arg17[%dma_start3A_862, %dma_start3A_863] : memref<128x32xf32, #tpu.memory_space<vmem>> -> memref<8x32xf32, #tpu.memory_space<vmem>>
      %dma_start3A_865 = arith.constant 0 : i32
      %dma_start3A_866 = tpu.memref_slice %arg6[%multiple_of3A_861, %dma_start3A_865] : memref<1000000x32xf32, #tpu.memory_space<hbm>> -> memref<8x32xf32, #tpu.memory_space<hbm>>
      %dma_start3A_867 = arith.constant 96 : i32
      %dma_start3A_868 = arith.constant 0 : i32
      %dma_start3A_869 = tpu.memref_slice %arg17[%dma_start3A_867, %dma_start3A_868] : memref<128x32xf32, #tpu.memory_space<vmem>> -> memref<8x32xf32, #tpu.memory_space<vmem>>
      %dma_start3A_870 = arith.constant 0 : i32
      %dma_start3A_871 = tpu.memref_slice %arg6[%multiple_of3A_861, %dma_start3A_870] : memref<1000000x32xf32, #tpu.memory_space<hbm>> -> memref<8x32xf32, #tpu.memory_space<hbm>>
      tpu.enqueue_dma source(%dma_start3A_871 : memref<8x32xf32, #tpu.memory_space<hbm>>) target(%dma_start3A_869 : memref<8x32xf32, #tpu.memory_space<vmem>>) target_semaphore(%arg20 : memref<!tpu.dma_semaphore, #tpu.memory_space<semaphore_mem>>)
      %slice3A_872 = vector.extract_strided_slice %mul3A_702 {offsets = [13], sizes = [1], strides = [1]} : vector<16xi32> to vector<1xi32>
      %squeeze3A_873 = vector.extract %slice3A_872[0] : i32 from vector<1xi32>
      %multiple_of3A_874 = tpu.assume_multiple %squeeze3A_873, 8 : i32
      %dma_start3A_875 = arith.constant 104 : i32
      %dma_start3A_876 = arith.constant 0 : i32
      %dma_start3A_877 = tpu.memref_slice %arg17[%dma_start3A_875, %dma_start3A_876] : memref<128x32xf32, #tpu.memory_space<vmem>> -> memref<8x32xf32, #tpu.memory_space<vmem>>
      %dma_start3A_878 = arith.constant 0 : i32
      %dma_start3A_879 = tpu.memref_slice %arg6[%multiple_of3A_874, %dma_start3A_878] : memref<1000000x32xf32, #tpu.memory_space<hbm>> -> memref<8x32xf32, #tpu.memory_space<hbm>>
      %dma_start3A_880 = arith.constant 104 : i32
      %dma_start3A_881 = arith.constant 0 : i32
      %dma_start3A_882 = tpu.memref_slice %arg17[%dma_start3A_880, %dma_start3A_881] : memref<128x32xf32, #tpu.memory_space<vmem>> -> memref<8x32xf32, #tpu.memory_space<vmem>>
      %dma_start3A_883 = arith.constant 0 : i32
      %dma_start3A_884 = tpu.memref_slice %arg6[%multiple_of3A_874, %dma_start3A_883] : memref<1000000x32xf32, #tpu.memory_space<hbm>> -> memref<8x32xf32, #tpu.memory_space<hbm>>
      tpu.enqueue_dma source(%dma_start3A_884 : memref<8x32xf32, #tpu.memory_space<hbm>>) target(%dma_start3A_882 : memref<8x32xf32, #tpu.memory_space<vmem>>) target_semaphore(%arg20 : memref<!tpu.dma_semaphore, #tpu.memory_space<semaphore_mem>>)
      %slice3A_885 = vector.extract_strided_slice %mul3A_702 {offsets = [14], sizes = [1], strides = [1]} : vector<16xi32> to vector<1xi32>
      %squeeze3A_886 = vector.extract %slice3A_885[0] : i32 from vector<1xi32>
      %multiple_of3A_887 = tpu.assume_multiple %squeeze3A_886, 8 : i32
      %dma_start3A_888 = arith.constant 112 : i32
      %dma_start3A_889 = arith.constant 0 : i32
      %dma_start3A_890 = tpu.memref_slice %arg17[%dma_start3A_888, %dma_start3A_889] : memref<128x32xf32, #tpu.memory_space<vmem>> -> memref<8x32xf32, #tpu.memory_space<vmem>>
      %dma_start3A_891 = arith.constant 0 : i32
      %dma_start3A_892 = tpu.memref_slice %arg6[%multiple_of3A_887, %dma_start3A_891] : memref<1000000x32xf32, #tpu.memory_space<hbm>> -> memref<8x32xf32, #tpu.memory_space<hbm>>
      %dma_start3A_893 = arith.constant 112 : i32
      %dma_start3A_894 = arith.constant 0 : i32
      %dma_start3A_895 = tpu.memref_slice %arg17[%dma_start3A_893, %dma_start3A_894] : memref<128x32xf32, #tpu.memory_space<vmem>> -> memref<8x32xf32, #tpu.memory_space<vmem>>
      %dma_start3A_896 = arith.constant 0 : i32
      %dma_start3A_897 = tpu.memref_slice %arg6[%multiple_of3A_887, %dma_start3A_896] : memref<1000000x32xf32, #tpu.memory_space<hbm>> -> memref<8x32xf32, #tpu.memory_space<hbm>>
      tpu.enqueue_dma source(%dma_start3A_897 : memref<8x32xf32, #tpu.memory_space<hbm>>) target(%dma_start3A_895 : memref<8x32xf32, #tpu.memory_space<vmem>>) target_semaphore(%arg20 : memref<!tpu.dma_semaphore, #tpu.memory_space<semaphore_mem>>)
      %slice3A_898 = vector.extract_strided_slice %mul3A_702 {offsets = [15], sizes = [1], strides = [1]} : vector<16xi32> to vector<1xi32>
      %squeeze3A_899 = vector.extract %slice3A_898[0] : i32 from vector<1xi32>
      %multiple_of3A_900 = tpu.assume_multiple %squeeze3A_899, 8 : i32
      %dma_start3A_901 = arith.constant 120 : i32
      %dma_start3A_902 = arith.constant 0 : i32
      %dma_start3A_903 = tpu.memref_slice %arg17[%dma_start3A_901, %dma_start3A_902] : memref<128x32xf32, #tpu.memory_space<vmem>> -> memref<8x32xf32, #tpu.memory_space<vmem>>
      %dma_start3A_904 = arith.constant 0 : i32
      %dma_start3A_905 = tpu.memref_slice %arg6[%multiple_of3A_900, %dma_start3A_904] : memref<1000000x32xf32, #tpu.memory_space<hbm>> -> memref<8x32xf32, #tpu.memory_space<hbm>>
      %dma_start3A_906 = arith.constant 120 : i32
      %dma_start3A_907 = arith.constant 0 : i32
      %dma_start3A_908 = tpu.memref_slice %arg17[%dma_start3A_906, %dma_start3A_907] : memref<128x32xf32, #tpu.memory_space<vmem>> -> memref<8x32xf32, #tpu.memory_space<vmem>>
      %dma_start3A_909 = arith.constant 0 : i32
      %dma_start3A_910 = tpu.memref_slice %arg6[%multiple_of3A_900, %dma_start3A_909] : memref<1000000x32xf32, #tpu.memory_space<hbm>> -> memref<8x32xf32, #tpu.memory_space<hbm>>
      tpu.enqueue_dma source(%dma_start3A_910 : memref<8x32xf32, #tpu.memory_space<hbm>>) target(%dma_start3A_908 : memref<8x32xf32, #tpu.memory_space<vmem>>) target_semaphore(%arg20 : memref<!tpu.dma_semaphore, #tpu.memory_space<semaphore_mem>>)
      %dma_wait3A = arith.constant 0 : i32
      %dma_wait3A_911 = arith.constant 0 : i32
      %dma_wait3A_912 = tpu.memref_slice %arg6[%dma_wait3A, %dma_wait3A_911] : memref<1000000x32xf32, #tpu.memory_space<hbm>> -> memref<128x32xf32, #tpu.memory_space<hbm>>
      %dma_wait3A_913 = arith.constant 0 : i32
      %dma_wait3A_914 = arith.constant 0 : i32
      %dma_wait3A_915 = tpu.memref_slice %arg6[%dma_wait3A_913, %dma_wait3A_914] : memref<1000000x32xf32, #tpu.memory_space<hbm>> -> memref<128x32xf32, #tpu.memory_space<hbm>>
      tpu.wait_dma2 semaphore(%arg20 : memref<!tpu.dma_semaphore, #tpu.memory_space<semaphore_mem>>) src(%dma_wait3A_915 : memref<128x32xf32, #tpu.memory_space<hbm>>) dst(%arg14 : memref<128x32xf32, #tpu.memory_space<vmem>>)
      %dma_wait3A_916 = arith.constant 0 : i32
      %dma_wait3A_917 = arith.constant 0 : i32
      %dma_wait3A_918 = tpu.memref_slice %arg7[%dma_wait3A_916, %dma_wait3A_917] : memref<1000000x32xf32, #tpu.memory_space<hbm>> -> memref<128x32xf32, #tpu.memory_space<hbm>>
      %dma_wait3A_919 = arith.constant 0 : i32
      %dma_wait3A_920 = arith.constant 0 : i32
      %dma_wait3A_921 = tpu.memref_slice %arg7[%dma_wait3A_919, %dma_wait3A_920] : memref<1000000x32xf32, #tpu.memory_space<hbm>> -> memref<128x32xf32, #tpu.memory_space<hbm>>
      tpu.wait_dma2 semaphore(%arg20 : memref<!tpu.dma_semaphore, #tpu.memory_space<semaphore_mem>>) src(%dma_wait3A_921 : memref<128x32xf32, #tpu.memory_space<hbm>>) dst(%arg15 : memref<128x32xf32, #tpu.memory_space<vmem>>)
      %dma_wait3A_922 = arith.constant 0 : i32
      %dma_wait3A_923 = arith.constant 0 : i32
      %dma_wait3A_924 = tpu.memref_slice %arg7[%dma_wait3A_922, %dma_wait3A_923] : memref<1000000x32xf32, #tpu.memory_space<hbm>> -> memref<128x32xf32, #tpu.memory_space<hbm>>
      %dma_wait3A_925 = arith.constant 0 : i32
      %dma_wait3A_926 = arith.constant 0 : i32
      %dma_wait3A_927 = tpu.memref_slice %arg7[%dma_wait3A_925, %dma_wait3A_926] : memref<1000000x32xf32, #tpu.memory_space<hbm>> -> memref<128x32xf32, #tpu.memory_space<hbm>>
      tpu.wait_dma2 semaphore(%arg20 : memref<!tpu.dma_semaphore, #tpu.memory_space<semaphore_mem>>) src(%dma_wait3A_927 : memref<128x32xf32, #tpu.memory_space<hbm>>) dst(%arg16 : memref<128x32xf32, #tpu.memory_space<vmem>>)
      %dma_wait3A_928 = arith.constant 0 : i32
      %dma_wait3A_929 = arith.constant 0 : i32
      %dma_wait3A_930 = tpu.memref_slice %arg6[%dma_wait3A_928, %dma_wait3A_929] : memref<1000000x32xf32, #tpu.memory_space<hbm>> -> memref<128x32xf32, #tpu.memory_space<hbm>>
      %dma_wait3A_931 = arith.constant 0 : i32
      %dma_wait3A_932 = arith.constant 0 : i32
      %dma_wait3A_933 = tpu.memref_slice %arg6[%dma_wait3A_931, %dma_wait3A_932] : memref<1000000x32xf32, #tpu.memory_space<hbm>> -> memref<128x32xf32, #tpu.memory_space<hbm>>
      tpu.wait_dma2 semaphore(%arg20 : memref<!tpu.dma_semaphore, #tpu.memory_space<semaphore_mem>>) src(%dma_wait3A_933 : memref<128x32xf32, #tpu.memory_space<hbm>>) dst(%arg17 : memref<128x32xf32, #tpu.memory_space<vmem>>)
      %mul3A_934 = arith.constant 8 : i32
      %mul3A_935 = vector.broadcast %mul3A_934 : i32 to vector<16xi32>
      %mul3A_936 = arith.muli %iota3A, %mul3A_935 : vector<16xi32>
      %get3A_937 = arith.index_cast %select_n3A : i32 to index
      %get3A_938 = arith.index_cast %mul3A_48 : i32 to index
      %get3A_939 = tpu.vector_load %arg10[%get3A_937, %get3A_938] {strides = array<i32>} : memref<4x128xi32, #tpu.memory_space<vmem>>, vector<16xi32>,
      %and3A_940 = arith.constant 7 : i32
      %and3A_941 = vector.broadcast %and3A_940 : i32 to vector<16xi32>
      %and3A_942 = arith.andi %get3A_939, %and3A_941 : vector<16xi32>
      %add3A_943 = arith.addi %mul3A_936, %and3A_942 : vector<16xi32>
      %mul3A_944 = arith.constant 8 : i32
      %mul3A_945 = vector.broadcast %mul3A_944 : i32 to vector<16xi32>
      %mul3A_946 = arith.muli %iota3A, %mul3A_945 : vector<16xi32>
      %get3A_947 = arith.index_cast %select_n3A : i32 to index
      %get3A_948 = arith.index_cast %mul3A_48 : i32 to index
      %get3A_949 = tpu.vector_load %arg11[%get3A_947, %get3A_948] {strides = array<i32>} : memref<4x128xi32, #tpu.memory_space<vmem>>, vector<16xi32>,
      %and3A_950 = arith.constant 7 : i32
      %and3A_951 = vector.broadcast %and3A_950 : i32 to vector<16xi32>
      %and3A_952 = arith.andi %get3A_949, %and3A_951 : vector<16xi32>
      %add3A_953 = arith.addi %mul3A_946, %and3A_952 : vector<16xi32>
      %mul3A_954 = arith.constant 8 : i32
      %mul3A_955 = vector.broadcast %mul3A_954 : i32 to vector<16xi32>
      %mul3A_956 = arith.muli %iota3A, %mul3A_955 : vector<16xi32>
      %get3A_957 = arith.index_cast %select_n3A : i32 to index
      %get3A_958 = arith.index_cast %mul3A_48 : i32 to index
      %get3A_959 = tpu.vector_load %arg13[%get3A_957, %get3A_958] {strides = array<i32>} : memref<4x128xi32, #tpu.memory_space<vmem>>, vector<16xi32>,
      %and3A_960 = arith.constant 7 : i32
      %and3A_961 = vector.broadcast %and3A_960 : i32 to vector<16xi32>
      %and3A_962 = arith.andi %get3A_959, %and3A_961 : vector<16xi32>
      %add3A_963 = arith.addi %mul3A_956, %and3A_962 : vector<16xi32>
      %mul3A_964 = arith.constant 8 : i32
      %mul3A_965 = vector.broadcast %mul3A_964 : i32 to vector<16xi32>
      %mul3A_966 = arith.muli %iota3A, %mul3A_965 : vector<16xi32>
      %get3A_967 = arith.index_cast %select_n3A : i32 to index
      %get3A_968 = arith.index_cast %mul3A_48 : i32 to index
      %get3A_969 = tpu.vector_load %arg12[%get3A_967, %get3A_968] {strides = array<i32>} : memref<4x128xi32, #tpu.memory_space<vmem>>, vector<16xi32>,
      %and3A_970 = arith.constant 7 : i32
      %and3A_971 = vector.broadcast %and3A_970 : i32 to vector<16xi32>
      %and3A_972 = arith.andi %get3A_969, %and3A_971 : vector<16xi32>
      %add3A_973 = arith.addi %mul3A_966, %and3A_972 : vector<16xi32>
      %broadcast_in_dim3A_974 = arith.constant 0 : i32
      %broadcast_in_dim3A_975 = vector.broadcast %broadcast_in_dim3A_974 : i32 to vector<16xi32>
      %gather3A = tpu.vector_load_idx %arg14[%add3A_943, %broadcast_in_dim3A_975] : memref<128x32xf32, #tpu.memory_space<vmem>>[vector<16xi32>, vector<16xi32>], vector<16xf32>,
      %gather3A_976 = tpu.vector_load_idx %arg15[%add3A_953, %broadcast_in_dim3A_975] : memref<128x32xf32, #tpu.memory_space<vmem>>[vector<16xi32>, vector<16xi32>], vector<16xf32>,
      %gather3A_977 = tpu.vector_load_idx %arg16[%add3A_963, %broadcast_in_dim3A_975] : memref<128x32xf32, #tpu.memory_space<vmem>>[vector<16xi32>, vector<16xi32>], vector<16xf32>,
      %gather3A_978 = tpu.vector_load_idx %arg17[%add3A_973, %broadcast_in_dim3A_975] : memref<128x32xf32, #tpu.memory_space<vmem>>[vector<16xi32>, vector<16xi32>], vector<16xf32>,
      %mul3A_979 = arith.mulf %gather3A_977, %gather3A_978 : vector<16xf32>
      %add3A_980 = arith.addf %gather3A, %mul3A_979 : vector<16xf32>
      %sub3A_981 = arith.subf %add3A_980, %gather3A_976 : vector<16xf32>
      %mul3A_982 = arith.mulf %sub3A_981, %sub3A_981 : vector<16xf32>
      %add3A_983 = arith.addf %broadcast_in_dim3A_1, %mul3A_982 : vector<16xf32>
      %add3A_984 = arith.addf %scan3A_15, %mul3A_982 : vector<16xf32>
      %sub3A_985 = arith.subf %gather3A, %gather3A_977 : vector<16xf32>
      %sub3A_986 = arith.subf %gather3A_976, %gather3A_978 : vector<16xf32>
      %mul3A_987 = arith.mulf %sub3A_985, %sub3A_985 : vector<16xf32>
      %add3A_988 = arith.addf %scan3A_16, %mul3A_987 : vector<16xf32>
      %mul3A_989 = arith.mulf %sub3A_986, %sub3A_986 : vector<16xf32>
      %add3A_990 = arith.addf %add3A_988, %mul3A_989 : vector<16xf32>
      %broadcast_in_dim3A_991 = arith.constant 1 : i32
      %broadcast_in_dim3A_992 = vector.broadcast %broadcast_in_dim3A_991 : i32 to vector<16xi32>
      %gather3A_993 = tpu.vector_load_idx %arg14[%add3A_943, %broadcast_in_dim3A_992] : memref<128x32xf32, #tpu.memory_space<vmem>>[vector<16xi32>, vector<16xi32>], vector<16xf32>,
      %gather3A_994 = tpu.vector_load_idx %arg15[%add3A_953, %broadcast_in_dim3A_992] : memref<128x32xf32, #tpu.memory_space<vmem>>[vector<16xi32>, vector<16xi32>], vector<16xf32>,
      %gather3A_995 = tpu.vector_load_idx %arg16[%add3A_963, %broadcast_in_dim3A_992] : memref<128x32xf32, #tpu.memory_space<vmem>>[vector<16xi32>, vector<16xi32>], vector<16xf32>,
      %gather3A_996 = tpu.vector_load_idx %arg17[%add3A_973, %broadcast_in_dim3A_992] : memref<128x32xf32, #tpu.memory_space<vmem>>[vector<16xi32>, vector<16xi32>], vector<16xf32>,
      %mul3A_997 = arith.mulf %gather3A_995, %gather3A_996 : vector<16xf32>
      %add3A_998 = arith.addf %gather3A_993, %mul3A_997 : vector<16xf32>
      %sub3A_999 = arith.subf %add3A_998, %gather3A_994 : vector<16xf32>
      %mul3A_1000 = arith.mulf %sub3A_999, %sub3A_999 : vector<16xf32>
      %add3A_1001 = arith.addf %add3A_983, %mul3A_1000 : vector<16xf32>
      %add3A_1002 = arith.addf %add3A_984, %mul3A_1000 : vector<16xf32>
      %sub3A_1003 = arith.subf %gather3A_993, %gather3A_995 : vector<16xf32>
      %sub3A_1004 = arith.subf %gather3A_994, %gather3A_996 : vector<16xf32>
      %mul3A_1005 = arith.mulf %sub3A_1003, %sub3A_1003 : vector<16xf32>
      %add3A_1006 = arith.addf %add3A_990, %mul3A_1005 : vector<16xf32>
      %mul3A_1007 = arith.mulf %sub3A_1004, %sub3A_1004 : vector<16xf32>
      %add3A_1008 = arith.addf %add3A_1006, %mul3A_1007 : vector<16xf32>
      %broadcast_in_dim3A_1009 = arith.constant 2 : i32
      %broadcast_in_dim3A_1010 = vector.broadcast %broadcast_in_dim3A_1009 : i32 to vector<16xi32>
      %gather3A_1011 = tpu.vector_load_idx %arg14[%add3A_943, %broadcast_in_dim3A_1010] : memref<128x32xf32, #tpu.memory_space<vmem>>[vector<16xi32>, vector<16xi32>], vector<16xf32>,
      %gather3A_1012 = tpu.vector_load_idx %arg15[%add3A_953, %broadcast_in_dim3A_1010] : memref<128x32xf32, #tpu.memory_space<vmem>>[vector<16xi32>, vector<16xi32>], vector<16xf32>,
      %gather3A_1013 = tpu.vector_load_idx %arg16[%add3A_963, %broadcast_in_dim3A_1010] : memref<128x32xf32, #tpu.memory_space<vmem>>[vector<16xi32>, vector<16xi32>], vector<16xf32>,
      %gather3A_1014 = tpu.vector_load_idx %arg17[%add3A_973, %broadcast_in_dim3A_1010] : memref<128x32xf32, #tpu.memory_space<vmem>>[vector<16xi32>, vector<16xi32>], vector<16xf32>,
      %mul3A_1015 = arith.mulf %gather3A_1013, %gather3A_1014 : vector<16xf32>
      %add3A_1016 = arith.addf %gather3A_1011, %mul3A_1015 : vector<16xf32>
      %sub3A_1017 = arith.subf %add3A_1016, %gather3A_1012 : vector<16xf32>
      %mul3A_1018 = arith.mulf %sub3A_1017, %sub3A_1017 : vector<16xf32>
      %add3A_1019 = arith.addf %add3A_1001, %mul3A_1018 : vector<16xf32>
      %add3A_1020 = arith.addf %add3A_1002, %mul3A_1018 : vector<16xf32>
      %sub3A_1021 = arith.subf %gather3A_1011, %gather3A_1013 : vector<16xf32>
      %sub3A_1022 = arith.subf %gather3A_1012, %gather3A_1014 : vector<16xf32>
      %mul3A_1023 = arith.mulf %sub3A_1021, %sub3A_1021 : vector<16xf32>
      %add3A_1024 = arith.addf %add3A_1008, %mul3A_1023 : vector<16xf32>
      %mul3A_1025 = arith.mulf %sub3A_1022, %sub3A_1022 : vector<16xf32>
      %add3A_1026 = arith.addf %add3A_1024, %mul3A_1025 : vector<16xf32>
      %broadcast_in_dim3A_1027 = arith.constant 3 : i32
      %broadcast_in_dim3A_1028 = vector.broadcast %broadcast_in_dim3A_1027 : i32 to vector<16xi32>
      %gather3A_1029 = tpu.vector_load_idx %arg14[%add3A_943, %broadcast_in_dim3A_1028] : memref<128x32xf32, #tpu.memory_space<vmem>>[vector<16xi32>, vector<16xi32>], vector<16xf32>,
      %gather3A_1030 = tpu.vector_load_idx %arg15[%add3A_953, %broadcast_in_dim3A_1028] : memref<128x32xf32, #tpu.memory_space<vmem>>[vector<16xi32>, vector<16xi32>], vector<16xf32>,
      %gather3A_1031 = tpu.vector_load_idx %arg16[%add3A_963, %broadcast_in_dim3A_1028] : memref<128x32xf32, #tpu.memory_space<vmem>>[vector<16xi32>, vector<16xi32>], vector<16xf32>,
      %gather3A_1032 = tpu.vector_load_idx %arg17[%add3A_973, %broadcast_in_dim3A_1028] : memref<128x32xf32, #tpu.memory_space<vmem>>[vector<16xi32>, vector<16xi32>], vector<16xf32>,
      %mul3A_1033 = arith.mulf %gather3A_1031, %gather3A_1032 : vector<16xf32>
      %add3A_1034 = arith.addf %gather3A_1029, %mul3A_1033 : vector<16xf32>
      %sub3A_1035 = arith.subf %add3A_1034, %gather3A_1030 : vector<16xf32>
      %mul3A_1036 = arith.mulf %sub3A_1035, %sub3A_1035 : vector<16xf32>
      %add3A_1037 = arith.addf %add3A_1019, %mul3A_1036 : vector<16xf32>
      %add3A_1038 = arith.addf %add3A_1020, %mul3A_1036 : vector<16xf32>
      %sub3A_1039 = arith.subf %gather3A_1029, %gather3A_1031 : vector<16xf32>
      %sub3A_1040 = arith.subf %gather3A_1030, %gather3A_1032 : vector<16xf32>
      %mul3A_1041 = arith.mulf %sub3A_1039, %sub3A_1039 : vector<16xf32>
      %add3A_1042 = arith.addf %add3A_1026, %mul3A_1041 : vector<16xf32>
      %mul3A_1043 = arith.mulf %sub3A_1040, %sub3A_1040 : vector<16xf32>
      %add3A_1044 = arith.addf %add3A_1042, %mul3A_1043 : vector<16xf32>
      %broadcast_in_dim3A_1045 = arith.constant 4 : i32
      %broadcast_in_dim3A_1046 = vector.broadcast %broadcast_in_dim3A_1045 : i32 to vector<16xi32>
      %gather3A_1047 = tpu.vector_load_idx %arg14[%add3A_943, %broadcast_in_dim3A_1046] : memref<128x32xf32, #tpu.memory_space<vmem>>[vector<16xi32>, vector<16xi32>], vector<16xf32>,
      %gather3A_1048 = tpu.vector_load_idx %arg15[%add3A_953, %broadcast_in_dim3A_1046] : memref<128x32xf32, #tpu.memory_space<vmem>>[vector<16xi32>, vector<16xi32>], vector<16xf32>,
      %gather3A_1049 = tpu.vector_load_idx %arg16[%add3A_963, %broadcast_in_dim3A_1046] : memref<128x32xf32, #tpu.memory_space<vmem>>[vector<16xi32>, vector<16xi32>], vector<16xf32>,
      %gather3A_1050 = tpu.vector_load_idx %arg17[%add3A_973, %broadcast_in_dim3A_1046] : memref<128x32xf32, #tpu.memory_space<vmem>>[vector<16xi32>, vector<16xi32>], vector<16xf32>,
      %mul3A_1051 = arith.mulf %gather3A_1049, %gather3A_1050 : vector<16xf32>
      %add3A_1052 = arith.addf %gather3A_1047, %mul3A_1051 : vector<16xf32>
      %sub3A_1053 = arith.subf %add3A_1052, %gather3A_1048 : vector<16xf32>
      %mul3A_1054 = arith.mulf %sub3A_1053, %sub3A_1053 : vector<16xf32>
      %add3A_1055 = arith.addf %add3A_1037, %mul3A_1054 : vector<16xf32>
      %add3A_1056 = arith.addf %add3A_1038, %mul3A_1054 : vector<16xf32>
      %sub3A_1057 = arith.subf %gather3A_1047, %gather3A_1049 : vector<16xf32>
      %sub3A_1058 = arith.subf %gather3A_1048, %gather3A_1050 : vector<16xf32>
      %mul3A_1059 = arith.mulf %sub3A_1057, %sub3A_1057 : vector<16xf32>
      %add3A_1060 = arith.addf %add3A_1044, %mul3A_1059 : vector<16xf32>
      %mul3A_1061 = arith.mulf %sub3A_1058, %sub3A_1058 : vector<16xf32>
      %add3A_1062 = arith.addf %add3A_1060, %mul3A_1061 : vector<16xf32>
      %broadcast_in_dim3A_1063 = arith.constant 5 : i32
      %broadcast_in_dim3A_1064 = vector.broadcast %broadcast_in_dim3A_1063 : i32 to vector<16xi32>
      %gather3A_1065 = tpu.vector_load_idx %arg14[%add3A_943, %broadcast_in_dim3A_1064] : memref<128x32xf32, #tpu.memory_space<vmem>>[vector<16xi32>, vector<16xi32>], vector<16xf32>,
      %gather3A_1066 = tpu.vector_load_idx %arg15[%add3A_953, %broadcast_in_dim3A_1064] : memref<128x32xf32, #tpu.memory_space<vmem>>[vector<16xi32>, vector<16xi32>], vector<16xf32>,
      %gather3A_1067 = tpu.vector_load_idx %arg16[%add3A_963, %broadcast_in_dim3A_1064] : memref<128x32xf32, #tpu.memory_space<vmem>>[vector<16xi32>, vector<16xi32>], vector<16xf32>,
      %gather3A_1068 = tpu.vector_load_idx %arg17[%add3A_973, %broadcast_in_dim3A_1064] : memref<128x32xf32, #tpu.memory_space<vmem>>[vector<16xi32>, vector<16xi32>], vector<16xf32>,
      %mul3A_1069 = arith.mulf %gather3A_1067, %gather3A_1068 : vector<16xf32>
      %add3A_1070 = arith.addf %gather3A_1065, %mul3A_1069 : vector<16xf32>
      %sub3A_1071 = arith.subf %add3A_1070, %gather3A_1066 : vector<16xf32>
      %mul3A_1072 = arith.mulf %sub3A_1071, %sub3A_1071 : vector<16xf32>
      %add3A_1073 = arith.addf %add3A_1055, %mul3A_1072 : vector<16xf32>
      %add3A_1074 = arith.addf %add3A_1056, %mul3A_1072 : vector<16xf32>
      %sub3A_1075 = arith.subf %gather3A_1065, %gather3A_1067 : vector<16xf32>
      %sub3A_1076 = arith.subf %gather3A_1066, %gather3A_1068 : vector<16xf32>
      %mul3A_1077 = arith.mulf %sub3A_1075, %sub3A_1075 : vector<16xf32>
      %add3A_1078 = arith.addf %add3A_1062, %mul3A_1077 : vector<16xf32>
      %mul3A_1079 = arith.mulf %sub3A_1076, %sub3A_1076 : vector<16xf32>
      %add3A_1080 = arith.addf %add3A_1078, %mul3A_1079 : vector<16xf32>
      %broadcast_in_dim3A_1081 = arith.constant 6 : i32
      %broadcast_in_dim3A_1082 = vector.broadcast %broadcast_in_dim3A_1081 : i32 to vector<16xi32>
      %gather3A_1083 = tpu.vector_load_idx %arg14[%add3A_943, %broadcast_in_dim3A_1082] : memref<128x32xf32, #tpu.memory_space<vmem>>[vector<16xi32>, vector<16xi32>], vector<16xf32>,
      %gather3A_1084 = tpu.vector_load_idx %arg15[%add3A_953, %broadcast_in_dim3A_1082] : memref<128x32xf32, #tpu.memory_space<vmem>>[vector<16xi32>, vector<16xi32>], vector<16xf32>,
      %gather3A_1085 = tpu.vector_load_idx %arg16[%add3A_963, %broadcast_in_dim3A_1082] : memref<128x32xf32, #tpu.memory_space<vmem>>[vector<16xi32>, vector<16xi32>], vector<16xf32>,
      %gather3A_1086 = tpu.vector_load_idx %arg17[%add3A_973, %broadcast_in_dim3A_1082] : memref<128x32xf32, #tpu.memory_space<vmem>>[vector<16xi32>, vector<16xi32>], vector<16xf32>,
      %mul3A_1087 = arith.mulf %gather3A_1085, %gather3A_1086 : vector<16xf32>
      %add3A_1088 = arith.addf %gather3A_1083, %mul3A_1087 : vector<16xf32>
      %sub3A_1089 = arith.subf %add3A_1088, %gather3A_1084 : vector<16xf32>
      %mul3A_1090 = arith.mulf %sub3A_1089, %sub3A_1089 : vector<16xf32>
      %add3A_1091 = arith.addf %add3A_1073, %mul3A_1090 : vector<16xf32>
      %add3A_1092 = arith.addf %add3A_1074, %mul3A_1090 : vector<16xf32>
      %sub3A_1093 = arith.subf %gather3A_1083, %gather3A_1085 : vector<16xf32>
      %sub3A_1094 = arith.subf %gather3A_1084, %gather3A_1086 : vector<16xf32>
      %mul3A_1095 = arith.mulf %sub3A_1093, %sub3A_1093 : vector<16xf32>
      %add3A_1096 = arith.addf %add3A_1080, %mul3A_1095 : vector<16xf32>
      %mul3A_1097 = arith.mulf %sub3A_1094, %sub3A_1094 : vector<16xf32>
      %add3A_1098 = arith.addf %add3A_1096, %mul3A_1097 : vector<16xf32>
      %broadcast_in_dim3A_1099 = arith.constant 7 : i32
      %broadcast_in_dim3A_1100 = vector.broadcast %broadcast_in_dim3A_1099 : i32 to vector<16xi32>
      %gather3A_1101 = tpu.vector_load_idx %arg14[%add3A_943, %broadcast_in_dim3A_1100] : memref<128x32xf32, #tpu.memory_space<vmem>>[vector<16xi32>, vector<16xi32>], vector<16xf32>,
      %gather3A_1102 = tpu.vector_load_idx %arg15[%add3A_953, %broadcast_in_dim3A_1100] : memref<128x32xf32, #tpu.memory_space<vmem>>[vector<16xi32>, vector<16xi32>], vector<16xf32>,
      %gather3A_1103 = tpu.vector_load_idx %arg16[%add3A_963, %broadcast_in_dim3A_1100] : memref<128x32xf32, #tpu.memory_space<vmem>>[vector<16xi32>, vector<16xi32>], vector<16xf32>,
      %gather3A_1104 = tpu.vector_load_idx %arg17[%add3A_973, %broadcast_in_dim3A_1100] : memref<128x32xf32, #tpu.memory_space<vmem>>[vector<16xi32>, vector<16xi32>], vector<16xf32>,
      %mul3A_1105 = arith.mulf %gather3A_1103, %gather3A_1104 : vector<16xf32>
      %add3A_1106 = arith.addf %gather3A_1101, %mul3A_1105 : vector<16xf32>
      %sub3A_1107 = arith.subf %add3A_1106, %gather3A_1102 : vector<16xf32>
      %mul3A_1108 = arith.mulf %sub3A_1107, %sub3A_1107 : vector<16xf32>
      %add3A_1109 = arith.addf %add3A_1091, %mul3A_1108 : vector<16xf32>
      %add3A_1110 = arith.addf %add3A_1092, %mul3A_1108 : vector<16xf32>
      %sub3A_1111 = arith.subf %gather3A_1101, %gather3A_1103 : vector<16xf32>
      %sub3A_1112 = arith.subf %gather3A_1102, %gather3A_1104 : vector<16xf32>
      %mul3A_1113 = arith.mulf %sub3A_1111, %sub3A_1111 : vector<16xf32>
      %add3A_1114 = arith.addf %add3A_1098, %mul3A_1113 : vector<16xf32>
      %mul3A_1115 = arith.mulf %sub3A_1112, %sub3A_1112 : vector<16xf32>
      %add3A_1116 = arith.addf %add3A_1114, %mul3A_1115 : vector<16xf32>
      %broadcast_in_dim3A_1117 = arith.constant 8 : i32
      %broadcast_in_dim3A_1118 = vector.broadcast %broadcast_in_dim3A_1117 : i32 to vector<16xi32>
      %gather3A_1119 = tpu.vector_load_idx %arg14[%add3A_943, %broadcast_in_dim3A_1118] : memref<128x32xf32, #tpu.memory_space<vmem>>[vector<16xi32>, vector<16xi32>], vector<16xf32>,
      %gather3A_1120 = tpu.vector_load_idx %arg15[%add3A_953, %broadcast_in_dim3A_1118] : memref<128x32xf32, #tpu.memory_space<vmem>>[vector<16xi32>, vector<16xi32>], vector<16xf32>,
      %gather3A_1121 = tpu.vector_load_idx %arg16[%add3A_963, %broadcast_in_dim3A_1118] : memref<128x32xf32, #tpu.memory_space<vmem>>[vector<16xi32>, vector<16xi32>], vector<16xf32>,
      %gather3A_1122 = tpu.vector_load_idx %arg17[%add3A_973, %broadcast_in_dim3A_1118] : memref<128x32xf32, #tpu.memory_space<vmem>>[vector<16xi32>, vector<16xi32>], vector<16xf32>,
      %mul3A_1123 = arith.mulf %gather3A_1121, %gather3A_1122 : vector<16xf32>
      %add3A_1124 = arith.addf %gather3A_1119, %mul3A_1123 : vector<16xf32>
      %sub3A_1125 = arith.subf %add3A_1124, %gather3A_1120 : vector<16xf32>
      %mul3A_1126 = arith.mulf %sub3A_1125, %sub3A_1125 : vector<16xf32>
      %add3A_1127 = arith.addf %add3A_1109, %mul3A_1126 : vector<16xf32>
      %add3A_1128 = arith.addf %add3A_1110, %mul3A_1126 : vector<16xf32>
      %sub3A_1129 = arith.subf %gather3A_1119, %gather3A_1121 : vector<16xf32>
      %sub3A_1130 = arith.subf %gather3A_1120, %gather3A_1122 : vector<16xf32>
      %mul3A_1131 = arith.mulf %sub3A_1129, %sub3A_1129 : vector<16xf32>
      %add3A_1132 = arith.addf %add3A_1116, %mul3A_1131 : vector<16xf32>
      %mul3A_1133 = arith.mulf %sub3A_1130, %sub3A_1130 : vector<16xf32>
      %add3A_1134 = arith.addf %add3A_1132, %mul3A_1133 : vector<16xf32>
      %broadcast_in_dim3A_1135 = arith.constant 9 : i32
      %broadcast_in_dim3A_1136 = vector.broadcast %broadcast_in_dim3A_1135 : i32 to vector<16xi32>
      %gather3A_1137 = tpu.vector_load_idx %arg14[%add3A_943, %broadcast_in_dim3A_1136] : memref<128x32xf32, #tpu.memory_space<vmem>>[vector<16xi32>, vector<16xi32>], vector<16xf32>,
      %gather3A_1138 = tpu.vector_load_idx %arg15[%add3A_953, %broadcast_in_dim3A_1136] : memref<128x32xf32, #tpu.memory_space<vmem>>[vector<16xi32>, vector<16xi32>], vector<16xf32>,
      %gather3A_1139 = tpu.vector_load_idx %arg16[%add3A_963, %broadcast_in_dim3A_1136] : memref<128x32xf32, #tpu.memory_space<vmem>>[vector<16xi32>, vector<16xi32>], vector<16xf32>,
      %gather3A_1140 = tpu.vector_load_idx %arg17[%add3A_973, %broadcast_in_dim3A_1136] : memref<128x32xf32, #tpu.memory_space<vmem>>[vector<16xi32>, vector<16xi32>], vector<16xf32>,
      %mul3A_1141 = arith.mulf %gather3A_1139, %gather3A_1140 : vector<16xf32>
      %add3A_1142 = arith.addf %gather3A_1137, %mul3A_1141 : vector<16xf32>
      %sub3A_1143 = arith.subf %add3A_1142, %gather3A_1138 : vector<16xf32>
      %mul3A_1144 = arith.mulf %sub3A_1143, %sub3A_1143 : vector<16xf32>
      %add3A_1145 = arith.addf %add3A_1127, %mul3A_1144 : vector<16xf32>
      %add3A_1146 = arith.addf %add3A_1128, %mul3A_1144 : vector<16xf32>
      %sub3A_1147 = arith.subf %gather3A_1137, %gather3A_1139 : vector<16xf32>
      %sub3A_1148 = arith.subf %gather3A_1138, %gather3A_1140 : vector<16xf32>
      %mul3A_1149 = arith.mulf %sub3A_1147, %sub3A_1147 : vector<16xf32>
      %add3A_1150 = arith.addf %add3A_1134, %mul3A_1149 : vector<16xf32>
      %mul3A_1151 = arith.mulf %sub3A_1148, %sub3A_1148 : vector<16xf32>
      %add3A_1152 = arith.addf %add3A_1150, %mul3A_1151 : vector<16xf32>
      %broadcast_in_dim3A_1153 = arith.constant 10 : i32
      %broadcast_in_dim3A_1154 = vector.broadcast %broadcast_in_dim3A_1153 : i32 to vector<16xi32>
      %gather3A_1155 = tpu.vector_load_idx %arg14[%add3A_943, %broadcast_in_dim3A_1154] : memref<128x32xf32, #tpu.memory_space<vmem>>[vector<16xi32>, vector<16xi32>], vector<16xf32>,
      %gather3A_1156 = tpu.vector_load_idx %arg15[%add3A_953, %broadcast_in_dim3A_1154] : memref<128x32xf32, #tpu.memory_space<vmem>>[vector<16xi32>, vector<16xi32>], vector<16xf32>,
      %gather3A_1157 = tpu.vector_load_idx %arg16[%add3A_963, %broadcast_in_dim3A_1154] : memref<128x32xf32, #tpu.memory_space<vmem>>[vector<16xi32>, vector<16xi32>], vector<16xf32>,
      %gather3A_1158 = tpu.vector_load_idx %arg17[%add3A_973, %broadcast_in_dim3A_1154] : memref<128x32xf32, #tpu.memory_space<vmem>>[vector<16xi32>, vector<16xi32>], vector<16xf32>,
      %mul3A_1159 = arith.mulf %gather3A_1157, %gather3A_1158 : vector<16xf32>
      %add3A_1160 = arith.addf %gather3A_1155, %mul3A_1159 : vector<16xf32>
      %sub3A_1161 = arith.subf %add3A_1160, %gather3A_1156 : vector<16xf32>
      %mul3A_1162 = arith.mulf %sub3A_1161, %sub3A_1161 : vector<16xf32>
      %add3A_1163 = arith.addf %add3A_1145, %mul3A_1162 : vector<16xf32>
      %add3A_1164 = arith.addf %add3A_1146, %mul3A_1162 : vector<16xf32>
      %sub3A_1165 = arith.subf %gather3A_1155, %gather3A_1157 : vector<16xf32>
      %sub3A_1166 = arith.subf %gather3A_1156, %gather3A_1158 : vector<16xf32>
      %mul3A_1167 = arith.mulf %sub3A_1165, %sub3A_1165 : vector<16xf32>
      %add3A_1168 = arith.addf %add3A_1152, %mul3A_1167 : vector<16xf32>
      %mul3A_1169 = arith.mulf %sub3A_1166, %sub3A_1166 : vector<16xf32>
      %add3A_1170 = arith.addf %add3A_1168, %mul3A_1169 : vector<16xf32>
      %broadcast_in_dim3A_1171 = arith.constant 11 : i32
      %broadcast_in_dim3A_1172 = vector.broadcast %broadcast_in_dim3A_1171 : i32 to vector<16xi32>
      %gather3A_1173 = tpu.vector_load_idx %arg14[%add3A_943, %broadcast_in_dim3A_1172] : memref<128x32xf32, #tpu.memory_space<vmem>>[vector<16xi32>, vector<16xi32>], vector<16xf32>,
      %gather3A_1174 = tpu.vector_load_idx %arg15[%add3A_953, %broadcast_in_dim3A_1172] : memref<128x32xf32, #tpu.memory_space<vmem>>[vector<16xi32>, vector<16xi32>], vector<16xf32>,
      %gather3A_1175 = tpu.vector_load_idx %arg16[%add3A_963, %broadcast_in_dim3A_1172] : memref<128x32xf32, #tpu.memory_space<vmem>>[vector<16xi32>, vector<16xi32>], vector<16xf32>,
      %gather3A_1176 = tpu.vector_load_idx %arg17[%add3A_973, %broadcast_in_dim3A_1172] : memref<128x32xf32, #tpu.memory_space<vmem>>[vector<16xi32>, vector<16xi32>], vector<16xf32>,
      %mul3A_1177 = arith.mulf %gather3A_1175, %gather3A_1176 : vector<16xf32>
      %add3A_1178 = arith.addf %gather3A_1173, %mul3A_1177 : vector<16xf32>
      %sub3A_1179 = arith.subf %add3A_1178, %gather3A_1174 : vector<16xf32>
      %mul3A_1180 = arith.mulf %sub3A_1179, %sub3A_1179 : vector<16xf32>
      %add3A_1181 = arith.addf %add3A_1163, %mul3A_1180 : vector<16xf32>
      %add3A_1182 = arith.addf %add3A_1164, %mul3A_1180 : vector<16xf32>
      %sub3A_1183 = arith.subf %gather3A_1173, %gather3A_1175 : vector<16xf32>
      %sub3A_1184 = arith.subf %gather3A_1174, %gather3A_1176 : vector<16xf32>
      %mul3A_1185 = arith.mulf %sub3A_1183, %sub3A_1183 : vector<16xf32>
      %add3A_1186 = arith.addf %add3A_1170, %mul3A_1185 : vector<16xf32>
      %mul3A_1187 = arith.mulf %sub3A_1184, %sub3A_1184 : vector<16xf32>
      %add3A_1188 = arith.addf %add3A_1186, %mul3A_1187 : vector<16xf32>
      %broadcast_in_dim3A_1189 = arith.constant 12 : i32
      %broadcast_in_dim3A_1190 = vector.broadcast %broadcast_in_dim3A_1189 : i32 to vector<16xi32>
      %gather3A_1191 = tpu.vector_load_idx %arg14[%add3A_943, %broadcast_in_dim3A_1190] : memref<128x32xf32, #tpu.memory_space<vmem>>[vector<16xi32>, vector<16xi32>], vector<16xf32>,
      %gather3A_1192 = tpu.vector_load_idx %arg15[%add3A_953, %broadcast_in_dim3A_1190] : memref<128x32xf32, #tpu.memory_space<vmem>>[vector<16xi32>, vector<16xi32>], vector<16xf32>,
      %gather3A_1193 = tpu.vector_load_idx %arg16[%add3A_963, %broadcast_in_dim3A_1190] : memref<128x32xf32, #tpu.memory_space<vmem>>[vector<16xi32>, vector<16xi32>], vector<16xf32>,
      %gather3A_1194 = tpu.vector_load_idx %arg17[%add3A_973, %broadcast_in_dim3A_1190] : memref<128x32xf32, #tpu.memory_space<vmem>>[vector<16xi32>, vector<16xi32>], vector<16xf32>,
      %mul3A_1195 = arith.mulf %gather3A_1193, %gather3A_1194 : vector<16xf32>
      %add3A_1196 = arith.addf %gather3A_1191, %mul3A_1195 : vector<16xf32>
      %sub3A_1197 = arith.subf %add3A_1196, %gather3A_1192 : vector<16xf32>
      %mul3A_1198 = arith.mulf %sub3A_1197, %sub3A_1197 : vector<16xf32>
      %add3A_1199 = arith.addf %add3A_1181, %mul3A_1198 : vector<16xf32>
      %add3A_1200 = arith.addf %add3A_1182, %mul3A_1198 : vector<16xf32>
      %sub3A_1201 = arith.subf %gather3A_1191, %gather3A_1193 : vector<16xf32>
      %sub3A_1202 = arith.subf %gather3A_1192, %gather3A_1194 : vector<16xf32>
      %mul3A_1203 = arith.mulf %sub3A_1201, %sub3A_1201 : vector<16xf32>
      %add3A_1204 = arith.addf %add3A_1188, %mul3A_1203 : vector<16xf32>
      %mul3A_1205 = arith.mulf %sub3A_1202, %sub3A_1202 : vector<16xf32>
      %add3A_1206 = arith.addf %add3A_1204, %mul3A_1205 : vector<16xf32>
      %broadcast_in_dim3A_1207 = arith.constant 13 : i32
      %broadcast_in_dim3A_1208 = vector.broadcast %broadcast_in_dim3A_1207 : i32 to vector<16xi32>
      %gather3A_1209 = tpu.vector_load_idx %arg14[%add3A_943, %broadcast_in_dim3A_1208] : memref<128x32xf32, #tpu.memory_space<vmem>>[vector<16xi32>, vector<16xi32>], vector<16xf32>,
      %gather3A_1210 = tpu.vector_load_idx %arg15[%add3A_953, %broadcast_in_dim3A_1208] : memref<128x32xf32, #tpu.memory_space<vmem>>[vector<16xi32>, vector<16xi32>], vector<16xf32>,
      %gather3A_1211 = tpu.vector_load_idx %arg16[%add3A_963, %broadcast_in_dim3A_1208] : memref<128x32xf32, #tpu.memory_space<vmem>>[vector<16xi32>, vector<16xi32>], vector<16xf32>,
      %gather3A_1212 = tpu.vector_load_idx %arg17[%add3A_973, %broadcast_in_dim3A_1208] : memref<128x32xf32, #tpu.memory_space<vmem>>[vector<16xi32>, vector<16xi32>], vector<16xf32>,
      %mul3A_1213 = arith.mulf %gather3A_1211, %gather3A_1212 : vector<16xf32>
      %add3A_1214 = arith.addf %gather3A_1209, %mul3A_1213 : vector<16xf32>
      %sub3A_1215 = arith.subf %add3A_1214, %gather3A_1210 : vector<16xf32>
      %mul3A_1216 = arith.mulf %sub3A_1215, %sub3A_1215 : vector<16xf32>
      %add3A_1217 = arith.addf %add3A_1199, %mul3A_1216 : vector<16xf32>
      %add3A_1218 = arith.addf %add3A_1200, %mul3A_1216 : vector<16xf32>
      %sub3A_1219 = arith.subf %gather3A_1209, %gather3A_1211 : vector<16xf32>
      %sub3A_1220 = arith.subf %gather3A_1210, %gather3A_1212 : vector<16xf32>
      %mul3A_1221 = arith.mulf %sub3A_1219, %sub3A_1219 : vector<16xf32>
      %add3A_1222 = arith.addf %add3A_1206, %mul3A_1221 : vector<16xf32>
      %mul3A_1223 = arith.mulf %sub3A_1220, %sub3A_1220 : vector<16xf32>
      %add3A_1224 = arith.addf %add3A_1222, %mul3A_1223 : vector<16xf32>
      %broadcast_in_dim3A_1225 = arith.constant 14 : i32
      %broadcast_in_dim3A_1226 = vector.broadcast %broadcast_in_dim3A_1225 : i32 to vector<16xi32>
      %gather3A_1227 = tpu.vector_load_idx %arg14[%add3A_943, %broadcast_in_dim3A_1226] : memref<128x32xf32, #tpu.memory_space<vmem>>[vector<16xi32>, vector<16xi32>], vector<16xf32>,
      %gather3A_1228 = tpu.vector_load_idx %arg15[%add3A_953, %broadcast_in_dim3A_1226] : memref<128x32xf32, #tpu.memory_space<vmem>>[vector<16xi32>, vector<16xi32>], vector<16xf32>,
      %gather3A_1229 = tpu.vector_load_idx %arg16[%add3A_963, %broadcast_in_dim3A_1226] : memref<128x32xf32, #tpu.memory_space<vmem>>[vector<16xi32>, vector<16xi32>], vector<16xf32>,
      %gather3A_1230 = tpu.vector_load_idx %arg17[%add3A_973, %broadcast_in_dim3A_1226] : memref<128x32xf32, #tpu.memory_space<vmem>>[vector<16xi32>, vector<16xi32>], vector<16xf32>,
      %mul3A_1231 = arith.mulf %gather3A_1229, %gather3A_1230 : vector<16xf32>
      %add3A_1232 = arith.addf %gather3A_1227, %mul3A_1231 : vector<16xf32>
      %sub3A_1233 = arith.subf %add3A_1232, %gather3A_1228 : vector<16xf32>
      %mul3A_1234 = arith.mulf %sub3A_1233, %sub3A_1233 : vector<16xf32>
      %add3A_1235 = arith.addf %add3A_1217, %mul3A_1234 : vector<16xf32>
      %add3A_1236 = arith.addf %add3A_1218, %mul3A_1234 : vector<16xf32>
      %sub3A_1237 = arith.subf %gather3A_1227, %gather3A_1229 : vector<16xf32>
      %sub3A_1238 = arith.subf %gather3A_1228, %gather3A_1230 : vector<16xf32>
      %mul3A_1239 = arith.mulf %sub3A_1237, %sub3A_1237 : vector<16xf32>
      %add3A_1240 = arith.addf %add3A_1224, %mul3A_1239 : vector<16xf32>
      %mul3A_1241 = arith.mulf %sub3A_1238, %sub3A_1238 : vector<16xf32>
      %add3A_1242 = arith.addf %add3A_1240, %mul3A_1241 : vector<16xf32>
      %broadcast_in_dim3A_1243 = arith.constant 15 : i32
      %broadcast_in_dim3A_1244 = vector.broadcast %broadcast_in_dim3A_1243 : i32 to vector<16xi32>
      %gather3A_1245 = tpu.vector_load_idx %arg14[%add3A_943, %broadcast_in_dim3A_1244] : memref<128x32xf32, #tpu.memory_space<vmem>>[vector<16xi32>, vector<16xi32>], vector<16xf32>,
      %gather3A_1246 = tpu.vector_load_idx %arg15[%add3A_953, %broadcast_in_dim3A_1244] : memref<128x32xf32, #tpu.memory_space<vmem>>[vector<16xi32>, vector<16xi32>], vector<16xf32>,
      %gather3A_1247 = tpu.vector_load_idx %arg16[%add3A_963, %broadcast_in_dim3A_1244] : memref<128x32xf32, #tpu.memory_space<vmem>>[vector<16xi32>, vector<16xi32>], vector<16xf32>,
      %gather3A_1248 = tpu.vector_load_idx %arg17[%add3A_973, %broadcast_in_dim3A_1244] : memref<128x32xf32, #tpu.memory_space<vmem>>[vector<16xi32>, vector<16xi32>], vector<16xf32>,
      %mul3A_1249 = arith.mulf %gather3A_1247, %gather3A_1248 : vector<16xf32>
      %add3A_1250 = arith.addf %gather3A_1245, %mul3A_1249 : vector<16xf32>
      %sub3A_1251 = arith.subf %add3A_1250, %gather3A_1246 : vector<16xf32>
      %mul3A_1252 = arith.mulf %sub3A_1251, %sub3A_1251 : vector<16xf32>
      %add3A_1253 = arith.addf %add3A_1235, %mul3A_1252 : vector<16xf32>
      %add3A_1254 = arith.addf %add3A_1236, %mul3A_1252 : vector<16xf32>
      %sub3A_1255 = arith.subf %gather3A_1245, %gather3A_1247 : vector<16xf32>
      %sub3A_1256 = arith.subf %gather3A_1246, %gather3A_1248 : vector<16xf32>
      %mul3A_1257 = arith.mulf %sub3A_1255, %sub3A_1255 : vector<16xf32>
      %add3A_1258 = arith.addf %add3A_1242, %mul3A_1257 : vector<16xf32>
      %mul3A_1259 = arith.mulf %sub3A_1256, %sub3A_1256 : vector<16xf32>
      %add3A_1260 = arith.addf %add3A_1258, %mul3A_1259 : vector<16xf32>
      %broadcast_in_dim3A_1261 = arith.constant 16 : i32
      %broadcast_in_dim3A_1262 = vector.broadcast %broadcast_in_dim3A_1261 : i32 to vector<16xi32>
      %gather3A_1263 = tpu.vector_load_idx %arg14[%add3A_943, %broadcast_in_dim3A_1262] : memref<128x32xf32, #tpu.memory_space<vmem>>[vector<16xi32>, vector<16xi32>], vector<16xf32>,
      %gather3A_1264 = tpu.vector_load_idx %arg15[%add3A_953, %broadcast_in_dim3A_1262] : memref<128x32xf32, #tpu.memory_space<vmem>>[vector<16xi32>, vector<16xi32>], vector<16xf32>,
      %gather3A_1265 = tpu.vector_load_idx %arg16[%add3A_963, %broadcast_in_dim3A_1262] : memref<128x32xf32, #tpu.memory_space<vmem>>[vector<16xi32>, vector<16xi32>], vector<16xf32>,
      %gather3A_1266 = tpu.vector_load_idx %arg17[%add3A_973, %broadcast_in_dim3A_1262] : memref<128x32xf32, #tpu.memory_space<vmem>>[vector<16xi32>, vector<16xi32>], vector<16xf32>,
      %mul3A_1267 = arith.mulf %gather3A_1265, %gather3A_1266 : vector<16xf32>
      %add3A_1268 = arith.addf %gather3A_1263, %mul3A_1267 : vector<16xf32>
      %sub3A_1269 = arith.subf %add3A_1268, %gather3A_1264 : vector<16xf32>
      %mul3A_1270 = arith.mulf %sub3A_1269, %sub3A_1269 : vector<16xf32>
      %add3A_1271 = arith.addf %add3A_1253, %mul3A_1270 : vector<16xf32>
      %add3A_1272 = arith.addf %add3A_1254, %mul3A_1270 : vector<16xf32>
      %sub3A_1273 = arith.subf %gather3A_1263, %gather3A_1265 : vector<16xf32>
      %sub3A_1274 = arith.subf %gather3A_1264, %gather3A_1266 : vector<16xf32>
      %mul3A_1275 = arith.mulf %sub3A_1273, %sub3A_1273 : vector<16xf32>
      %add3A_1276 = arith.addf %add3A_1260, %mul3A_1275 : vector<16xf32>
      %mul3A_1277 = arith.mulf %sub3A_1274, %sub3A_1274 : vector<16xf32>
      %add3A_1278 = arith.addf %add3A_1276, %mul3A_1277 : vector<16xf32>
      %broadcast_in_dim3A_1279 = arith.constant 17 : i32
      %broadcast_in_dim3A_1280 = vector.broadcast %broadcast_in_dim3A_1279 : i32 to vector<16xi32>
      %gather3A_1281 = tpu.vector_load_idx %arg14[%add3A_943, %broadcast_in_dim3A_1280] : memref<128x32xf32, #tpu.memory_space<vmem>>[vector<16xi32>, vector<16xi32>], vector<16xf32>,
      %gather3A_1282 = tpu.vector_load_idx %arg15[%add3A_953, %broadcast_in_dim3A_1280] : memref<128x32xf32, #tpu.memory_space<vmem>>[vector<16xi32>, vector<16xi32>], vector<16xf32>,
      %gather3A_1283 = tpu.vector_load_idx %arg16[%add3A_963, %broadcast_in_dim3A_1280] : memref<128x32xf32, #tpu.memory_space<vmem>>[vector<16xi32>, vector<16xi32>], vector<16xf32>,
      %gather3A_1284 = tpu.vector_load_idx %arg17[%add3A_973, %broadcast_in_dim3A_1280] : memref<128x32xf32, #tpu.memory_space<vmem>>[vector<16xi32>, vector<16xi32>], vector<16xf32>,
      %mul3A_1285 = arith.mulf %gather3A_1283, %gather3A_1284 : vector<16xf32>
      %add3A_1286 = arith.addf %gather3A_1281, %mul3A_1285 : vector<16xf32>
      %sub3A_1287 = arith.subf %add3A_1286, %gather3A_1282 : vector<16xf32>
      %mul3A_1288 = arith.mulf %sub3A_1287, %sub3A_1287 : vector<16xf32>
      %add3A_1289 = arith.addf %add3A_1271, %mul3A_1288 : vector<16xf32>
      %add3A_1290 = arith.addf %add3A_1272, %mul3A_1288 : vector<16xf32>
      %sub3A_1291 = arith.subf %gather3A_1281, %gather3A_1283 : vector<16xf32>
      %sub3A_1292 = arith.subf %gather3A_1282, %gather3A_1284 : vector<16xf32>
      %mul3A_1293 = arith.mulf %sub3A_1291, %sub3A_1291 : vector<16xf32>
      %add3A_1294 = arith.addf %add3A_1278, %mul3A_1293 : vector<16xf32>
      %mul3A_1295 = arith.mulf %sub3A_1292, %sub3A_1292 : vector<16xf32>
      %add3A_1296 = arith.addf %add3A_1294, %mul3A_1295 : vector<16xf32>
      %broadcast_in_dim3A_1297 = arith.constant 18 : i32
      %broadcast_in_dim3A_1298 = vector.broadcast %broadcast_in_dim3A_1297 : i32 to vector<16xi32>
      %gather3A_1299 = tpu.vector_load_idx %arg14[%add3A_943, %broadcast_in_dim3A_1298] : memref<128x32xf32, #tpu.memory_space<vmem>>[vector<16xi32>, vector<16xi32>], vector<16xf32>,
      %gather3A_1300 = tpu.vector_load_idx %arg15[%add3A_953, %broadcast_in_dim3A_1298] : memref<128x32xf32, #tpu.memory_space<vmem>>[vector<16xi32>, vector<16xi32>], vector<16xf32>,
      %gather3A_1301 = tpu.vector_load_idx %arg16[%add3A_963, %broadcast_in_dim3A_1298] : memref<128x32xf32, #tpu.memory_space<vmem>>[vector<16xi32>, vector<16xi32>], vector<16xf32>,
      %gather3A_1302 = tpu.vector_load_idx %arg17[%add3A_973, %broadcast_in_dim3A_1298] : memref<128x32xf32, #tpu.memory_space<vmem>>[vector<16xi32>, vector<16xi32>], vector<16xf32>,
      %mul3A_1303 = arith.mulf %gather3A_1301, %gather3A_1302 : vector<16xf32>
      %add3A_1304 = arith.addf %gather3A_1299, %mul3A_1303 : vector<16xf32>
      %sub3A_1305 = arith.subf %add3A_1304, %gather3A_1300 : vector<16xf32>
      %mul3A_1306 = arith.mulf %sub3A_1305, %sub3A_1305 : vector<16xf32>
      %add3A_1307 = arith.addf %add3A_1289, %mul3A_1306 : vector<16xf32>
      %add3A_1308 = arith.addf %add3A_1290, %mul3A_1306 : vector<16xf32>
      %sub3A_1309 = arith.subf %gather3A_1299, %gather3A_1301 : vector<16xf32>
      %sub3A_1310 = arith.subf %gather3A_1300, %gather3A_1302 : vector<16xf32>
      %mul3A_1311 = arith.mulf %sub3A_1309, %sub3A_1309 : vector<16xf32>
      %add3A_1312 = arith.addf %add3A_1296, %mul3A_1311 : vector<16xf32>
      %mul3A_1313 = arith.mulf %sub3A_1310, %sub3A_1310 : vector<16xf32>
      %add3A_1314 = arith.addf %add3A_1312, %mul3A_1313 : vector<16xf32>
      %broadcast_in_dim3A_1315 = arith.constant 19 : i32
      %broadcast_in_dim3A_1316 = vector.broadcast %broadcast_in_dim3A_1315 : i32 to vector<16xi32>
      %gather3A_1317 = tpu.vector_load_idx %arg14[%add3A_943, %broadcast_in_dim3A_1316] : memref<128x32xf32, #tpu.memory_space<vmem>>[vector<16xi32>, vector<16xi32>], vector<16xf32>,
      %gather3A_1318 = tpu.vector_load_idx %arg15[%add3A_953, %broadcast_in_dim3A_1316] : memref<128x32xf32, #tpu.memory_space<vmem>>[vector<16xi32>, vector<16xi32>], vector<16xf32>,
      %gather3A_1319 = tpu.vector_load_idx %arg16[%add3A_963, %broadcast_in_dim3A_1316] : memref<128x32xf32, #tpu.memory_space<vmem>>[vector<16xi32>, vector<16xi32>], vector<16xf32>,
      %gather3A_1320 = tpu.vector_load_idx %arg17[%add3A_973, %broadcast_in_dim3A_1316] : memref<128x32xf32, #tpu.memory_space<vmem>>[vector<16xi32>, vector<16xi32>], vector<16xf32>,
      %mul3A_1321 = arith.mulf %gather3A_1319, %gather3A_1320 : vector<16xf32>
      %add3A_1322 = arith.addf %gather3A_1317, %mul3A_1321 : vector<16xf32>
      %sub3A_1323 = arith.subf %add3A_1322, %gather3A_1318 : vector<16xf32>
      %mul3A_1324 = arith.mulf %sub3A_1323, %sub3A_1323 : vector<16xf32>
      %add3A_1325 = arith.addf %add3A_1307, %mul3A_1324 : vector<16xf32>
      %add3A_1326 = arith.addf %add3A_1308, %mul3A_1324 : vector<16xf32>
      %sub3A_1327 = arith.subf %gather3A_1317, %gather3A_1319 : vector<16xf32>
      %sub3A_1328 = arith.subf %gather3A_1318, %gather3A_1320 : vector<16xf32>
      %mul3A_1329 = arith.mulf %sub3A_1327, %sub3A_1327 : vector<16xf32>
      %add3A_1330 = arith.addf %add3A_1314, %mul3A_1329 : vector<16xf32>
      %mul3A_1331 = arith.mulf %sub3A_1328, %sub3A_1328 : vector<16xf32>
      %add3A_1332 = arith.addf %add3A_1330, %mul3A_1331 : vector<16xf32>
      %broadcast_in_dim3A_1333 = arith.constant 20 : i32
      %broadcast_in_dim3A_1334 = vector.broadcast %broadcast_in_dim3A_1333 : i32 to vector<16xi32>
      %gather3A_1335 = tpu.vector_load_idx %arg14[%add3A_943, %broadcast_in_dim3A_1334] : memref<128x32xf32, #tpu.memory_space<vmem>>[vector<16xi32>, vector<16xi32>], vector<16xf32>,
      %gather3A_1336 = tpu.vector_load_idx %arg15[%add3A_953, %broadcast_in_dim3A_1334] : memref<128x32xf32, #tpu.memory_space<vmem>>[vector<16xi32>, vector<16xi32>], vector<16xf32>,
      %gather3A_1337 = tpu.vector_load_idx %arg16[%add3A_963, %broadcast_in_dim3A_1334] : memref<128x32xf32, #tpu.memory_space<vmem>>[vector<16xi32>, vector<16xi32>], vector<16xf32>,
      %gather3A_1338 = tpu.vector_load_idx %arg17[%add3A_973, %broadcast_in_dim3A_1334] : memref<128x32xf32, #tpu.memory_space<vmem>>[vector<16xi32>, vector<16xi32>], vector<16xf32>,
      %mul3A_1339 = arith.mulf %gather3A_1337, %gather3A_1338 : vector<16xf32>
      %add3A_1340 = arith.addf %gather3A_1335, %mul3A_1339 : vector<16xf32>
      %sub3A_1341 = arith.subf %add3A_1340, %gather3A_1336 : vector<16xf32>
      %mul3A_1342 = arith.mulf %sub3A_1341, %sub3A_1341 : vector<16xf32>
      %add3A_1343 = arith.addf %add3A_1325, %mul3A_1342 : vector<16xf32>
      %add3A_1344 = arith.addf %add3A_1326, %mul3A_1342 : vector<16xf32>
      %sub3A_1345 = arith.subf %gather3A_1335, %gather3A_1337 : vector<16xf32>
      %sub3A_1346 = arith.subf %gather3A_1336, %gather3A_1338 : vector<16xf32>
      %mul3A_1347 = arith.mulf %sub3A_1345, %sub3A_1345 : vector<16xf32>
      %add3A_1348 = arith.addf %add3A_1332, %mul3A_1347 : vector<16xf32>
      %mul3A_1349 = arith.mulf %sub3A_1346, %sub3A_1346 : vector<16xf32>
      %add3A_1350 = arith.addf %add3A_1348, %mul3A_1349 : vector<16xf32>
      %broadcast_in_dim3A_1351 = arith.constant 21 : i32
      %broadcast_in_dim3A_1352 = vector.broadcast %broadcast_in_dim3A_1351 : i32 to vector<16xi32>
      %gather3A_1353 = tpu.vector_load_idx %arg14[%add3A_943, %broadcast_in_dim3A_1352] : memref<128x32xf32, #tpu.memory_space<vmem>>[vector<16xi32>, vector<16xi32>], vector<16xf32>,
      %gather3A_1354 = tpu.vector_load_idx %arg15[%add3A_953, %broadcast_in_dim3A_1352] : memref<128x32xf32, #tpu.memory_space<vmem>>[vector<16xi32>, vector<16xi32>], vector<16xf32>,
      %gather3A_1355 = tpu.vector_load_idx %arg16[%add3A_963, %broadcast_in_dim3A_1352] : memref<128x32xf32, #tpu.memory_space<vmem>>[vector<16xi32>, vector<16xi32>], vector<16xf32>,
      %gather3A_1356 = tpu.vector_load_idx %arg17[%add3A_973, %broadcast_in_dim3A_1352] : memref<128x32xf32, #tpu.memory_space<vmem>>[vector<16xi32>, vector<16xi32>], vector<16xf32>,
      %mul3A_1357 = arith.mulf %gather3A_1355, %gather3A_1356 : vector<16xf32>
      %add3A_1358 = arith.addf %gather3A_1353, %mul3A_1357 : vector<16xf32>
      %sub3A_1359 = arith.subf %add3A_1358, %gather3A_1354 : vector<16xf32>
      %mul3A_1360 = arith.mulf %sub3A_1359, %sub3A_1359 : vector<16xf32>
      %add3A_1361 = arith.addf %add3A_1343, %mul3A_1360 : vector<16xf32>
      %add3A_1362 = arith.addf %add3A_1344, %mul3A_1360 : vector<16xf32>
      %sub3A_1363 = arith.subf %gather3A_1353, %gather3A_1355 : vector<16xf32>
      %sub3A_1364 = arith.subf %gather3A_1354, %gather3A_1356 : vector<16xf32>
      %mul3A_1365 = arith.mulf %sub3A_1363, %sub3A_1363 : vector<16xf32>
      %add3A_1366 = arith.addf %add3A_1350, %mul3A_1365 : vector<16xf32>
      %mul3A_1367 = arith.mulf %sub3A_1364, %sub3A_1364 : vector<16xf32>
      %add3A_1368 = arith.addf %add3A_1366, %mul3A_1367 : vector<16xf32>
      %broadcast_in_dim3A_1369 = arith.constant 22 : i32
      %broadcast_in_dim3A_1370 = vector.broadcast %broadcast_in_dim3A_1369 : i32 to vector<16xi32>
      %gather3A_1371 = tpu.vector_load_idx %arg14[%add3A_943, %broadcast_in_dim3A_1370] : memref<128x32xf32, #tpu.memory_space<vmem>>[vector<16xi32>, vector<16xi32>], vector<16xf32>,
      %gather3A_1372 = tpu.vector_load_idx %arg15[%add3A_953, %broadcast_in_dim3A_1370] : memref<128x32xf32, #tpu.memory_space<vmem>>[vector<16xi32>, vector<16xi32>], vector<16xf32>,
      %gather3A_1373 = tpu.vector_load_idx %arg16[%add3A_963, %broadcast_in_dim3A_1370] : memref<128x32xf32, #tpu.memory_space<vmem>>[vector<16xi32>, vector<16xi32>], vector<16xf32>,
      %gather3A_1374 = tpu.vector_load_idx %arg17[%add3A_973, %broadcast_in_dim3A_1370] : memref<128x32xf32, #tpu.memory_space<vmem>>[vector<16xi32>, vector<16xi32>], vector<16xf32>,
      %mul3A_1375 = arith.mulf %gather3A_1373, %gather3A_1374 : vector<16xf32>
      %add3A_1376 = arith.addf %gather3A_1371, %mul3A_1375 : vector<16xf32>
      %sub3A_1377 = arith.subf %add3A_1376, %gather3A_1372 : vector<16xf32>
      %mul3A_1378 = arith.mulf %sub3A_1377, %sub3A_1377 : vector<16xf32>
      %add3A_1379 = arith.addf %add3A_1361, %mul3A_1378 : vector<16xf32>
      %add3A_1380 = arith.addf %add3A_1362, %mul3A_1378 : vector<16xf32>
      %sub3A_1381 = arith.subf %gather3A_1371, %gather3A_1373 : vector<16xf32>
      %sub3A_1382 = arith.subf %gather3A_1372, %gather3A_1374 : vector<16xf32>
      %mul3A_1383 = arith.mulf %sub3A_1381, %sub3A_1381 : vector<16xf32>
      %add3A_1384 = arith.addf %add3A_1368, %mul3A_1383 : vector<16xf32>
      %mul3A_1385 = arith.mulf %sub3A_1382, %sub3A_1382 : vector<16xf32>
      %add3A_1386 = arith.addf %add3A_1384, %mul3A_1385 : vector<16xf32>
      %broadcast_in_dim3A_1387 = arith.constant 23 : i32
      %broadcast_in_dim3A_1388 = vector.broadcast %broadcast_in_dim3A_1387 : i32 to vector<16xi32>
      %gather3A_1389 = tpu.vector_load_idx %arg14[%add3A_943, %broadcast_in_dim3A_1388] : memref<128x32xf32, #tpu.memory_space<vmem>>[vector<16xi32>, vector<16xi32>], vector<16xf32>,
      %gather3A_1390 = tpu.vector_load_idx %arg15[%add3A_953, %broadcast_in_dim3A_1388] : memref<128x32xf32, #tpu.memory_space<vmem>>[vector<16xi32>, vector<16xi32>], vector<16xf32>,
      %gather3A_1391 = tpu.vector_load_idx %arg16[%add3A_963, %broadcast_in_dim3A_1388] : memref<128x32xf32, #tpu.memory_space<vmem>>[vector<16xi32>, vector<16xi32>], vector<16xf32>,
      %gather3A_1392 = tpu.vector_load_idx %arg17[%add3A_973, %broadcast_in_dim3A_1388] : memref<128x32xf32, #tpu.memory_space<vmem>>[vector<16xi32>, vector<16xi32>], vector<16xf32>,
      %mul3A_1393 = arith.mulf %gather3A_1391, %gather3A_1392 : vector<16xf32>
      %add3A_1394 = arith.addf %gather3A_1389, %mul3A_1393 : vector<16xf32>
      %sub3A_1395 = arith.subf %add3A_1394, %gather3A_1390 : vector<16xf32>
      %mul3A_1396 = arith.mulf %sub3A_1395, %sub3A_1395 : vector<16xf32>
      %add3A_1397 = arith.addf %add3A_1379, %mul3A_1396 : vector<16xf32>
      %add3A_1398 = arith.addf %add3A_1380, %mul3A_1396 : vector<16xf32>
      %sub3A_1399 = arith.subf %gather3A_1389, %gather3A_1391 : vector<16xf32>
      %sub3A_1400 = arith.subf %gather3A_1390, %gather3A_1392 : vector<16xf32>
      %mul3A_1401 = arith.mulf %sub3A_1399, %sub3A_1399 : vector<16xf32>
      %add3A_1402 = arith.addf %add3A_1386, %mul3A_1401 : vector<16xf32>
      %mul3A_1403 = arith.mulf %sub3A_1400, %sub3A_1400 : vector<16xf32>
      %add3A_1404 = arith.addf %add3A_1402, %mul3A_1403 : vector<16xf32>
      %broadcast_in_dim3A_1405 = arith.constant 24 : i32
      %broadcast_in_dim3A_1406 = vector.broadcast %broadcast_in_dim3A_1405 : i32 to vector<16xi32>
      %gather3A_1407 = tpu.vector_load_idx %arg14[%add3A_943, %broadcast_in_dim3A_1406] : memref<128x32xf32, #tpu.memory_space<vmem>>[vector<16xi32>, vector<16xi32>], vector<16xf32>,
      %gather3A_1408 = tpu.vector_load_idx %arg15[%add3A_953, %broadcast_in_dim3A_1406] : memref<128x32xf32, #tpu.memory_space<vmem>>[vector<16xi32>, vector<16xi32>], vector<16xf32>,
      %gather3A_1409 = tpu.vector_load_idx %arg16[%add3A_963, %broadcast_in_dim3A_1406] : memref<128x32xf32, #tpu.memory_space<vmem>>[vector<16xi32>, vector<16xi32>], vector<16xf32>,
      %gather3A_1410 = tpu.vector_load_idx %arg17[%add3A_973, %broadcast_in_dim3A_1406] : memref<128x32xf32, #tpu.memory_space<vmem>>[vector<16xi32>, vector<16xi32>], vector<16xf32>,
      %mul3A_1411 = arith.mulf %gather3A_1409, %gather3A_1410 : vector<16xf32>
      %add3A_1412 = arith.addf %gather3A_1407, %mul3A_1411 : vector<16xf32>
      %sub3A_1413 = arith.subf %add3A_1412, %gather3A_1408 : vector<16xf32>
      %mul3A_1414 = arith.mulf %sub3A_1413, %sub3A_1413 : vector<16xf32>
      %add3A_1415 = arith.addf %add3A_1397, %mul3A_1414 : vector<16xf32>
      %add3A_1416 = arith.addf %add3A_1398, %mul3A_1414 : vector<16xf32>
      %sub3A_1417 = arith.subf %gather3A_1407, %gather3A_1409 : vector<16xf32>
      %sub3A_1418 = arith.subf %gather3A_1408, %gather3A_1410 : vector<16xf32>
      %mul3A_1419 = arith.mulf %sub3A_1417, %sub3A_1417 : vector<16xf32>
      %add3A_1420 = arith.addf %add3A_1404, %mul3A_1419 : vector<16xf32>
      %mul3A_1421 = arith.mulf %sub3A_1418, %sub3A_1418 : vector<16xf32>
      %add3A_1422 = arith.addf %add3A_1420, %mul3A_1421 : vector<16xf32>
      %broadcast_in_dim3A_1423 = arith.constant 25 : i32
      %broadcast_in_dim3A_1424 = vector.broadcast %broadcast_in_dim3A_1423 : i32 to vector<16xi32>
      %gather3A_1425 = tpu.vector_load_idx %arg14[%add3A_943, %broadcast_in_dim3A_1424] : memref<128x32xf32, #tpu.memory_space<vmem>>[vector<16xi32>, vector<16xi32>], vector<16xf32>,
      %gather3A_1426 = tpu.vector_load_idx %arg15[%add3A_953, %broadcast_in_dim3A_1424] : memref<128x32xf32, #tpu.memory_space<vmem>>[vector<16xi32>, vector<16xi32>], vector<16xf32>,
      %gather3A_1427 = tpu.vector_load_idx %arg16[%add3A_963, %broadcast_in_dim3A_1424] : memref<128x32xf32, #tpu.memory_space<vmem>>[vector<16xi32>, vector<16xi32>], vector<16xf32>,
      %gather3A_1428 = tpu.vector_load_idx %arg17[%add3A_973, %broadcast_in_dim3A_1424] : memref<128x32xf32, #tpu.memory_space<vmem>>[vector<16xi32>, vector<16xi32>], vector<16xf32>,
      %mul3A_1429 = arith.mulf %gather3A_1427, %gather3A_1428 : vector<16xf32>
      %add3A_1430 = arith.addf %gather3A_1425, %mul3A_1429 : vector<16xf32>
      %sub3A_1431 = arith.subf %add3A_1430, %gather3A_1426 : vector<16xf32>
      %mul3A_1432 = arith.mulf %sub3A_1431, %sub3A_1431 : vector<16xf32>
      %add3A_1433 = arith.addf %add3A_1415, %mul3A_1432 : vector<16xf32>
      %add3A_1434 = arith.addf %add3A_1416, %mul3A_1432 : vector<16xf32>
      %sub3A_1435 = arith.subf %gather3A_1425, %gather3A_1427 : vector<16xf32>
      %sub3A_1436 = arith.subf %gather3A_1426, %gather3A_1428 : vector<16xf32>
      %mul3A_1437 = arith.mulf %sub3A_1435, %sub3A_1435 : vector<16xf32>
      %add3A_1438 = arith.addf %add3A_1422, %mul3A_1437 : vector<16xf32>
      %mul3A_1439 = arith.mulf %sub3A_1436, %sub3A_1436 : vector<16xf32>
      %add3A_1440 = arith.addf %add3A_1438, %mul3A_1439 : vector<16xf32>
      %broadcast_in_dim3A_1441 = arith.constant 26 : i32
      %broadcast_in_dim3A_1442 = vector.broadcast %broadcast_in_dim3A_1441 : i32 to vector<16xi32>
      %gather3A_1443 = tpu.vector_load_idx %arg14[%add3A_943, %broadcast_in_dim3A_1442] : memref<128x32xf32, #tpu.memory_space<vmem>>[vector<16xi32>, vector<16xi32>], vector<16xf32>,
      %gather3A_1444 = tpu.vector_load_idx %arg15[%add3A_953, %broadcast_in_dim3A_1442] : memref<128x32xf32, #tpu.memory_space<vmem>>[vector<16xi32>, vector<16xi32>], vector<16xf32>,
      %gather3A_1445 = tpu.vector_load_idx %arg16[%add3A_963, %broadcast_in_dim3A_1442] : memref<128x32xf32, #tpu.memory_space<vmem>>[vector<16xi32>, vector<16xi32>], vector<16xf32>,
      %gather3A_1446 = tpu.vector_load_idx %arg17[%add3A_973, %broadcast_in_dim3A_1442] : memref<128x32xf32, #tpu.memory_space<vmem>>[vector<16xi32>, vector<16xi32>], vector<16xf32>,
      %mul3A_1447 = arith.mulf %gather3A_1445, %gather3A_1446 : vector<16xf32>
      %add3A_1448 = arith.addf %gather3A_1443, %mul3A_1447 : vector<16xf32>
      %sub3A_1449 = arith.subf %add3A_1448, %gather3A_1444 : vector<16xf32>
      %mul3A_1450 = arith.mulf %sub3A_1449, %sub3A_1449 : vector<16xf32>
      %add3A_1451 = arith.addf %add3A_1433, %mul3A_1450 : vector<16xf32>
      %add3A_1452 = arith.addf %add3A_1434, %mul3A_1450 : vector<16xf32>
      %sub3A_1453 = arith.subf %gather3A_1443, %gather3A_1445 : vector<16xf32>
      %sub3A_1454 = arith.subf %gather3A_1444, %gather3A_1446 : vector<16xf32>
      %mul3A_1455 = arith.mulf %sub3A_1453, %sub3A_1453 : vector<16xf32>
      %add3A_1456 = arith.addf %add3A_1440, %mul3A_1455 : vector<16xf32>
      %mul3A_1457 = arith.mulf %sub3A_1454, %sub3A_1454 : vector<16xf32>
      %add3A_1458 = arith.addf %add3A_1456, %mul3A_1457 : vector<16xf32>
      %broadcast_in_dim3A_1459 = arith.constant 27 : i32
      %broadcast_in_dim3A_1460 = vector.broadcast %broadcast_in_dim3A_1459 : i32 to vector<16xi32>
      %gather3A_1461 = tpu.vector_load_idx %arg14[%add3A_943, %broadcast_in_dim3A_1460] : memref<128x32xf32, #tpu.memory_space<vmem>>[vector<16xi32>, vector<16xi32>], vector<16xf32>,
      %gather3A_1462 = tpu.vector_load_idx %arg15[%add3A_953, %broadcast_in_dim3A_1460] : memref<128x32xf32, #tpu.memory_space<vmem>>[vector<16xi32>, vector<16xi32>], vector<16xf32>,
      %gather3A_1463 = tpu.vector_load_idx %arg16[%add3A_963, %broadcast_in_dim3A_1460] : memref<128x32xf32, #tpu.memory_space<vmem>>[vector<16xi32>, vector<16xi32>], vector<16xf32>,
      %gather3A_1464 = tpu.vector_load_idx %arg17[%add3A_973, %broadcast_in_dim3A_1460] : memref<128x32xf32, #tpu.memory_space<vmem>>[vector<16xi32>, vector<16xi32>], vector<16xf32>,
      %mul3A_1465 = arith.mulf %gather3A_1463, %gather3A_1464 : vector<16xf32>
      %add3A_1466 = arith.addf %gather3A_1461, %mul3A_1465 : vector<16xf32>
      %sub3A_1467 = arith.subf %add3A_1466, %gather3A_1462 : vector<16xf32>
      %mul3A_1468 = arith.mulf %sub3A_1467, %sub3A_1467 : vector<16xf32>
      %add3A_1469 = arith.addf %add3A_1451, %mul3A_1468 : vector<16xf32>
      %add3A_1470 = arith.addf %add3A_1452, %mul3A_1468 : vector<16xf32>
      %sub3A_1471 = arith.subf %gather3A_1461, %gather3A_1463 : vector<16xf32>
      %sub3A_1472 = arith.subf %gather3A_1462, %gather3A_1464 : vector<16xf32>
      %mul3A_1473 = arith.mulf %sub3A_1471, %sub3A_1471 : vector<16xf32>
      %add3A_1474 = arith.addf %add3A_1458, %mul3A_1473 : vector<16xf32>
      %mul3A_1475 = arith.mulf %sub3A_1472, %sub3A_1472 : vector<16xf32>
      %add3A_1476 = arith.addf %add3A_1474, %mul3A_1475 : vector<16xf32>
      %broadcast_in_dim3A_1477 = arith.constant 28 : i32
      %broadcast_in_dim3A_1478 = vector.broadcast %broadcast_in_dim3A_1477 : i32 to vector<16xi32>
      %gather3A_1479 = tpu.vector_load_idx %arg14[%add3A_943, %broadcast_in_dim3A_1478] : memref<128x32xf32, #tpu.memory_space<vmem>>[vector<16xi32>, vector<16xi32>], vector<16xf32>,
      %gather3A_1480 = tpu.vector_load_idx %arg15[%add3A_953, %broadcast_in_dim3A_1478] : memref<128x32xf32, #tpu.memory_space<vmem>>[vector<16xi32>, vector<16xi32>], vector<16xf32>,
      %gather3A_1481 = tpu.vector_load_idx %arg16[%add3A_963, %broadcast_in_dim3A_1478] : memref<128x32xf32, #tpu.memory_space<vmem>>[vector<16xi32>, vector<16xi32>], vector<16xf32>,
      %gather3A_1482 = tpu.vector_load_idx %arg17[%add3A_973, %broadcast_in_dim3A_1478] : memref<128x32xf32, #tpu.memory_space<vmem>>[vector<16xi32>, vector<16xi32>], vector<16xf32>,
      %mul3A_1483 = arith.mulf %gather3A_1481, %gather3A_1482 : vector<16xf32>
      %add3A_1484 = arith.addf %gather3A_1479, %mul3A_1483 : vector<16xf32>
      %sub3A_1485 = arith.subf %add3A_1484, %gather3A_1480 : vector<16xf32>
      %mul3A_1486 = arith.mulf %sub3A_1485, %sub3A_1485 : vector<16xf32>
      %add3A_1487 = arith.addf %add3A_1469, %mul3A_1486 : vector<16xf32>
      %add3A_1488 = arith.addf %add3A_1470, %mul3A_1486 : vector<16xf32>
      %sub3A_1489 = arith.subf %gather3A_1479, %gather3A_1481 : vector<16xf32>
      %sub3A_1490 = arith.subf %gather3A_1480, %gather3A_1482 : vector<16xf32>
      %mul3A_1491 = arith.mulf %sub3A_1489, %sub3A_1489 : vector<16xf32>
      %add3A_1492 = arith.addf %add3A_1476, %mul3A_1491 : vector<16xf32>
      %mul3A_1493 = arith.mulf %sub3A_1490, %sub3A_1490 : vector<16xf32>
      %add3A_1494 = arith.addf %add3A_1492, %mul3A_1493 : vector<16xf32>
      %broadcast_in_dim3A_1495 = arith.constant 29 : i32
      %broadcast_in_dim3A_1496 = vector.broadcast %broadcast_in_dim3A_1495 : i32 to vector<16xi32>
      %gather3A_1497 = tpu.vector_load_idx %arg14[%add3A_943, %broadcast_in_dim3A_1496] : memref<128x32xf32, #tpu.memory_space<vmem>>[vector<16xi32>, vector<16xi32>], vector<16xf32>,
      %gather3A_1498 = tpu.vector_load_idx %arg15[%add3A_953, %broadcast_in_dim3A_1496] : memref<128x32xf32, #tpu.memory_space<vmem>>[vector<16xi32>, vector<16xi32>], vector<16xf32>,
      %gather3A_1499 = tpu.vector_load_idx %arg16[%add3A_963, %broadcast_in_dim3A_1496] : memref<128x32xf32, #tpu.memory_space<vmem>>[vector<16xi32>, vector<16xi32>], vector<16xf32>,
      %gather3A_1500 = tpu.vector_load_idx %arg17[%add3A_973, %broadcast_in_dim3A_1496] : memref<128x32xf32, #tpu.memory_space<vmem>>[vector<16xi32>, vector<16xi32>], vector<16xf32>,
      %mul3A_1501 = arith.mulf %gather3A_1499, %gather3A_1500 : vector<16xf32>
      %add3A_1502 = arith.addf %gather3A_1497, %mul3A_1501 : vector<16xf32>
      %sub3A_1503 = arith.subf %add3A_1502, %gather3A_1498 : vector<16xf32>
      %mul3A_1504 = arith.mulf %sub3A_1503, %sub3A_1503 : vector<16xf32>
      %add3A_1505 = arith.addf %add3A_1487, %mul3A_1504 : vector<16xf32>
      %add3A_1506 = arith.addf %add3A_1488, %mul3A_1504 : vector<16xf32>
      %sub3A_1507 = arith.subf %gather3A_1497, %gather3A_1499 : vector<16xf32>
      %sub3A_1508 = arith.subf %gather3A_1498, %gather3A_1500 : vector<16xf32>
      %mul3A_1509 = arith.mulf %sub3A_1507, %sub3A_1507 : vector<16xf32>
      %add3A_1510 = arith.addf %add3A_1494, %mul3A_1509 : vector<16xf32>
      %mul3A_1511 = arith.mulf %sub3A_1508, %sub3A_1508 : vector<16xf32>
      %add3A_1512 = arith.addf %add3A_1510, %mul3A_1511 : vector<16xf32>
      %broadcast_in_dim3A_1513 = arith.constant 30 : i32
      %broadcast_in_dim3A_1514 = vector.broadcast %broadcast_in_dim3A_1513 : i32 to vector<16xi32>
      %gather3A_1515 = tpu.vector_load_idx %arg14[%add3A_943, %broadcast_in_dim3A_1514] : memref<128x32xf32, #tpu.memory_space<vmem>>[vector<16xi32>, vector<16xi32>], vector<16xf32>,
      %gather3A_1516 = tpu.vector_load_idx %arg15[%add3A_953, %broadcast_in_dim3A_1514] : memref<128x32xf32, #tpu.memory_space<vmem>>[vector<16xi32>, vector<16xi32>], vector<16xf32>,
      %gather3A_1517 = tpu.vector_load_idx %arg16[%add3A_963, %broadcast_in_dim3A_1514] : memref<128x32xf32, #tpu.memory_space<vmem>>[vector<16xi32>, vector<16xi32>], vector<16xf32>,
      %gather3A_1518 = tpu.vector_load_idx %arg17[%add3A_973, %broadcast_in_dim3A_1514] : memref<128x32xf32, #tpu.memory_space<vmem>>[vector<16xi32>, vector<16xi32>], vector<16xf32>,
      %mul3A_1519 = arith.mulf %gather3A_1517, %gather3A_1518 : vector<16xf32>
      %add3A_1520 = arith.addf %gather3A_1515, %mul3A_1519 : vector<16xf32>
      %sub3A_1521 = arith.subf %add3A_1520, %gather3A_1516 : vector<16xf32>
      %mul3A_1522 = arith.mulf %sub3A_1521, %sub3A_1521 : vector<16xf32>
      %add3A_1523 = arith.addf %add3A_1505, %mul3A_1522 : vector<16xf32>
      %add3A_1524 = arith.addf %add3A_1506, %mul3A_1522 : vector<16xf32>
      %sub3A_1525 = arith.subf %gather3A_1515, %gather3A_1517 : vector<16xf32>
      %sub3A_1526 = arith.subf %gather3A_1516, %gather3A_1518 : vector<16xf32>
      %mul3A_1527 = arith.mulf %sub3A_1525, %sub3A_1525 : vector<16xf32>
      %add3A_1528 = arith.addf %add3A_1512, %mul3A_1527 : vector<16xf32>
      %mul3A_1529 = arith.mulf %sub3A_1526, %sub3A_1526 : vector<16xf32>
      %add3A_1530 = arith.addf %add3A_1528, %mul3A_1529 : vector<16xf32>
      %broadcast_in_dim3A_1531 = arith.constant 31 : i32
      %broadcast_in_dim3A_1532 = vector.broadcast %broadcast_in_dim3A_1531 : i32 to vector<16xi32>
      %gather3A_1533 = tpu.vector_load_idx %arg14[%add3A_943, %broadcast_in_dim3A_1532] : memref<128x32xf32, #tpu.memory_space<vmem>>[vector<16xi32>, vector<16xi32>], vector<16xf32>,
      %gather3A_1534 = tpu.vector_load_idx %arg15[%add3A_953, %broadcast_in_dim3A_1532] : memref<128x32xf32, #tpu.memory_space<vmem>>[vector<16xi32>, vector<16xi32>], vector<16xf32>,
      %gather3A_1535 = tpu.vector_load_idx %arg16[%add3A_963, %broadcast_in_dim3A_1532] : memref<128x32xf32, #tpu.memory_space<vmem>>[vector<16xi32>, vector<16xi32>], vector<16xf32>,
      %gather3A_1536 = tpu.vector_load_idx %arg17[%add3A_973, %broadcast_in_dim3A_1532] : memref<128x32xf32, #tpu.memory_space<vmem>>[vector<16xi32>, vector<16xi32>], vector<16xf32>,
      %mul3A_1537 = arith.mulf %gather3A_1535, %gather3A_1536 : vector<16xf32>
      %add3A_1538 = arith.addf %gather3A_1533, %mul3A_1537 : vector<16xf32>
      %sub3A_1539 = arith.subf %add3A_1538, %gather3A_1534 : vector<16xf32>
      %mul3A_1540 = arith.mulf %sub3A_1539, %sub3A_1539 : vector<16xf32>
      %add3A_1541 = arith.addf %add3A_1523, %mul3A_1540 : vector<16xf32>
      %add3A_1542 = arith.addf %add3A_1524, %mul3A_1540 : vector<16xf32>
      %sub3A_1543 = arith.subf %gather3A_1533, %gather3A_1535 : vector<16xf32>
      %sub3A_1544 = arith.subf %gather3A_1534, %gather3A_1536 : vector<16xf32>
      %mul3A_1545 = arith.mulf %sub3A_1543, %sub3A_1543 : vector<16xf32>
      %add3A_1546 = arith.addf %add3A_1530, %mul3A_1545 : vector<16xf32>
      %mul3A_1547 = arith.mulf %sub3A_1544, %sub3A_1544 : vector<16xf32>
      %add3A_1548 = arith.addf %add3A_1546, %mul3A_1547 : vector<16xf32>
      %mul3A_1549 = arith.constant 16 : i32
      %mul3A_1550 = arith.muli %scan3A_14, %mul3A_1549 : i32
      %swap3A_1551 = arith.index_cast %mul3A_1550 : i32 to index
      %swap3A_1552 = tpu.vector_load %arg18[%swap3A_1551] {strides = array<i32>} : memref<512xf32, #tpu.memory_space<vmem>>, vector<16xf32>,
      tpu.vector_store %arg18[%swap3A_1551], %add3A_1541 {strides = array<i32>} : memref<512xf32, #tpu.memory_space<vmem>>, vector<16xf32>,
      scf.yield %add3A_1542, %add3A_1548 : vector<16xf32>, vector<16xf32>
    }
    %scan3A_6 = arith.constant 32 : i32
    %swap3A = arith.constant 0 : i32
    %swap3A_7 = arith.index_cast %swap3A : i32 to index
    %swap3A_8 = arith.constant 0 : index
    %swap3A_9 = tpu.vector_load %arg19[%swap3A_7, %swap3A_8] {strides = array<i32>} : memref<2x16xf32, #tpu.memory_space<vmem>>, vector<16xf32>,
    tpu.vector_store %arg19[%swap3A_7, %swap3A_8], %scan3A_5#0 {strides = array<i32>} : memref<2x16xf32, #tpu.memory_space<vmem>>, vector<16xf32>,
    %swap3A_10 = arith.constant 1 : i32
    %swap3A_11 = arith.index_cast %swap3A_10 : i32 to index
    %swap3A_12 = arith.constant 0 : index
    %swap3A_13 = tpu.vector_load %arg19[%swap3A_11, %swap3A_12] {strides = array<i32>} : memref<2x16xf32, #tpu.memory_space<vmem>>, vector<16xf32>,
    tpu.vector_store %arg19[%swap3A_11, %swap3A_12], %scan3A_5#1 {strides = array<i32>} : memref<2x16xf32, #tpu.memory_space<vmem>>, vector<16xf32>,
    "tpu.region"() ({
      %run_scoped3A = tpu.sem_alloc : memref<!tpu.dma_semaphore, #tpu.memory_space<semaphore_mem>>
      %dma_start3A = arith.constant 0 : i32
      %dma_start3A_14 = tpu.memref_slice %arg8[%add3A, %dma_start3A] : memref<32x512xf32, #tpu.memory_space<hbm>> -> memref<1x512xf32, #tpu.memory_space<hbm>>
      %dma_start3A_15 = tpu.memref_squeeze %dma_start3A_14 : memref<1x512xf32, #tpu.memory_space<hbm>> -> memref<512xf32, #tpu.memory_space<hbm>>
      %dma_start3A_16 = arith.constant 0 : i32
      %dma_start3A_17 = tpu.memref_slice %arg8[%add3A, %dma_start3A_16] : memref<32x512xf32, #tpu.memory_space<hbm>> -> memref<1x512xf32, #tpu.memory_space<hbm>>
      %dma_start3A_18 = tpu.memref_squeeze %dma_start3A_17 : memref<1x512xf32, #tpu.memory_space<hbm>> -> memref<512xf32, #tpu.memory_space<hbm>>
      tpu.enqueue_dma source(%arg18 : memref<512xf32, #tpu.memory_space<vmem>>) target(%dma_start3A_18 : memref<512xf32, #tpu.memory_space<hbm>>) target_semaphore(%run_scoped3A : memref<!tpu.dma_semaphore, #tpu.memory_space<semaphore_mem>>)
      %dma_wait3A = arith.constant 0 : i32
      %dma_wait3A_19 = tpu.memref_slice %arg8[%add3A, %dma_wait3A] : memref<32x512xf32, #tpu.memory_space<hbm>> -> memref<1x512xf32, #tpu.memory_space<hbm>>
      %dma_wait3A_20 = tpu.memref_squeeze %dma_wait3A_19 : memref<1x512xf32, #tpu.memory_space<hbm>> -> memref<512xf32, #tpu.memory_space<hbm>>
      %dma_wait3A_21 = arith.constant 0 : i32
      %dma_wait3A_22 = tpu.memref_slice %arg8[%add3A, %dma_wait3A_21] : memref<32x512xf32, #tpu.memory_space<hbm>> -> memref<1x512xf32, #tpu.memory_space<hbm>>
      %dma_wait3A_23 = tpu.memref_squeeze %dma_wait3A_22 : memref<1x512xf32, #tpu.memory_space<hbm>> -> memref<512xf32, #tpu.memory_space<hbm>>
      tpu.wait_dma2 semaphore(%run_scoped3A : memref<!tpu.dma_semaphore, #tpu.memory_space<semaphore_mem>>) src(%arg18 : memref<512xf32, #tpu.memory_space<vmem>>) dst(%dma_wait3A_23 : memref<512xf32, #tpu.memory_space<hbm>>)
      tpu.yield
    }) : () -> ()
    "tpu.region"() ({
      %run_scoped3A = tpu.sem_alloc : memref<!tpu.dma_semaphore, #tpu.memory_space<semaphore_mem>>
      %dma_start3A = arith.constant 0 : i32
      %dma_start3A_14 = arith.constant 0 : i32
      %dma_start3A_15 = tpu.memref_slice %arg9[%add3A, %dma_start3A, %dma_start3A_14] : memref<32x2x16xf32, #tpu.memory_space<hbm>> -> memref<1x2x16xf32, #tpu.memory_space<hbm>>
      %dma_start3A_16 = tpu.memref_squeeze %dma_start3A_15 : memref<1x2x16xf32, #tpu.memory_space<hbm>> -> memref<2x16xf32, #tpu.memory_space<hbm>>
      %dma_start3A_17 = arith.constant 0 : i32
      %dma_start3A_18 = arith.constant 0 : i32
      %dma_start3A_19 = tpu.memref_slice %arg9[%add3A, %dma_start3A_17, %dma_start3A_18] : memref<32x2x16xf32, #tpu.memory_space<hbm>> -> memref<1x2x16xf32, #tpu.memory_space<hbm>>
      %dma_start3A_20 = tpu.memref_squeeze %dma_start3A_19 : memref<1x2x16xf32, #tpu.memory_space<hbm>> -> memref<2x16xf32, #tpu.memory_space<hbm>>
      tpu.enqueue_dma source(%arg19 : memref<2x16xf32, #tpu.memory_space<vmem>>) target(%dma_start3A_20 : memref<2x16xf32, #tpu.memory_space<hbm>>) target_semaphore(%run_scoped3A : memref<!tpu.dma_semaphore, #tpu.memory_space<semaphore_mem>>)
      %dma_wait3A = arith.constant 0 : i32
      %dma_wait3A_21 = arith.constant 0 : i32
      %dma_wait3A_22 = tpu.memref_slice %arg9[%add3A, %dma_wait3A, %dma_wait3A_21] : memref<32x2x16xf32, #tpu.memory_space<hbm>> -> memref<1x2x16xf32, #tpu.memory_space<hbm>>
      %dma_wait3A_23 = tpu.memref_squeeze %dma_wait3A_22 : memref<1x2x16xf32, #tpu.memory_space<hbm>> -> memref<2x16xf32, #tpu.memory_space<hbm>>
      %dma_wait3A_24 = arith.constant 0 : i32
      %dma_wait3A_25 = arith.constant 0 : i32
      %dma_wait3A_26 = tpu.memref_slice %arg9[%add3A, %dma_wait3A_24, %dma_wait3A_25] : memref<32x2x16xf32, #tpu.memory_space<hbm>> -> memref<1x2x16xf32, #tpu.memory_space<hbm>>
      %dma_wait3A_27 = tpu.memref_squeeze %dma_wait3A_26 : memref<1x2x16xf32, #tpu.memory_space<hbm>> -> memref<2x16xf32, #tpu.memory_space<hbm>>
      tpu.wait_dma2 semaphore(%run_scoped3A : memref<!tpu.dma_semaphore, #tpu.memory_space<semaphore_mem>>) src(%arg19 : memref<2x16xf32, #tpu.memory_space<vmem>>) dst(%dma_wait3A_27 : memref<2x16xf32, #tpu.memory_space<hbm>>)
      tpu.yield
    }) : () -> ()
    return
  }
}

</mosaic_0001>

<sc_bundles>
// kernel: _run.3.cloned.1.call-start
scs
__scs_entry_jumppad:
0x0: {  	(pc) =	sbr.rel $0x88, $3  }
0x1: {  	(tag) =	ssettag $0x0;
	lr =	simm.s32 $0x1  }
0x2: {  	[smem:$0x3F9B] =	sst lr;
	_ =	strace $0xD0000000  }
0x3: {  	_ = 	snop  }
0x4: {  	_ = 	snop  }
0x5: {  	_ = 	snop  }
0x6: {  	_ = 	snop  }
0x7: {  	_ = 	snop  }
__scs_overlays_trampoline_lowered:
0x8: {  	[smem:$0x3FAA] =	sst s0  }
0x9: {  	[smem:$0x3FAB] =	sst s1  }
0xa: {  	[smem:$0x3FAC] =	sst s2  }
0xb: {  	[smem:$0x3FAD] =	sst s3  }
0xc: {  	[smem:$0x3FAE] =	sst s4  }
0xd: {  	[smem:$0x3FAF] =	sst s5  }
0xe: {  	[smem:$0x3FB0] =	sst s6  }
0xf: {  	[smem:$0x3FB1] =	sst s7  }
0x10: {  	[smem:$0x3FB2] =	sst s8  }
0x11: {  	[smem:$0x3FB3] =	sst s9;
	s0 =	simm.s32 @!p0 $0x0  }
0x12: {  	s1 =	sld [smem:$0x3F99];
	s0 =	simm.s32 @p0 $0x1  }
0x13: {  	[smem:$0x3FB4] =	sst s0;
	s0 =	simm.s32 @!p1 $0x0  }
0x14: {  	s2 =	sld [smem:$0x3F98];
	s0 =	simm.s32 @p1 $0x1  }
0x15: {  	[smem:$0x3FB5] =	sst s0;
	s0 =	simm.s32 @!p2 $0x0  }
0x16: {  	s3 =	sld [smem:$0x3FDB];
	s0 =	simm.s32 @p2 $0x1  }
0x17: {  	s4 =	simm.s32 $0x1BF5;
	[smem:$0x3FB7] =	sst s0  }
0x18: {  	s0 =	sld [smem:$0x3F9A];
	_ =	swait.ge [sflag:s4], $0x0  }
0x19: {  	s7 =	sld [smem:$0x3F9B]  }
0x1a: {  	s8 =	sadd.s32 $0xFFFFE003, lr  }
0x1b: {  	s9 =	sadd.s32 $0xFFFFFEF7, lr;
	s5 =	simm.s32 $0xFFFFFFFF;
	p2 =	slt.u32 s8, $0xFFFFF086  }
0x1c: {  	p1 =	slt.u32 s9, $0xF7A;
	s5 =	simm.s32 @!p2 $0x0  }
0x1d: {  	s5 =	simm.s32 @p1 $0x1;
	p0 =	seq.s32 s7, s2  }
0x1e: {  	s7 =	smul.u32 @!p0 $0xF7A, s2;
	p2 =	seq.s32 @!p0 s5, $0x0  }
0x1f: {  	s9 =	smul.u32 $0xF7A, s1;
	s8 =	simm.s32 @!p0 $0x1BF5;
	p2 =	por !p2, p0  }
0x20: {  	[sflag:s8] =	ssyncset.s32 @!p0 $0xFFFFF086;
	s6 =	sadd.s32 @!p0 s3, s7;
	s7 =	simm.s32 @!p0 $0x108  }
0x21: {  	s3 =	sadd.s32 s3, s9;
	s6 =	sadd.s32 @!p0 $0x88, s6;
	s7 =	simm.s32 @p2 $0x1082  }
0x22: {  	[simem:s7], [sflag:s8] =	dma.local @!p0 [hbm:s6], $0xF7A  }
0x23: {  	s9 =	sor.u32 $0xD0000000, s2;
	s6 =	simm.s32 $0x108;
	_ =	swait.ge @!p0 [sflag:s8], $0x0  }
0x24: {  	s3 =	sadd.s32 $0x88, s3;
	s6 =	simm.s32 @!p1 $0x1082;
	[sflag:s4] =	ssyncset.s32 $0xFFFFF086  }
0x25: {  	[simem:s6], [sflag:s4] =	dma.local [hbm:s3], $0xF7A  }
0x26: {  	[smem:$0x3F9B] =	sst s1;
	(tag) =	ssettag s2;
	_ =	strace s9  }
0x27: {  	s1 =	sld [smem:$0x3FAB]  }
0x28: {  	s2 =	sld [smem:$0x3FAC]  }
0x29: {  	s4 =	sld [smem:$0x3FAE]  }
0x2a: {  	p0 =	seq.s32 s5, $0x0;
	s5 =	sld [smem:$0x3FAF]  }
0x2b: {  	s6 =	sld [smem:$0x3FB0]  }
0x2c: {  	s7 =	sld [smem:$0x3FB1]  }
0x2d: {  	s3 =	simm.s32 $0x108;
	s8 =	sld [smem:$0x3FB2]  }
0x2e: {  	s3 =	simm.s32 @!p0 $0x1082;
	s9 =	sld [smem:$0x3FB3]  }
0x2f: {  	lr =	sadd.s32 s0, s3;
	s0 =	sld [smem:$0x3FAA]  }
0x30: {  	s3 =	sld [smem:$0x3FAD]  }
0x31: {  	[smem:$0x3FB6] =	sst s10  }
0x32: {  	s10 =	sld [smem:$0x3FB4];
	_ =	sdelay $0x3  }
0x33: {  	p0 =	seq.s32 s10, $0x1;
	s10 =	sld [smem:$0x3FB6];
	_ =	sdelay $0x3  }
0x34: {  	[smem:$0x3FB6] =	sst s10  }
0x35: {  	s10 =	sld [smem:$0x3FB5];
	_ =	sdelay $0x3  }
0x36: {  	p1 =	seq.s32 s10, $0x1;
	s10 =	sld [smem:$0x3FB6];
	_ =	sdelay $0x3  }
0x37: {  	[smem:$0x3FB6] =	sst s10  }
0x38: {  	s10 =	sld [smem:$0x3FB7]  }
0x39: {  	_ = 	snop;
	(pc) =	sbr.ind lr, $3  }
0x3a: {  	_ = 	snop  }
0x3b: {  	_ = 	snop  }
0x3c: {  	p2 =	seq.s32 s10, $0x1;
	s10 =	sld [smem:$0x3FB6]  }
0x3d: {  	_ =	shalt  }
0x3e: {  	_ =	shalt  }
0x3f: {  	_ =	shalt  }
0x40: {  	_ =	shalt  }
0x41: {  	_ =	shalt  }
0x42: {  	_ =	shalt  }
0x43: {  	_ =	shalt  }
0x44: {  	_ =	shalt  }
0x45: {  	_ =	shalt  }
0x46: {  	_ =	shalt  }
0x47: {  	_ =	shalt  }
0x48: {  	_ =	shalt  }
0x49: {  	_ =	shalt  }
0x4a: {  	_ =	shalt  }
0x4b: {  	_ =	shalt  }
0x4c: {  	_ =	shalt  }
0x4d: {  	_ =	shalt  }
0x4e: {  	_ =	shalt  }
0x4f: {  	_ =	shalt  }
0x50: {  	_ =	shalt  }
0x51: {  	_ =	shalt  }
0x52: {  	_ =	shalt  }
0x53: {  	_ =	shalt  }
0x54: {  	_ =	shalt  }
0x55: {  	_ =	shalt  }
0x56: {  	_ =	shalt  }
0x57: {  	_ =	shalt  }
0x58: {  	_ =	shalt  }
0x59: {  	_ =	shalt  }
0x5a: {  	_ =	shalt  }
0x5b: {  	_ =	shalt  }
0x5c: {  	_ =	shalt  }
0x5d: {  	_ =	shalt  }
0x5e: {  	_ =	shalt  }
0x5f: {  	_ =	shalt  }
0x60: {  	_ =	shalt  }
0x61: {  	_ =	shalt  }
0x62: {  	_ =	shalt  }
0x63: {  	_ =	shalt  }
0x64: {  	_ =	shalt  }
0x65: {  	_ =	shalt  }
0x66: {  	_ =	shalt  }
0x67: {  	_ =	shalt  }
0x68: {  	_ =	shalt  }
0x69: {  	_ =	shalt  }
0x6a: {  	_ =	shalt  }
0x6b: {  	_ =	shalt  }
0x6c: {  	_ =	shalt  }
0x6d: {  	_ =	shalt  }
0x6e: {  	_ =	shalt  }
0x6f: {  	_ =	shalt  }
0x70: {  	_ =	shalt  }
0x71: {  	_ =	shalt  }
0x72: {  	_ =	shalt  }
0x73: {  	_ =	shalt  }
0x74: {  	_ =	shalt  }
0x75: {  	_ =	shalt  }
0x76: {  	_ =	shalt  }
0x77: {  	_ =	shalt  }
0x78: {  	_ =	shalt  }
0x79: {  	_ =	shalt  }
0x7a: {  	_ =	shalt  }
0x7b: {  	_ =	shalt  }
0x7c: {  	_ =	shalt  }
0x7d: {  	_ =	shalt  }
0x7e: {  	_ =	shalt  }
0x7f: {  	_ =	shalt  }
0x80: {  	_ =	shalt  }
0x81: {  	_ =	shalt  }
0x82: {  	_ =	shalt  }
0x83: {  	_ =	shalt  }
0x84: {  	_ =	shalt  }
0x85: {  	_ =	shalt  }
0x86: {  	_ =	shalt  }
0x87: {  	_ =	shalt  }
.Lfunc_end0:
.L_simem_size_0:
called_computation_lowered:
.L_overlay_start_0:
0x88: {  	s2 =	sld [smem:$0x3FD9]  }
0x89: {  	s3 =	sld [smem:$0x3FFE];
	_ =	sdelay $0x1  }
0x8a: {  	s1 =	srdreg.scid  }
0x8b: {  	s0 =	sand.u32 $0x1, s1  }
0x8c: {  	s14 =	sshll.u32 s0, $0xA;
	s2 =	sadd.s32 s3, s2  }
0x8d: {  	s2 =	sadd.s32 s2, s14  }
0x8e: {  	[smem:$0x3FC2] =	sst s2  }
0x8f: {  	_ = 	snop  }
0x90: {  	s2 =	sld [smem:$0x3FC9]  }
0x91: {  	s15 =	sld [smem:$0x3FD0]  }
0x92: {  	s4 =	sld [smem:$0x3FC8]  }
0x93: {  	s5 =	sld [smem:$0x3FC7]  }
0x94: {  	s7 =	simm.s32 $0xA;
	s8 =	simm.s32 $0x10;
	s6 =	sld [smem:$0x3FC6]  }
0x95: {  	[smem:s8], [sflag:s7] =	dma.local [hbm:s15], $0x1  }
0x96: {  	_ =	swait.eq [sflag:s7], $0x1  }
0x97: {  	[sflag:s7] =	ssyncset.done $0x0  }
0x98: {  	[sflag:s7] =	ssyncadd.s32 $0xFFFFFFFF  }
0x99: {  	s16 =	sld [smem:$0x10];
	(tm) =	ssettm $0x1  }
0x9a: {  	s17 =	sld [smem:$0x3FFB];
	_ =	sdelay $0x3  }
0x9b: {  	_ =	strace s17  }
0x9c: {  	s7 =	sld [smem:$0x3FFC];
	_ =	sdelay $0x3  }
0x9d: {  	_ =	strace s7  }
0x9e: {  	s7 =	sld [smem:$0x3FFD];
	_ =	sdelay $0x3  }
0x9f: {  	_ =	strace s7  }
0xa0: {  	_ =	strace $0x8FFFFFFF  }
0xa1: {  	s18 =	sld [smem:$0x3FDB];
	_ =	sdelay $0x1  }
0xa2: {  	s19 =	simm.s32 $_scs_section_size  }
0xa3: {  	s9 =	simm.s32 $_size__tile_overlayer_lowered;
	s10 =	simm.s32 $_tile_overlayer_lowered  }
0xa4: {  	s22 =	simm.s32 $0x1BFF;
	s21 =	sshll.u32 s10, $0x1;
	s7 =	sadd.s32 s19, s18  }
0xa5: {  	s11 =	simm.s32 $0x0;
	s20 =	sshll.u32 s9, $0x1;
	s9 =	sadd.s32 s21, s7  }
0xa6: {  	[timem:s11], [sflag:s22] =	dma.local [hbm:s9], s20  }
0xa7: {  	_ =	swait.ge [sflag:s22], s20  }
0xa8: {  	s8 =	ssub.s32 $0x0, s20;
	[sflag:s22] =	ssyncset.done $0x0  }
0xa9: {  	[sflag:s22] =	ssyncadd.s32 s8;
	_ =	sdelay $0x1  }
0xaa: {  	s23 =	simm.s32 $0x1B8B  }
0xab: {  	_ =	swait.ge [sflag:s23], $0x1  }
0xac: {  	[sflag:s23] =	ssyncset.done $0x0  }
0xad: {  	s25 =	simm.s32 $0x1B8E;
	s24 =	sld [smem:$0x3FFE];
	[sflag:s23] =	ssyncadd.s32 $0xFFFFFFFF  }
0xae: {  	s26 =	simm.s32 $execute0_lowered;
	[smem:$0x3FD2] =	sst s25  }
0xaf: {  	s9 =	sshll.u32 s26, $0x1;
	_ =	strace $0x80000046;
	[dreg:$0x1] =	wrdreg $0xFFFFFFFF  }
0xb0: {  	s28 =	simm.s32 $_size_execute0_lowered;
	s7 =	sadd.s32 s7, s9;
	[dreg:$0x0] =	wrdreg $0x0  }
0xb1: {  	s9 =	sshll.u32 s28, $0x1;
	[dreg:$0x2] =	wrdreg s7  }
0xb2: {  	[dreg:$0x3] =	wrdreg s9  }
0xb3: {  	[dreg:$0x4] =	wrdreg $0xC0  }
0xb4: {  	_ =	task [dreg:s11], $0x5FFFF  }
0xb5: {  	[dreg:$0x1] =	wrdreg $0xFFFFFFFF  }
0xb6: {  	[dreg:$0x0] =	wrdreg $0x60  }
0xb7: {  	[dreg:$0x2] =	wrdreg s2  }
0xb8: {  	[dreg:$0x3] =	wrdreg s4  }
0xb9: {  	[dreg:$0x4] =	wrdreg s5  }
0xba: {  	[dreg:$0x5] =	wrdreg s6  }
0xbb: {  	[dreg:$0x6] =	wrdreg s24  }
0xbc: {  	[dreg:$0x7] =	wrdreg s16  }
0xbd: {  	[dreg:$0x8] =	wrdreg $0x9  }
0xbe: {  	_ =	task.clear_ibuf [dreg:s11], $0x9FFFF;
	_ =	strace $0x90000046  }
0xbf: {  	s29 =	simm.s32 $0x9;
	_ =	strace $0x80000048  }
0xc0: {  	_ =	swait.ge [sflag:s29], $0x1  }
0xc1: {  	[sflag:s29] =	ssyncadd.s32 $0xFFFFFFFF  }
0xc2: {  	_ =	strace $0x90000048  }
0xc3: {  	_ =	sfence  }
0xc4: {  	s30 =	sld [smem:$0x0];
	_ =	sdelay $0x2  }
0xc5: {  	s31 =	sshll.u32 s1, $0xD;
	s1 =	sshrl.u32 s1, $0x2  }
0xc6: {  	s3 =	sand.u32 $0x4000, s31;
	s1 =	sadd.s32 s1, s30  }
0xc7: {  	s0 =	sor.u32 s3, s0;
	s1 =	sshll.u32 s1, $0x11  }
0xc8: {  	s0 =	sor.u32 s1, s0  }
0xc9: {  	s0 =	sadd.s32 $0x8F2B, s0  }
0xca: {  	[sflag:s0] =	ssyncadd.remote.s32 $0x1  }
0xcb: {  	_ =	sfence.sel $0xFFFF  }
0xcc: {  	[dreg:$0x0] =	wrdreg $0xFFFFFFFF;
	(pc) =	sbr.abs _section_cstart, $3  }
0xcd: {  	[dreg:$0x1] =	wrdreg $0xFFFFFFFF  }
0xce: {  	_ =	task.clear_ibuf [dreg:s11], $0x2FFFF;
	_ =	strace $0x9FFFFFFF  }
0xcf: {  	(tm) =	ssettm $0x7FFFFFFF  }
tec
execute0_lowered:
.L_overlay_start_1:
0x0: {  	(tag) =	ssettag $0x1  }
0x1: {  	s5 =	rddreg [dreg:$0x0]  }
0x2: {  	s6 =	rddreg [dreg:$0x1]  }
0x3: {  	s7 =	rddreg [dreg:$0x2]  }
0x4: {  	s8 =	rddreg [dreg:$0x3]  }
0x5: {  	s10 =	rddreg [dreg:$0x4]  }
0x6: {  	s9 =	rddreg [dreg:$0x5]  }
0x7: {  	s0 =	rddreg [dreg:$0x6];
	s1 =	simm.s32 $0x0  }
0x8: {  	s2 =	simm.s32 $0xC00;
	[smem:$0x7FF] =	sst s1  }
0x9: {  	s16 =	simm.s32 $0x1000;
	_ =	strace $0x80000047;
	[dreg:$0x7] =	wrdreg s2  }
0xa: {  	s17 =	simm.s32 $0x1400;
	[dreg:$0x8] =	wrdreg s16  }
0xb: {  	s18 =	simm.s32 $0x1800;
	[dreg:$0x9] =	wrdreg s17  }
0xc: {  	s19 =	simm.s32 $0x1C00;
	[dreg:$0xa] =	wrdreg s18  }
0xd: {  	s20 =	simm.s32 $0x2000;
	[dreg:$0xb] =	wrdreg s19  }
0xe: {  	s21 =	simm.s32 $0x2400;
	[dreg:$0xc] =	wrdreg s20  }
0xf: {  	s22 =	simm.s32 $0x2800;
	[dreg:$0xd] =	wrdreg s21  }
0x10: {  	s23 =	simm.s32 $0x2C00;
	[dreg:$0xe] =	wrdreg s22  }
0x11: {  	s24 =	simm.s32 $0x3000;
	[dreg:$0xf] =	wrdreg s23  }
0x12: {  	s25 =	simm.s32 $0x3400;
	[dreg:$0x10] =	wrdreg s24  }
0x13: {  	s26 =	simm.s32 $0x3800;
	[dreg:$0x11] =	wrdreg s25  }
0x14: {  	s28 =	simm.s32 $0x3C00;
	[dreg:$0x12] =	wrdreg s26  }
0x15: {  	s29 =	simm.s32 $0x4000;
	[dreg:$0x13] =	wrdreg s28  }
0x16: {  	s30 =	simm.s32 $0x4400;
	[dreg:$0x14] =	wrdreg s29  }
0x17: {  	s31 =	simm.s32 $0x4C00;
	[dreg:$0x15] =	wrdreg s30  }
0x18: {  	s3 =	simm.s32 $0x5000;
	[dreg:$0x16] =	wrdreg s31  }
0x19: {  	s4 =	simm.s32 $0x5400;
	[dreg:$0x17] =	wrdreg s3  }
0x1a: {  	s11 =	simm.s32 $0x5800;
	[dreg:$0x18] =	wrdreg s4  }
0x1b: {  	s12 =	simm.s32 $0x5C00;
	[dreg:$0x19] =	wrdreg s11  }
0x1c: {  	s13 =	simm.s32 $0x6000;
	[dreg:$0x1a] =	wrdreg s12  }
0x1d: {  	s14 =	simm.s32 $0x6400;
	[dreg:$0x1b] =	wrdreg s13  }
0x1e: {  	s15 =	simm.s32 $0x6800;
	[dreg:$0x1c] =	wrdreg s14  }
0x1f: {  	[dreg:$0x1d] =	wrdreg s15;
	s16 =	simm.s32 $0x6C00  }
0x20: {  	s17 =	simm.s32 $0x7000;
	[dreg:$0x1e] =	wrdreg s16  }
0x21: {  	s18 =	simm.s32 $0x7400;
	[dreg:$0x1f] =	wrdreg s17  }
0x22: {  	s3 =	simm.s32 $0x7800;
	[smem:$0x7DB] =	sst s18  }
0x23: {  	s4 =	simm.s32 $0x7C00;
	[smem:$0x7DC] =	sst s3  }
0x24: {  	s19 =	simm.s32 $0x8000;
	[smem:$0x7DD] =	sst s4  }
0x25: {  	s12 =	simm.s32 $0x8400;
	[smem:$0x7DE] =	sst s19  }
0x26: {  	s20 =	simm.s32 $0x8C00;
	[smem:$0x7DF] =	sst s12  }
0x27: {  	s21 =	simm.s32 $0x9000;
	[smem:$0x7E0] =	sst s20  }
0x28: {  	s22 =	simm.s32 $0x9400;
	[smem:$0x7E1] =	sst s21  }
0x29: {  	s23 =	simm.s32 $0x9800;
	[smem:$0x7E2] =	sst s22  }
0x2a: {  	s24 =	simm.s32 $0x9C00;
	[smem:$0x7E3] =	sst s23  }
0x2b: {  	s25 =	simm.s32 $0xA000;
	[smem:$0x7E4] =	sst s24  }
0x2c: {  	s26 =	simm.s32 $0xA400;
	[smem:$0x7E5] =	sst s25  }
0x2d: {  	s29 =	simm.s32 $0xA800;
	[smem:$0x7E6] =	sst s26  }
0x2e: {  	s30 =	simm.s32 $0xAC00;
	[smem:$0x7E7] =	sst s29  }
0x2f: {  	s15 =	simm.s32 $0xB000;
	[smem:$0x7E8] =	sst s30  }
0x30: {  	[smem:$0x7E9] =	sst s15;
	s16 =	simm.s32 $0xB400  }
0x31: {  	s17 =	simm.s32 $0xB800;
	[smem:$0x7EA] =	sst s16  }
0x32: {  	s18 =	simm.s32 $0xBC00;
	[smem:$0x7EB] =	sst s17  }
0x33: {  	s19 =	simm.s32 $0xC000;
	[smem:$0x7EC] =	sst s18  }
0x34: {  	s21 =	simm.s32 $0xC400;
	[smem:$0x7ED] =	sst s19  }
0x35: {  	s2 =	sadd.s32 $0x800, s10;
	s22 =	simm.s32 $0xCC00;
	[smem:$0x7EE] =	sst s21  }
0x36: {  	s11 =	srdreg.scid;
	s23 =	simm.s32 $0xD000;
	[smem:$0x7EF] =	sst s22  }
0x37: {  	s3 =	sadd.s32 $0xF42C00, s10;
	s24 =	simm.s32 $0xD400;
	[smem:$0x7F0] =	sst s23  }
0x38: {  	s4 =	stileid.u32;
	s25 =	simm.s32 $0xD800;
	[smem:$0x7F1] =	sst s24  }
0x39: {  	s11 =	sand.u32 $0x1, s11;
	s26 =	simm.s32 $0xDC00;
	[smem:$0x7F2] =	sst s25  }
0x3a: {  	s29 =	simm.s32 $0xE400;
	s12 =	simm.s32 $0x2;
	[smem:$0x7F3] =	sst s26  }
0x3b: {  	s30 =	simm.s32 $0xE800;
	s15 =	simm.s32 $0xEC00;
	[smem:$0x7F5] =	sst s29  }
0x3c: {  	s13 =	sshll.u32 s4, $0x1;
	s20 =	sshll.u32 s4, $0x7;
	[smem:$0x7F6] =	sst s30  }
0x3d: {  	[smem:$0x7F7] =	sst s15;
	s16 =	simm.s32 $0xF000;
	s15 =	simm.s32 $0x600  }
0x3e: {  	s17 =	simm.s32 $0xF400;
	s18 =	simm.s32 $0xF800;
	s19 =	simm.s32 $0xFC00  }
0x3f: {  	s21 =	simm.s32 $0x80;
	s22 =	simm.s32 $0x10800;
	s23 =	simm.s32 $0x10A00  }
0x40: {  	s24 =	simm.s32 $0x0;
	s13 =	sor.u32 s11, s13;
	[smem:$0x7F8] =	sst s16  }
0x41: {  	s11 =	ssub.s32 $0x2, s11;
	s16 =	simm.s32 $0x800;
	[smem:$0x7F9] =	sst s17  }
0x42: {  	s17 =	simm.s32 $0x4800;
	[smem:$0x7FA] =	sst s18;
	s18 =	simm.s32 $0x8800  }
0x43: {  	[smem:$0x7FB] =	sst s19;
	s19 =	simm.s32 $0xC800;
	s14 =	sshll.u32 s13, $0x5  }
0x44: {  	s28 =	sshrl.u32 s11, $0x1;
	s31 =	sshll.u32 s13, $0x6;
	s13 =	sshll.u32 s13, $0x4  }
0x45: {  	s10 =	sadd.s32 s14, s10;
	s11 =	ssub.s32 s11, s28;
	s5 =	sadd.s32 s5, s31  }
0x46: {  	s6 =	sadd.s32 s6, s31;
	s7 =	sadd.s32 s7, s31;
	s8 =	sadd.s32 s8, s31  }
0x47: {  	s14 =	sand.u32 $0x600, s20;
	s13 =	sand.u32 $0x70, s13;
	s28 =	simm.s32 $0xE000  }
0x48: {  	s20 =	simm.s32 $0x10000;
	s31 =	simm.s32 $0x10400;
	[smem:$0x7F4] =	sst s28  }
0x49: {  	s9 =	sadd.s32 s9, s14;
	s10 =	sadd.s32 $0x1E85000, s10;
	[smem:$0x7FC] =	sst s20  }
0x4a: {  	v0 =	vlaneseq.u32;
	s11 =	smax.u32 s11, $0x1;
	s14 =	simm.s32 $0x400;
	[smem:$0x7FD] =	sst s31  }
0x4b: {  	v0 =	vmul.u32 $0x400, v0;
	s20 =	simm.s32 $0x1;
	s9 =	sadd.s32 s13, s9;
	s13 =	simm.s32 $0x200  }
.LBB2_1:
0x4c: {  	[tilespmem:s1], [sflag:$0x2] =	stream.linear.gather [hbm4b:s5+s1], $0x200, $0x38;
	[tilespmem:$0x10B00] =	vst v63  }
0x4d: {  	_ =	swait.ge [sflag:s12], $0x200  }
0x4e: {  	[sflag:s12] =	ssyncset.done $0x0  }
0x4f: {  	[sflag:s12] =	ssyncadd.s32 $0xFFFFFE00  }
0x50: {  	[tilespmem:s13], [sflag:$0x2] =	stream.linear.gather [hbm4b:s6+s1], $0x200, $0x38;
	[tilespmem:$0x10B00] =	vst v63  }
0x51: {  	_ =	swait.ge [sflag:s12], $0x200  }
0x52: {  	[sflag:s12] =	ssyncset.done $0x0  }
0x53: {  	[sflag:s12] =	ssyncadd.s32 $0xFFFFFE00  }
0x54: {  	[tilespmem:s14], [sflag:$0x2] =	stream.linear.gather [hbm4b:s7+s1], $0x200, $0x38;
	[tilespmem:$0x10B00] =	vst v63  }
0x55: {  	_ =	swait.ge [sflag:s12], $0x200  }
0x56: {  	[sflag:s12] =	ssyncset.done $0x0  }
0x57: {  	[sflag:s12] =	ssyncadd.s32 $0xFFFFFE00  }
0x58: {  	[tilespmem:s15], [sflag:$0x2] =	stream.linear.gather [hbm4b:s8+s1], $0x200, $0x38;
	[tilespmem:$0x10B00] =	vst v63  }
0x59: {  	_ =	swait.ge [sflag:s12], $0x200  }
0x5a: {  	[sflag:s12] =	ssyncset.done $0x0  }
0x5b: {  	v6 =	vimm.f32 $0.0e+00;
	s25 =	simm.s32 $0x0;
	v5 =	vimm.f32 $0.0e+00;
	[sflag:s12] =	ssyncadd.s32 $0xFFFFFE00  }
.LBB2_2:
0x5c: {  	s26 =	sshra.s32 s25, $0x2  }
0x5d: {  	v1 =	vld [tilespmem:s26+$0x0];
	_ =	sdelay $0x4  }
0x5e: {  	v1 =	vand.u32 $0xFFFFFFF8, v1  }
0x5f: {  	v1 =	vshll.u32 v1, $0x4  }
0x60: {  	v1 =	vadd.s32 s2, v1  }
0x61: {  	(v2sf) =	vpush v1, $0x0;
	_ =	sdelay $0x1  }
0x62: {  	(v2sf) =	vpush v1, $0x1;
	_ =	sdelay $0x1  }
0x63: {  	(v2sf) =	vpush v1, $0x2;
	_ =	sdelay $0x1  }
0x64: {  	(v2sf) =	vpush v1, $0x3;
	_ =	sdelay $0x1  }
0x65: {  	(v2sf) =	vpush v1, $0x4;
	_ =	sdelay $0x1  }
0x66: {  	(v2sf) =	vpush v1, $0x5;
	_ =	sdelay $0x1  }
0x67: {  	(v2sf) =	vpush v1, $0x6;
	_ =	sdelay $0x1  }
0x68: {  	(v2sf) =	vpush v1, $0x7  }
0x69: {  	s28 =	spop (v2sf)  }
0x6a: {  	(v2sf) =	vpush v1, $0x8;
	[tilespmem:s16], [sflag:$0x1] =	stream.linear.gather [hbm4b:s28+s1], $0x400, $0x38;
	[tilespmem:$0x10B00] =	vst v63  }
0x6b: {  	s29 =	rddreg [dreg:$0x7];
	s31 =	spop (v2sf)  }
0x6c: {  	(v2sf) =	vpush v1, $0x9;
	[tilespmem:s29], [sflag:$0x1] =	stream.linear.gather [hbm4b:s31+s1], $0x400, $0x38;
	[tilespmem:$0x10B00] =	vst v63  }
0x6d: {  	s30 =	rddreg [dreg:$0x8];
	s31 =	spop (v2sf)  }
0x6e: {  	(v2sf) =	vpush v1, $0xA;
	[tilespmem:s30], [sflag:$0x1] =	stream.linear.gather [hbm4b:s31+s1], $0x400, $0x38;
	[tilespmem:$0x10B00] =	vst v63  }
0x6f: {  	s29 =	rddreg [dreg:$0x9];
	s31 =	spop (v2sf)  }
0x70: {  	(v2sf) =	vpush v1, $0xB;
	[tilespmem:s29], [sflag:$0x1] =	stream.linear.gather [hbm4b:s31+s1], $0x400, $0x38;
	[tilespmem:$0x10B00] =	vst v63  }
0x71: {  	s30 =	rddreg [dreg:$0xa];
	s31 =	spop (v2sf)  }
0x72: {  	(v2sf) =	vpush v1, $0xC;
	[tilespmem:s30], [sflag:$0x1] =	stream.linear.gather [hbm4b:s31+s1], $0x400, $0x38;
	[tilespmem:$0x10B00] =	vst v63  }
0x73: {  	s29 =	rddreg [dreg:$0xb];
	s31 =	spop (v2sf)  }
0x74: {  	(v2sf) =	vpush v1, $0xD;
	[tilespmem:s29], [sflag:$0x1] =	stream.linear.gather [hbm4b:s31+s1], $0x400, $0x38;
	[tilespmem:$0x10B00] =	vst v63  }
0x75: {  	s30 =	rddreg [dreg:$0xc];
	s31 =	spop (v2sf)  }
0x76: {  	(v2sf) =	vpush v1, $0xE;
	[tilespmem:s30], [sflag:$0x1] =	stream.linear.gather [hbm4b:s31+s1], $0x400, $0x38;
	[tilespmem:$0x10B00] =	vst v63  }
0x77: {  	s29 =	rddreg [dreg:$0xd];
	s31 =	spop (v2sf)  }
0x78: {  	(v2sf) =	vpush v1, $0xF;
	[tilespmem:s29], [sflag:$0x1] =	stream.linear.gather [hbm4b:s31+s1], $0x400, $0x38;
	[tilespmem:$0x10B00] =	vst v63  }
0x79: {  	s30 =	rddreg [dreg:$0xe];
	s31 =	spop (v2sf)  }
0x7a: {  	[tilespmem:s30], [sflag:$0x1] =	stream.linear.gather [hbm4b:s31+s1], $0x400, $0x38;
	[tilespmem:$0x10B00] =	vst v63  }
0x7b: {  	s29 =	rddreg [dreg:$0xf];
	s31 =	spop (v2sf)  }
0x7c: {  	[tilespmem:s29], [sflag:$0x1] =	stream.linear.gather [hbm4b:s31+s1], $0x400, $0x38;
	[tilespmem:$0x10B00] =	vst v63  }
0x7d: {  	s30 =	rddreg [dreg:$0x10];
	s31 =	spop (v2sf)  }
0x7e: {  	[tilespmem:s30], [sflag:$0x1] =	stream.linear.gather [hbm4b:s31+s1], $0x400, $0x38;
	[tilespmem:$0x10B00] =	vst v63  }
0x7f: {  	s29 =	rddreg [dreg:$0x11];
	s31 =	spop (v2sf)  }
0x80: {  	[tilespmem:s29], [sflag:$0x1] =	stream.linear.gather [hbm4b:s31+s1], $0x400, $0x38;
	[tilespmem:$0x10B00] =	vst v63  }
0x81: {  	s30 =	rddreg [dreg:$0x12];
	s31 =	spop (v2sf)  }
0x82: {  	[tilespmem:s30], [sflag:$0x1] =	stream.linear.gather [hbm4b:s31+s1], $0x400, $0x38;
	[tilespmem:$0x10B00] =	vst v63  }
0x83: {  	s29 =	rddreg [dreg:$0x13];
	s31 =	spop (v2sf)  }
0x84: {  	[tilespmem:s29], [sflag:$0x1] =	stream.linear.gather [hbm4b:s31+s1], $0x400, $0x38;
	[tilespmem:$0x10B00] =	vst v63  }
0x85: {  	s30 =	rddreg [dreg:$0x14];
	s31 =	spop (v2sf)  }
0x86: {  	[tilespmem:s30], [sflag:$0x1] =	stream.linear.gather [hbm4b:s31+s1], $0x400, $0x38;
	[tilespmem:$0x10B00] =	vst v63  }
0x87: {  	s29 =	rddreg [dreg:$0x15];
	s31 =	spop (v2sf)  }
0x88: {  	[tilespmem:s29], [sflag:$0x1] =	stream.linear.gather [hbm4b:s31+s1], $0x400, $0x38;
	[tilespmem:$0x10B00] =	vst v63  }
0x89: {  	v1 =	vld [tilespmem:s26+$0x200];
	_ =	sdelay $0x4  }
0x8a: {  	v1 =	vand.u32 $0xFFFFFFF8, v1  }
0x8b: {  	v1 =	vshll.u32 v1, $0x4  }
0x8c: {  	v1 =	vadd.s32 s3, v1  }
0x8d: {  	(v2sf) =	vpush v1, $0x0;
	_ =	sdelay $0x1  }
0x8e: {  	(v2sf) =	vpush v1, $0x1;
	_ =	sdelay $0x1  }
0x8f: {  	(v2sf) =	vpush v1, $0x2;
	_ =	sdelay $0x1  }
0x90: {  	(v2sf) =	vpush v1, $0x3;
	_ =	sdelay $0x1  }
0x91: {  	(v2sf) =	vpush v1, $0x4;
	_ =	sdelay $0x1  }
0x92: {  	(v2sf) =	vpush v1, $0x5;
	_ =	sdelay $0x1  }
0x93: {  	(v2sf) =	vpush v1, $0x6;
	_ =	sdelay $0x1  }
0x94: {  	(v2sf) =	vpush v1, $0x7  }
0x95: {  	s29 =	rddreg [dreg:$0x16];
	s30 =	spop (v2sf)  }
0x96: {  	(v2sf) =	vpush v1, $0x8;
	[tilespmem:s17], [sflag:$0x1] =	stream.linear.gather [hbm4b:s30+s1], $0x400, $0x38;
	[tilespmem:$0x10B00] =	vst v63  }
0x97: {  	s31 =	spop (v2sf);
	s30 =	rddreg [dreg:$0x17]  }
0x98: {  	(v2sf) =	vpush v1, $0x9;
	[tilespmem:s29], [sflag:$0x1] =	stream.linear.gather [hbm4b:s31+s1], $0x400, $0x38;
	[tilespmem:$0x10B00] =	vst v63  }
0x99: {  	s31 =	spop (v2sf);
	s29 =	rddreg [dreg:$0x18]  }
0x9a: {  	(v2sf) =	vpush v1, $0xA;
	[tilespmem:s30], [sflag:$0x1] =	stream.linear.gather [hbm4b:s31+s1], $0x400, $0x38;
	[tilespmem:$0x10B00] =	vst v63  }
0x9b: {  	s31 =	spop (v2sf);
	s30 =	rddreg [dreg:$0x19]  }
0x9c: {  	(v2sf) =	vpush v1, $0xB;
	[tilespmem:s29], [sflag:$0x1] =	stream.linear.gather [hbm4b:s31+s1], $0x400, $0x38;
	[tilespmem:$0x10B00] =	vst v63  }
0x9d: {  	s31 =	spop (v2sf);
	s29 =	rddreg [dreg:$0x1a]  }
0x9e: {  	(v2sf) =	vpush v1, $0xC;
	[tilespmem:s30], [sflag:$0x1] =	stream.linear.gather [hbm4b:s31+s1], $0x400, $0x38;
	[tilespmem:$0x10B00] =	vst v63  }
0x9f: {  	s31 =	spop (v2sf);
	s30 =	rddreg [dreg:$0x1b]  }
0xa0: {  	(v2sf) =	vpush v1, $0xD;
	[tilespmem:s29], [sflag:$0x1] =	stream.linear.gather [hbm4b:s31+s1], $0x400, $0x38;
	[tilespmem:$0x10B00] =	vst v63  }
0xa1: {  	s31 =	spop (v2sf);
	s29 =	rddreg [dreg:$0x1c]  }
0xa2: {  	(v2sf) =	vpush v1, $0xE;
	[tilespmem:s30], [sflag:$0x1] =	stream.linear.gather [hbm4b:s31+s1], $0x400, $0x38;
	[tilespmem:$0x10B00] =	vst v63  }
0xa3: {  	s31 =	spop (v2sf);
	s30 =	rddreg [dreg:$0x1d]  }
0xa4: {  	(v2sf) =	vpush v1, $0xF;
	[tilespmem:s29], [sflag:$0x1] =	stream.linear.gather [hbm4b:s31+s1], $0x400, $0x38;
	[tilespmem:$0x10B00] =	vst v63  }
0xa5: {  	s31 =	spop (v2sf);
	s29 =	rddreg [dreg:$0x1e]  }
0xa6: {  	[tilespmem:s30], [sflag:$0x1] =	stream.linear.gather [hbm4b:s31+s1], $0x400, $0x38;
	[tilespmem:$0x10B00] =	vst v63  }
0xa7: {  	s31 =	spop (v2sf);
	s30 =	rddreg [dreg:$0x1f]  }
0xa8: {  	[tilespmem:s29], [sflag:$0x1] =	stream.linear.gather [hbm4b:s31+s1], $0x400, $0x38;
	[tilespmem:$0x10B00] =	vst v63  }
0xa9: {  	s31 =	spop (v2sf);
	s29 =	sld [smem:$0x7DB]  }
0xaa: {  	[tilespmem:s30], [sflag:$0x1] =	stream.linear.gather [hbm4b:s31+s1], $0x400, $0x38;
	[tilespmem:$0x10B00] =	vst v63  }
0xab: {  	s31 =	spop (v2sf);
	s30 =	sld [smem:$0x7DC]  }
0xac: {  	[tilespmem:s29], [sflag:$0x1] =	stream.linear.gather [hbm4b:s31+s1], $0x400, $0x38;
	[tilespmem:$0x10B00] =	vst v63  }
0xad: {  	s31 =	spop (v2sf);
	s29 =	sld [smem:$0x7DD]  }
0xae: {  	[tilespmem:s30], [sflag:$0x1] =	stream.linear.gather [hbm4b:s31+s1], $0x400, $0x38;
	[tilespmem:$0x10B00] =	vst v63  }
0xaf: {  	s31 =	spop (v2sf);
	s30 =	sld [smem:$0x7DE]  }
0xb0: {  	[tilespmem:s29], [sflag:$0x1] =	stream.linear.gather [hbm4b:s31+s1], $0x400, $0x38;
	[tilespmem:$0x10B00] =	vst v63  }
0xb1: {  	s31 =	spop (v2sf);
	s29 =	sld [smem:$0x7DF]  }
0xb2: {  	[tilespmem:s30], [sflag:$0x1] =	stream.linear.gather [hbm4b:s31+s1], $0x400, $0x38;
	[tilespmem:$0x10B00] =	vst v63  }
0xb3: {  	s31 =	spop (v2sf)  }
0xb4: {  	[tilespmem:s29], [sflag:$0x1] =	stream.linear.gather [hbm4b:s31+s1], $0x400, $0x38;
	[tilespmem:$0x10B00] =	vst v63  }
0xb5: {  	v1 =	vld [tilespmem:s26+$0x600];
	_ =	sdelay $0x4  }
0xb6: {  	v1 =	vand.u32 $0xFFFFFFF8, v1  }
0xb7: {  	v1 =	vshll.u32 v1, $0x4  }
0xb8: {  	v1 =	vadd.s32 s3, v1  }
0xb9: {  	(v2sf) =	vpush v1, $0x0;
	_ =	sdelay $0x1  }
0xba: {  	(v2sf) =	vpush v1, $0x1;
	_ =	sdelay $0x1  }
0xbb: {  	(v2sf) =	vpush v1, $0x2;
	_ =	sdelay $0x1  }
0xbc: {  	(v2sf) =	vpush v1, $0x3;
	_ =	sdelay $0x1  }
0xbd: {  	(v2sf) =	vpush v1, $0x4;
	_ =	sdelay $0x1  }
0xbe: {  	(v2sf) =	vpush v1, $0x5;
	_ =	sdelay $0x1  }
0xbf: {  	(v2sf) =	vpush v1, $0x6;
	_ =	sdelay $0x1  }
0xc0: {  	(v2sf) =	vpush v1, $0x7  }
0xc1: {  	s29 =	sld [smem:$0x7E0];
	s30 =	spop (v2sf)  }
0xc2: {  	(v2sf) =	vpush v1, $0x8;
	[tilespmem:s18], [sflag:$0x1] =	stream.linear.gather [hbm4b:s30+s1], $0x400, $0x38;
	[tilespmem:$0x10B00] =	vst v63  }
0xc3: {  	s31 =	spop (v2sf);
	s30 =	sld [smem:$0x7E1]  }
0xc4: {  	(v2sf) =	vpush v1, $0x9;
	[tilespmem:s29], [sflag:$0x1] =	stream.linear.gather [hbm4b:s31+s1], $0x400, $0x38;
	[tilespmem:$0x10B00] =	vst v63  }
0xc5: {  	s31 =	spop (v2sf);
	s29 =	sld [smem:$0x7E2]  }
0xc6: {  	(v2sf) =	vpush v1, $0xA;
	[tilespmem:s30], [sflag:$0x1] =	stream.linear.gather [hbm4b:s31+s1], $0x400, $0x38;
	[tilespmem:$0x10B00] =	vst v63  }
0xc7: {  	s31 =	spop (v2sf);
	s30 =	sld [smem:$0x7E3]  }
0xc8: {  	(v2sf) =	vpush v1, $0xB;
	[tilespmem:s29], [sflag:$0x1] =	stream.linear.gather [hbm4b:s31+s1], $0x400, $0x38;
	[tilespmem:$0x10B00] =	vst v63  }
0xc9: {  	s31 =	spop (v2sf);
	s29 =	sld [smem:$0x7E4]  }
0xca: {  	(v2sf) =	vpush v1, $0xC;
	[tilespmem:s30], [sflag:$0x1] =	stream.linear.gather [hbm4b:s31+s1], $0x400, $0x38;
	[tilespmem:$0x10B00] =	vst v63  }
0xcb: {  	s31 =	spop (v2sf);
	s30 =	sld [smem:$0x7E5]  }
0xcc: {  	(v2sf) =	vpush v1, $0xD;
	[tilespmem:s29], [sflag:$0x1] =	stream.linear.gather [hbm4b:s31+s1], $0x400, $0x38;
	[tilespmem:$0x10B00] =	vst v63  }
0xcd: {  	s31 =	spop (v2sf);
	s29 =	sld [smem:$0x7E6]  }
0xce: {  	(v2sf) =	vpush v1, $0xE;
	[tilespmem:s30], [sflag:$0x1] =	stream.linear.gather [hbm4b:s31+s1], $0x400, $0x38;
	[tilespmem:$0x10B00] =	vst v63  }
0xcf: {  	s31 =	spop (v2sf);
	s30 =	sld [smem:$0x7E7]  }
0xd0: {  	(v2sf) =	vpush v1, $0xF;
	[tilespmem:s29], [sflag:$0x1] =	stream.linear.gather [hbm4b:s31+s1], $0x400, $0x38;
	[tilespmem:$0x10B00] =	vst v63  }
0xd1: {  	s31 =	spop (v2sf);
	s29 =	sld [smem:$0x7E8]  }
0xd2: {  	[tilespmem:s30], [sflag:$0x1] =	stream.linear.gather [hbm4b:s31+s1], $0x400, $0x38;
	[tilespmem:$0x10B00] =	vst v63  }
0xd3: {  	s31 =	spop (v2sf);
	s30 =	sld [smem:$0x7E9]  }
0xd4: {  	[tilespmem:s29], [sflag:$0x1] =	stream.linear.gather [hbm4b:s31+s1], $0x400, $0x38;
	[tilespmem:$0x10B00] =	vst v63  }
0xd5: {  	s31 =	spop (v2sf);
	s29 =	sld [smem:$0x7EA]  }
0xd6: {  	[tilespmem:s30], [sflag:$0x1] =	stream.linear.gather [hbm4b:s31+s1], $0x400, $0x38;
	[tilespmem:$0x10B00] =	vst v63  }
0xd7: {  	s31 =	spop (v2sf);
	s30 =	sld [smem:$0x7EB]  }
0xd8: {  	[tilespmem:s29], [sflag:$0x1] =	stream.linear.gather [hbm4b:s31+s1], $0x400, $0x38;
	[tilespmem:$0x10B00] =	vst v63  }
0xd9: {  	s31 =	spop (v2sf);
	s29 =	sld [smem:$0x7EC]  }
0xda: {  	[tilespmem:s30], [sflag:$0x1] =	stream.linear.gather [hbm4b:s31+s1], $0x400, $0x38;
	[tilespmem:$0x10B00] =	vst v63  }
0xdb: {  	s31 =	spop (v2sf);
	s30 =	sld [smem:$0x7ED]  }
0xdc: {  	[tilespmem:s29], [sflag:$0x1] =	stream.linear.gather [hbm4b:s31+s1], $0x400, $0x38;
	[tilespmem:$0x10B00] =	vst v63  }
0xdd: {  	s31 =	spop (v2sf);
	s29 =	sld [smem:$0x7EE]  }
0xde: {  	[tilespmem:s30], [sflag:$0x1] =	stream.linear.gather [hbm4b:s31+s1], $0x400, $0x38;
	[tilespmem:$0x10B00] =	vst v63  }
0xdf: {  	s31 =	spop (v2sf)  }
0xe0: {  	[tilespmem:s29], [sflag:$0x1] =	stream.linear.gather [hbm4b:s31+s1], $0x400, $0x38;
	[tilespmem:$0x10B00] =	vst v63  }
0xe1: {  	v1 =	vld [tilespmem:s26+$0x400];
	_ =	sdelay $0x4  }
0xe2: {  	v1 =	vand.u32 $0xFFFFFFF8, v1  }
0xe3: {  	v1 =	vshll.u32 v1, $0x4  }
0xe4: {  	v1 =	vadd.s32 s2, v1  }
0xe5: {  	(v2sf) =	vpush v1, $0x0;
	_ =	sdelay $0x1  }
0xe6: {  	(v2sf) =	vpush v1, $0x1;
	_ =	sdelay $0x1  }
0xe7: {  	(v2sf) =	vpush v1, $0x2;
	_ =	sdelay $0x1  }
0xe8: {  	(v2sf) =	vpush v1, $0x3;
	_ =	sdelay $0x1  }
0xe9: {  	(v2sf) =	vpush v1, $0x4;
	_ =	sdelay $0x1  }
0xea: {  	(v2sf) =	vpush v1, $0x5;
	_ =	sdelay $0x1  }
0xeb: {  	(v2sf) =	vpush v1, $0x6;
	_ =	sdelay $0x1  }
0xec: {  	(v2sf) =	vpush v1, $0x7  }
0xed: {  	s29 =	sld [smem:$0x7EF];
	s30 =	spop (v2sf)  }
0xee: {  	(v2sf) =	vpush v1, $0x8;
	[tilespmem:s19], [sflag:$0x1] =	stream.linear.gather [hbm4b:s30+s1], $0x400, $0x38;
	[tilespmem:$0x10B00] =	vst v63  }
0xef: {  	s31 =	spop (v2sf);
	s30 =	sld [smem:$0x7F0]  }
0xf0: {  	(v2sf) =	vpush v1, $0x9;
	[tilespmem:s29], [sflag:$0x1] =	stream.linear.gather [hbm4b:s31+s1], $0x400, $0x38;
	[tilespmem:$0x10B00] =	vst v63  }
0xf1: {  	s31 =	spop (v2sf);
	s29 =	sld [smem:$0x7F1]  }
0xf2: {  	(v2sf) =	vpush v1, $0xA;
	[tilespmem:s30], [sflag:$0x1] =	stream.linear.gather [hbm4b:s31+s1], $0x400, $0x38;
	[tilespmem:$0x10B00] =	vst v63  }
0xf3: {  	s31 =	spop (v2sf);
	s30 =	sld [smem:$0x7F2]  }
0xf4: {  	(v2sf) =	vpush v1, $0xB;
	[tilespmem:s29], [sflag:$0x1] =	stream.linear.gather [hbm4b:s31+s1], $0x400, $0x38;
	[tilespmem:$0x10B00] =	vst v63  }
0xf5: {  	s31 =	spop (v2sf);
	s29 =	sld [smem:$0x7F3]  }
0xf6: {  	(v2sf) =	vpush v1, $0xC;
	[tilespmem:s30], [sflag:$0x1] =	stream.linear.gather [hbm4b:s31+s1], $0x400, $0x38;
	[tilespmem:$0x10B00] =	vst v63  }
0xf7: {  	s31 =	spop (v2sf);
	s30 =	sld [smem:$0x7F4]  }
0xf8: {  	(v2sf) =	vpush v1, $0xD;
	[tilespmem:s29], [sflag:$0x1] =	stream.linear.gather [hbm4b:s31+s1], $0x400, $0x38;
	[tilespmem:$0x10B00] =	vst v63  }
0xf9: {  	s31 =	spop (v2sf);
	s29 =	sld [smem:$0x7F5]  }
0xfa: {  	(v2sf) =	vpush v1, $0xE;
	[tilespmem:s30], [sflag:$0x1] =	stream.linear.gather [hbm4b:s31+s1], $0x400, $0x38;
	[tilespmem:$0x10B00] =	vst v63  }
0xfb: {  	s31 =	spop (v2sf);
	s30 =	sld [smem:$0x7F6]  }
0xfc: {  	(v2sf) =	vpush v1, $0xF;
	[tilespmem:s29], [sflag:$0x1] =	stream.linear.gather [hbm4b:s31+s1], $0x400, $0x38;
	[tilespmem:$0x10B00] =	vst v63  }
0xfd: {  	s31 =	spop (v2sf);
	s29 =	sld [smem:$0x7F7]  }
0xfe: {  	[tilespmem:s30], [sflag:$0x1] =	stream.linear.gather [hbm4b:s31+s1], $0x400, $0x38;
	[tilespmem:$0x10B00] =	vst v63  }
0xff: {  	s31 =	spop (v2sf);
	s30 =	sld [smem:$0x7F8]  }
0x100: {  	[tilespmem:s29], [sflag:$0x1] =	stream.linear.gather [hbm4b:s31+s1], $0x400, $0x38;
	[tilespmem:$0x10B00] =	vst v63  }
0x101: {  	s31 =	spop (v2sf);
	s29 =	sld [smem:$0x7F9]  }
0x102: {  	[tilespmem:s30], [sflag:$0x1] =	stream.linear.gather [hbm4b:s31+s1], $0x400, $0x38;
	[tilespmem:$0x10B00] =	vst v63  }
0x103: {  	s31 =	spop (v2sf);
	s30 =	sld [smem:$0x7FA]  }
0x104: {  	[tilespmem:s29], [sflag:$0x1] =	stream.linear.gather [hbm4b:s31+s1], $0x400, $0x38;
	[tilespmem:$0x10B00] =	vst v63  }
0x105: {  	s31 =	spop (v2sf);
	s29 =	sld [smem:$0x7FB]  }
0x106: {  	[tilespmem:s30], [sflag:$0x1] =	stream.linear.gather [hbm4b:s31+s1], $0x400, $0x38;
	[tilespmem:$0x10B00] =	vst v63  }
0x107: {  	s31 =	spop (v2sf);
	s30 =	sld [smem:$0x7FC]  }
0x108: {  	[tilespmem:s29], [sflag:$0x1] =	stream.linear.gather [hbm4b:s31+s1], $0x400, $0x38;
	[tilespmem:$0x10B00] =	vst v63  }
0x109: {  	s31 =	spop (v2sf);
	s29 =	sld [smem:$0x7FD]  }
0x10a: {  	[tilespmem:s30], [sflag:$0x1] =	stream.linear.gather [hbm4b:s31+s1], $0x400, $0x38;
	[tilespmem:$0x10B00] =	vst v63  }
0x10b: {  	s31 =	spop (v2sf)  }
0x10c: {  	[tilespmem:s29], [sflag:$0x1] =	stream.linear.gather [hbm4b:s31+s1], $0x400, $0x38;
	[tilespmem:$0x10B00] =	vst v63  }
0x10d: {  	_ =	swait.ge [sflag:s20], $0x4000  }
0x10e: {  	[sflag:s20] =	ssyncset.done $0x0  }
0x10f: {  	[sflag:s20] =	ssyncadd.s32 $0xFFFFC000  }
0x110: {  	_ =	swait.ge [sflag:s20], $0x4000  }
0x111: {  	[sflag:s20] =	ssyncset.done $0x0  }
0x112: {  	[sflag:s20] =	ssyncadd.s32 $0xFFFFC000  }
0x113: {  	_ =	swait.ge [sflag:s20], $0x4000  }
0x114: {  	[sflag:s20] =	ssyncset.done $0x0  }
0x115: {  	[sflag:s20] =	ssyncadd.s32 $0xFFFFC000  }
0x116: {  	_ =	swait.ge [sflag:s20], $0x4000  }
0x117: {  	[sflag:s20] =	ssyncset.done $0x0  }
0x118: {  	[sflag:s20] =	ssyncadd.s32 $0xFFFFC000  }
0x119: {  	v1 =	vld [tilespmem:s26+$0x0]  }
0x11a: {  	v2 =	vld [tilespmem:s26+$0x200]  }
0x11b: {  	v3 =	vld [tilespmem:s26+$0x600]  }
0x11c: {  	v4 =	vld [tilespmem:s26+$0x400];
	_ =	sdelay $0x1  }
0x11d: {  	v1 =	vand.u32 $0x7, v1  }
0x11e: {  	v2 =	vand.u32 $0x7, v2;
	v1 =	vshll.u32 v1, $0x7  }
0x11f: {  	v3 =	vand.u32 $0x7, v3;
	v7 =	vshll.u32 v2, $0x7;
	v2 =	vor.u32 v0, v1  }
0x120: {  	v4 =	vand.u32 $0x7, v4;
	v3 =	vshll.u32 v3, $0x7;
	v1 =	vor.u32 v0, v7  }
0x121: {  	v7 =	vshll.u32 v4, $0x7;
	v4 =	vor.u32 v0, v3  }
0x122: {  	v3 =	vor.u32 v0, v7  }
0x123: {  	v7 =	vor.u32 $0x1, v4  }
0x124: {  	v11 =	vor.u32 $0x1, v2;
	v8 =	vld.idx.msk [tilespmem:v2+s16+$0x0], $0xffff  }
0x125: {  	v13 =	vor.u32 $0x1, v1;
	v10 =	vld.idx.msk [tilespmem:v1+s17+$0x0], $0xffff  }
0x126: {  	v15 =	vor.u32 $0x2, v4;
	v12 =	vld.idx.msk [tilespmem:v4+s18+$0x0], $0xffff  }
0x127: {  	v17 =	vor.u32 $0x2, v2;
	v14 =	vld.idx.msk [tilespmem:v3+s19+$0x0], $0xffff  }
0x128: {  	v19 =	vor.u32 $0x2, v1;
	v7 =	vld.idx.msk [tilespmem:v7+s18+$0x0], $0xffff  }
0x129: {  	v55 =	vor.u32 $0x3, v2;
	v11 =	vld.idx.msk [tilespmem:v11+s16+$0x0], $0xffff  }
0x12a: {  	v62 =	vor.u32 $0x4, v1;
	v13 =	vld.idx.msk [tilespmem:v13+s17+$0x0], $0xffff  }
0x12b: {  	v32 =	vor.u32 $0x5, v1;
	v15 =	vld.idx.msk [tilespmem:v15+s18+$0x0], $0xffff  }
0x12c: {  	v20 =	vor.u32 $0x3, v4;
	v9 =	vor.u32 $0x1, v3;
	v17 =	vld.idx.msk [tilespmem:v17+s16+$0x0], $0xffff  }
0x12d: {  	v57 =	vor.u32 $0x4, v4;
	v59 =	vor.u32 $0x3, v1;
	v16 =	vor.u32 $0x2, v3;
	v56 =	vld.idx.msk [tilespmem:v19+s17+$0x0], $0xffff  }
0x12e: {  	v22 =	vor.u32 $0x4, v2;
	v26 =	vor.u32 $0x5, v4;
	v21 =	vor.u32 $0x4, v3;
	v60 =	vld.idx.msk [tilespmem:v55+s16+$0x0], $0xffff  }
0x12f: {  	v30 =	vor.u32 $0x5, v2;
	v33 =	vor.u32 $0x6, v4;
	v42 =	vor.u32 $0x7, v4;
	v27 =	vld.idx.msk [tilespmem:v62+s17+$0x0], $0xffff  }
0x130: {  	v37 =	vor.u32 $0x6, v2;
	v39 =	vor.u32 $0x6, v1;
	v41 =	vor.u32 $0x7, v2;
	v38 =	vld.idx.msk [tilespmem:v32+s17+$0x0], $0xffff  }
0x131: {  	v47 =	vor.u32 $0x7, v1;
	v49 =	vor.u32 $0x8, v4;
	v53 =	vor.u32 $0x3, v3;
	v9 =	vld.idx.msk [tilespmem:v9+s19+$0x0], $0xffff  }
0x132: {  	v28 =	vor.u32 $0x5, v3;
	v34 =	vor.u32 $0x6, v3;
	v43 =	vor.u32 $0x7, v3;
	v16 =	vld.idx.msk [tilespmem:v16+s19+$0x0], $0xffff  }
0x133: {  	v51 =	vor.u32 $0x8, v3;
	v55 =	vor.u32 $0x9, v4;
	v63 =	vld.idx.msk [tilespmem:v21+s19+$0x0], $0xffff;
	v18 =	vsub.f32 v8, v12  }
0x134: {  	v48 =	vld.idx.msk [tilespmem:v42+s18+$0x0], $0xffff;
	v62 =	vor.u32 $0x9, v1;
	v32 =	vor.u32 $0xA, v1;
	v42 =	vor.u32 $0xC, v4  }
0x135: {  	v20 =	vld.idx.msk [tilespmem:v20+s18+$0x0], $0xffff;
	v12 =	vmul.f32 v14, v12;
	v14 =	vsub.f32 v10, v14;
	v18 =	vmul.f32 v18, v18  }
0x136: {  	v25 =	vld.idx.msk [tilespmem:v22+s16+$0x0], $0xffff;
	v52 =	vmul.f32 v9, v7;
	v7 =	vsub.f32 v11, v7;
	v9 =	vsub.f32 v13, v9  }
0x137: {  	v40 =	vld.idx.msk [tilespmem:v33+s18+$0x0], $0xffff;
	v58 =	vmul.f32 v16, v15;
	v15 =	vsub.f32 v17, v15;
	v23 =	vsub.f32 v56, v16  }
0x138: {  	v50 =	vld.idx.msk [tilespmem:v43+s19+$0x0], $0xffff;
	v16 =	vsub.f32 v27, v63;
	v8 =	vadd.f32 v12, v8;
	v14 =	vmul.f32 v14, v14  }
0x139: {  	v12 =	vld.idx.msk [tilespmem:v26+s18+$0x0], $0xffff;
	v26 =	vor.u32 $0xA, v3;
	v6 =	vadd.f32 v18, v6;
	v54 =	vadd.f32 v52, v11  }
0x13a: {  	v7 =	vmul.f32 v7, v7;
	v19 =	vadd.f32 v58, v17;
	v18 =	vld.idx.msk [tilespmem:v53+s19+$0x0], $0xffff;
	v21 =	vmul.f32 v15, v15  }
0x13b: {  	v17 =	vld.idx.msk [tilespmem:v28+s19+$0x0], $0xffff;
	v16 =	vmul.f32 v16, v16;
	v52 =	vor.u32 $0x8, v2;
	v53 =	vor.u32 $0x8, v1  }
0x13c: {  	v58 =	vor.u32 $0x9, v2;
	v8 =	vsub.f32 v8, v10;
	v6 =	vadd.f32 v14, v6;
	v14 =	vld.idx.msk [tilespmem:v57+s18+$0x0], $0xffff  }
0x13d: {  	v10 =	vsub.f32 v54, v13;
	v61 =	vsub.f32 v19, v56;
	v54 =	vld.idx.msk [tilespmem:v47+s17+$0x0], $0xffff;
	v57 =	vor.u32 $0x9, v3  }
0x13e: {  	v56 =	vld.idx.msk [tilespmem:v49+s18+$0x0], $0xffff;
	v47 =	vor.u32 $0xD, v4;
	v49 =	vor.u32 $0xC, v1;
	v8 =	vmul.f32 v8, v8  }
0x13f: {  	v19 =	vld.idx.msk [tilespmem:v51+s19+$0x0], $0xffff;
	v10 =	vmul.f32 v10, v10;
	v6 =	vadd.f32 v7, v6;
	v7 =	vmul.f32 v9, v9  }
0x140: {  	v9 =	vsub.f32 v60, v20;
	v33 =	vld.idx.msk [tilespmem:v26+s19+$0x0], $0xffff;
	v26 =	vor.u32 $0xF, v3;
	v5 =	vadd.f32 v8, v5  }
0x141: {  	v24 =	vmul.f32 v18, v20;
	v44 =	vsub.f32 v38, v17;
	v8 =	vadd.f32 v10, v8  }
0x142: {  	v13 =	vld.idx.msk [tilespmem:v59+s17+$0x0], $0xffff;
	v6 =	vadd.f32 v7, v6;
	v7 =	vmul.f32 v61, v61;
	v9 =	vmul.f32 v9, v9  }
0x143: {  	v5 =	vadd.f32 v10, v5;
	v10 =	vmul.f32 v23, v23;
	v11 =	vadd.f32 v24, v60  }
0x144: {  	v46 =	vld.idx.msk [tilespmem:v41+s16+$0x0], $0xffff;
	v29 =	vmul.f32 v63, v14;
	v14 =	vsub.f32 v25, v14;
	v61 =	vsub.f32 v54, v50  }
0x145: {  	v60 =	vld.idx.msk [tilespmem:v53+s17+$0x0], $0xffff;
	v24 =	vmul.f32 v19, v56;
	v53 =	vor.u32 $0xD, v1;
	v23 =	vor.u32 $0xE, v1  }
0x146: {  	v8 =	vadd.f32 v7, v8;
	v6 =	vadd.f32 v21, v6;
	v21 =	vmul.f32 v50, v48  }
0x147: {  	v50 =	vor.u32 $0xD, v2;
	v31 =	vsub.f32 v11, v13;
	v20 =	vadd.f32 v29, v25  }
0x148: {  	v5 =	vadd.f32 v7, v5;
	v7 =	vsub.f32 v13, v18;
	v13 =	vld.idx.msk [tilespmem:v34+s19+$0x0], $0xffff;
	v25 =	vor.u32 $0xA, v4  }
0x149: {  	v18 =	vld.idx.msk [tilespmem:v37+s16+$0x0], $0xffff;
	v29 =	vor.u32 $0xB, v4;
	v34 =	vor.u32 $0xB, v2;
	v6 =	vadd.f32 v10, v6  }
0x14a: {  	v59 =	vadd.f32 v21, v46;
	v10 =	vmul.f32 v31, v31;
	v35 =	vsub.f32 v20, v27  }
0x14b: {  	v36 =	vld.idx.msk [tilespmem:v30+s16+$0x0], $0xffff;
	v7 =	vmul.f32 v7, v7;
	v27 =	vor.u32 $0xA, v2;
	v6 =	vadd.f32 v9, v6  }
0x14c: {  	v31 =	vor.u32 $0xB, v3;
	v28 =	vsub.f32 v60, v19;
	v8 =	vadd.f32 v10, v8  }
0x14d: {  	v5 =	vadd.f32 v10, v5;
	v9 =	vmul.f32 v35, v35;
	v6 =	vadd.f32 v7, v6  }
0x14e: {  	v11 =	vld.idx.msk [tilespmem:v39+s17+$0x0], $0xffff;
	v7 =	vmul.f32 v14, v14;
	v45 =	vmul.f32 v13, v40;
	v14 =	vsub.f32 v18, v40  }
0x14f: {  	v8 =	vadd.f32 v9, v8;
	v5 =	vadd.f32 v9, v5;
	v9 =	vmul.f32 v44, v44  }
0x150: {  	v63 =	vld.idx.msk [tilespmem:v57+s19+$0x0], $0xffff;
	v6 =	vadd.f32 v7, v6;
	v7 =	vmul.f32 v17, v12;
	v12 =	vsub.f32 v36, v12  }
0x151: {  	v19 =	vld.idx.msk [tilespmem:v29+s18+$0x0], $0xffff;
	v10 =	vadd.f32 v45, v18;
	v14 =	vmul.f32 v14, v14;
	v45 =	vor.u32 $0xC, v2  }
0x152: {  	v18 =	vld.idx.msk [tilespmem:v62+s17+$0x0], $0xffff;
	v7 =	vadd.f32 v7, v36;
	v6 =	vadd.f32 v16, v6;
	v12 =	vmul.f32 v12, v12  }
0x153: {  	v17 =	vld.idx.msk [tilespmem:v25+s18+$0x0], $0xffff;
	v62 =	vor.u32 $0xE, v4;
	v10 =	vsub.f32 v10, v11;
	v11 =	vsub.f32 v11, v13  }
0x154: {  	v16 =	vld.idx.msk [tilespmem:v55+s18+$0x0], $0xffff;
	v36 =	vor.u32 $0xB, v1;
	v7 =	vsub.f32 v7, v38;
	v6 =	vadd.f32 v12, v6  }
0x155: {  	v41 =	vld.idx.msk [tilespmem:v34+s16+$0x0], $0xffff;
	v13 =	vmul.f32 v28, v28;
	v28 =	vor.u32 $0xF, v2;
	v10 =	vmul.f32 v10, v10  }
0x156: {  	v11 =	vmul.f32 v11, v11;
	v38 =	vld.idx.msk [tilespmem:v31+s19+$0x0], $0xffff;
	v7 =	vmul.f32 v7, v7;
	v6 =	vadd.f32 v9, v6  }
0x157: {  	v12 =	vsub.f32 v46, v48;
	v48 =	vor.u32 $0xD, v3;
	v37 =	vsub.f32 v18, v63;
	v9 =	vld.idx.msk [tilespmem:v58+s16+$0x0], $0xffff  }
0x158: {  	v40 =	vmul.f32 v33, v17;
	v8 =	vadd.f32 v7, v8;
	v6 =	vadd.f32 v14, v6  }
0x159: {  	v12 =	vmul.f32 v12, v12;
	v30 =	vmul.f32 v63, v16;
	v44 =	vld.idx.msk [tilespmem:v36+s17+$0x0], $0xffff;
	v5 =	vadd.f32 v7, v5  }
0x15a: {  	v63 =	vor.u32 $0xE, v3;
	v7 =	vadd.f32 v10, v8;
	v6 =	vadd.f32 v11, v6  }
0x15b: {  	v36 =	vor.u32 $0x10, v2;
	v8 =	vld.idx.msk [tilespmem:v52+s16+$0x0], $0xffff;
	v5 =	vadd.f32 v10, v5;
	v11 =	vsub.f32 v59, v54  }
0x15c: {  	v46 =	vmul.f32 v38, v19;
	v52 =	vsub.f32 v41, v19;
	v15 =	vadd.f32 v30, v9  }
0x15d: {  	v10 =	vmul.f32 v61, v61;
	v9 =	vsub.f32 v9, v16;
	v6 =	vadd.f32 v12, v6  }
0x15e: {  	v54 =	vld.idx.msk [tilespmem:v47+s18+$0x0], $0xffff;
	v30 =	vor.u32 $0xF, v1;
	v11 =	vmul.f32 v11, v11;
	v57 =	vsub.f32 v44, v38  }
0x15f: {  	v58 =	vmul.f32 v52, v52;
	v38 =	vor.u32 $0x10, v4;
	v6 =	vadd.f32 v10, v6;
	v10 =	vld.idx.msk [tilespmem:v27+s16+$0x0], $0xffff  }
0x160: {  	v12 =	vld.idx.msk [tilespmem:v63+s19+$0x0], $0xffff;
	v63 =	vor.u32 $0x13, v3;
	v35 =	vsub.f32 v15, v18;
	v14 =	vsub.f32 v8, v56  }
0x161: {  	v9 =	vmul.f32 v9, v9;
	v7 =	vadd.f32 v11, v7;
	v27 =	vld.idx.msk [tilespmem:v62+s18+$0x0], $0xffff;
	v8 =	vadd.f32 v24, v8  }
0x162: {  	v5 =	vadd.f32 v11, v5;
	v56 =	vld.idx.msk [tilespmem:v48+s19+$0x0], $0xffff;
	v24 =	vor.u32 $0xF, v4;
	v14 =	vmul.f32 v14, v14  }
0x163: {  	v39 =	vld.idx.msk [tilespmem:v32+s17+$0x0], $0xffff;
	v11 =	vmul.f32 v37, v37;
	v48 =	vor.u32 $0x11, v2;
	v8 =	vsub.f32 v8, v60  }
0x164: {  	v32 =	vld.idx.msk [tilespmem:v26+s19+$0x0], $0xffff;
	v60 =	vor.u32 $0xE, v2;
	v6 =	vadd.f32 v14, v6;
	v43 =	vadd.f32 v40, v10  }
0x165: {  	v20 =	vld.idx.msk [tilespmem:v42+s18+$0x0], $0xffff;
	v8 =	vmul.f32 v8, v8;
	v10 =	vsub.f32 v10, v17;
	v17 =	vadd.f32 v46, v41  }
0x166: {  	v59 =	vld.idx.msk [tilespmem:v49+s17+$0x0], $0xffff;
	v37 =	vmul.f32 v12, v27;
	v40 =	vor.u32 $0x10, v3;
	v41 =	vor.u32 $0x11, v4  }
0x167: {  	v46 =	vor.u32 $0x10, v1;
	v25 =	vmul.f32 v56, v54;
	v31 =	vld.idx.msk [tilespmem:v24+s18+$0x0], $0xffff;
	v24 =	vor.u32 $0x12, v1  }
0x168: {  	v18 =	vld.idx.msk [tilespmem:v53+s17+$0x0], $0xffff;
	v6 =	vadd.f32 v13, v6;
	v7 =	vadd.f32 v8, v7;
	v13 =	vmul.f32 v35, v35  }
0x169: {  	v5 =	vadd.f32 v8, v5;
	v8 =	vor.u32 $0xC, v3;
	v51 =	vsub.f32 v17, v44;
	v35 =	vld.idx.msk [tilespmem:v28+s16+$0x0], $0xffff  }
0x16a: {  	v10 =	vmul.f32 v10, v10;
	v16 =	vld.idx.msk [tilespmem:v60+s16+$0x0], $0xffff;
	v6 =	vadd.f32 v9, v6;
	v7 =	vadd.f32 v13, v7  }
0x16b: {  	v28 =	vor.u32 $0x13, v1;
	v9 =	vsub.f32 v39, v33;
	v5 =	vadd.f32 v13, v5;
	v13 =	vld.idx.msk [tilespmem:v50+s16+$0x0], $0xffff  }
0x16c: {  	v55 =	vmul.f32 v51, v51;
	v33 =	vld.idx.msk [tilespmem:v23+s17+$0x0], $0xffff;
	v6 =	vadd.f32 v11, v6;
	v11 =	vsub.f32 v43, v39  }
0x16d: {  	v50 =	vor.u32 $0x11, v1;
	v9 =	vmul.f32 v9, v9;
	v39 =	vld.idx.msk [tilespmem:v30+s17+$0x0], $0xffff;
	v22 =	vmul.f32 v32, v31  }
0x16e: {  	v43 =	vor.u32 $0x11, v3;
	v30 =	vld.idx.msk [tilespmem:v24+s17+$0x0], $0xffff;
	v11 =	vmul.f32 v11, v11;
	v6 =	vadd.f32 v10, v6  }
0x16f: {  	v24 =	vor.u32 $0x17, v1;
	v8 =	vld.idx.msk [tilespmem:v8+s19+$0x0], $0xffff;
	v10 =	vsub.f32 v18, v56;
	v42 =	vsub.f32 v16, v27  }
0x170: {  	v15 =	vld.idx.msk [tilespmem:v45+s16+$0x0], $0xffff;
	v45 =	vadd.f32 v22, v35;
	v56 =	vor.u32 $0x12, v4;
	v7 =	vadd.f32 v11, v7  }
0x171: {  	v5 =	vadd.f32 v11, v5;
	v6 =	vadd.f32 v9, v6;
	v11 =	vmul.f32 v57, v57  }
0x172: {  	v10 =	vmul.f32 v10, v10;
	v9 =	vsub.f32 v33, v12;
	v57 =	vor.u32 $0x12, v3  }
0x173: {  	v49 =	vsub.f32 v45, v39;
	v52 =	vsub.f32 v39, v32;
	v39 =	vor.u32 $0x14, v1  }
0x174: {  	v7 =	vadd.f32 v55, v7;
	v61 =	vmul.f32 v8, v20;
	v6 =	vadd.f32 v58, v6  }
0x175: {  	v45 =	vor.u32 $0x15, v2;
	v8 =	vsub.f32 v59, v8;
	v5 =	vadd.f32 v55, v5  }
0x176: {  	v51 =	vld.idx.msk [tilespmem:v41+s18+$0x0], $0xffff;
	v9 =	vmul.f32 v9, v9;
	v17 =	vadd.f32 v61, v15;
	v15 =	vsub.f32 v15, v20  }
0x177: {  	v14 =	vld.idx.msk [tilespmem:v43+s19+$0x0], $0xffff;
	v6 =	vadd.f32 v11, v6;
	v11 =	vadd.f32 v25, v13;
	v8 =	vmul.f32 v8, v8  }
0x178: {  	v47 =	vld.idx.msk [tilespmem:v38+s18+$0x0], $0xffff;
	v13 =	vsub.f32 v13, v54;
	v20 =	vadd.f32 v37, v16;
	v61 =	vor.u32 $0x13, v4  }
0x179: {  	v16 =	vmul.f32 v49, v49;
	v54 =	vld.idx.msk [tilespmem:v48+s16+$0x0], $0xffff;
	v25 =	vor.u32 $0x13, v2;
	v48 =	vor.u32 $0x15, v1  }
0x17a: {  	v17 =	vsub.f32 v17, v59;
	v15 =	vmul.f32 v15, v15;
	v11 =	vsub.f32 v11, v18;
	v18 =	vld.idx.msk [tilespmem:v36+s16+$0x0], $0xffff  }
0x17b: {  	v34 =	vmul.f32 v13, v13;
	v44 =	vsub.f32 v20, v33;
	v13 =	vsub.f32 v35, v31;
	v35 =	vld.idx.msk [tilespmem:v28+s17+$0x0], $0xffff  }
0x17c: {  	v58 =	vmul.f32 v14, v51;
	v59 =	vor.u32 $0x12, v2;
	v6 =	vadd.f32 v15, v6;
	v15 =	vld.idx.msk [tilespmem:v40+s19+$0x0], $0xffff  }
0x17d: {  	v31 =	vor.u32 $0x14, v2;
	v33 =	vor.u32 $0x14, v4;
	v28 =	vor.u32 $0x18, v3;
	v12 =	vld.idx.msk [tilespmem:v61+s18+$0x0], $0xffff  }
0x17e: {  	v29 =	vmul.f32 v17, v17;
	v53 =	vmul.f32 v13, v13;
	v62 =	vadd.f32 v58, v54;
	v32 =	vld.idx.msk [tilespmem:v25+s16+$0x0], $0xffff  }
0x17f: {  	v26 =	vsub.f32 v54, v51;
	v6 =	vadd.f32 v8, v6;
	v8 =	vmul.f32 v11, v11;
	v11 =	vld.idx.msk [tilespmem:v57+s19+$0x0], $0xffff  }
0x180: {  	v7 =	vadd.f32 v29, v7;
	v5 =	vadd.f32 v29, v5;
	v29 =	vld.idx.msk [tilespmem:v63+s19+$0x0], $0xffff;
	v57 =	vor.u32 $0x16, v1  }
0x181: {  	v63 =	vor.u32 $0x17, v3;
	v60 =	vsub.f32 v18, v47;
	v27 =	vld.idx.msk [tilespmem:v59+s16+$0x0], $0xffff;
	v59 =	vor.u32 $0x17, v2  }
0x182: {  	v41 =	vld.idx.msk [tilespmem:v33+s18+$0x0], $0xffff;
	v33 =	vor.u32 $0x18, v2;
	v7 =	vadd.f32 v8, v7;
	v6 =	vadd.f32 v34, v6  }
0x183: {  	v5 =	vadd.f32 v8, v5;
	v8 =	vmul.f32 v44, v44;
	v34 =	vor.u32 $0x14, v3  }
0x184: {  	v44 =	vor.u32 $0x15, v3;
	v55 =	vmul.f32 v15, v47;
	v6 =	vadd.f32 v10, v6  }
0x185: {  	v10 =	vmul.f32 v42, v42;
	v7 =	vadd.f32 v8, v7;
	v5 =	vadd.f32 v8, v5;
	v8 =	vld.idx.msk [tilespmem:v46+s17+$0x0], $0xffff  }
0x186: {  	v47 =	vld.idx.msk [tilespmem:v39+s17+$0x0], $0xffff;
	v39 =	vor.u32 $0x19, v3;
	v37 =	vmul.f32 v29, v12;
	v12 =	vsub.f32 v32, v12  }
0x187: {  	v13 =	vld.idx.msk [tilespmem:v48+s17+$0x0], $0xffff;
	v42 =	vor.u32 $0x15, v4;
	v6 =	vadd.f32 v10, v6;
	v7 =	vadd.f32 v16, v7  }
0x188: {  	v5 =	vadd.f32 v16, v5;
	v10 =	vld.idx.msk [tilespmem:v50+s17+$0x0], $0xffff;
	v16 =	vadd.f32 v55, v18;
	v50 =	vor.u32 $0x16, v4  }
0x189: {  	v40 =	vadd.f32 v37, v32;
	v43 =	vld.idx.msk [tilespmem:v34+s19+$0x0], $0xffff;
	v46 =	vmul.f32 v12, v12;
	v6 =	vadd.f32 v9, v6  }
0x18a: {  	v32 =	vld.idx.msk [tilespmem:v63+s19+$0x0], $0xffff;
	v37 =	vor.u32 $0x19, v4;
	v63 =	vor.u32 $0x1B, v1;
	v16 =	vsub.f32 v16, v8  }
0x18b: {  	v19 =	vld.idx.msk [tilespmem:v44+s19+$0x0], $0xffff;
	v9 =	vmul.f32 v52, v52;
	v52 =	vor.u32 $0x16, v3;
	v6 =	vadd.f32 v53, v6  }
0x18c: {  	v8 =	vsub.f32 v8, v15;
	v53 =	vor.u32 $0x16, v2;
	v16 =	vmul.f32 v16, v16  }
0x18d: {  	v17 =	vld.idx.msk [tilespmem:v56+s18+$0x0], $0xffff;
	v18 =	vsub.f32 v62, v10;
	v6 =	vadd.f32 v9, v6;
	v9 =	vmul.f32 v60, v60  }
0x18e: {  	v38 =	vld.idx.msk [tilespmem:v31+s16+$0x0], $0xffff;
	v8 =	vmul.f32 v8, v8;
	v10 =	vsub.f32 v10, v14;
	v62 =	vor.u32 $0x17, v4  }
0x18f: {  	v49 =	vld.idx.msk [tilespmem:v42+s18+$0x0], $0xffff;
	v51 =	vmul.f32 v43, v41;
	v56 =	vsub.f32 v47, v43;
	v6 =	vadd.f32 v9, v6  }
0x190: {  	v25 =	vsub.f32 v13, v19;
	v43 =	vor.u32 $0x19, v2;
	v7 =	vadd.f32 v16, v7  }
0x191: {  	v18 =	vmul.f32 v18, v18;
	v6 =	vadd.f32 v8, v6;
	v8 =	vmul.f32 v26, v26  }
0x192: {  	v5 =	vadd.f32 v16, v5;
	v10 =	vmul.f32 v10, v10;
	v61 =	vld.idx.msk [tilespmem:v52+s19+$0x0], $0xffff;
	v52 =	vor.u32 $0x1A, v2  }
0x193: {  	v58 =	vld.idx.msk [tilespmem:v50+s18+$0x0], $0xffff;
	v9 =	vsub.f32 v35, v29;
	v6 =	vadd.f32 v8, v6;
	v8 =	vmul.f32 v11, v17  }
0x194: {  	v54 =	vadd.f32 v51, v38;
	v60 =	vmul.f32 v19, v49;
	v20 =	vld.idx.msk [tilespmem:v53+s16+$0x0], $0xffff;
	v17 =	vsub.f32 v27, v17  }
0x195: {  	v16 =	vld.idx.msk [tilespmem:v57+s17+$0x0], $0xffff;
	v29 =	vmul.f32 v25, v25;
	v7 =	vadd.f32 v18, v7;
	v8 =	vadd.f32 v8, v27  }
0x196: {  	v11 =	vsub.f32 v30, v11;
	v6 =	vadd.f32 v10, v6;
	v36 =	vmul.f32 v17, v17  }
0x197: {  	v5 =	vadd.f32 v18, v5;
	v26 =	vor.u32 $0x18, v4;
	v18 =	vld.idx.msk [tilespmem:v62+s18+$0x0], $0xffff;
	v8 =	vsub.f32 v8, v30  }
0x198: {  	v11 =	vmul.f32 v11, v11;
	v10 =	vsub.f32 v40, v35;
	v6 =	vadd.f32 v36, v6  }
0x199: {  	v17 =	vsub.f32 v38, v41;
	v31 =	vsub.f32 v20, v58;
	v8 =	vmul.f32 v8, v8  }
0x19a: {  	v9 =	vmul.f32 v9, v9;
	v35 =	vsub.f32 v16, v61;
	v41 =	vld.idx.msk [tilespmem:v33+s16+$0x0], $0xffff;
	v6 =	vadd.f32 v11, v6  }
0x19b: {  	v33 =	vor.u32 $0x1C, v1;
	v7 =	vadd.f32 v8, v7;
	v5 =	vadd.f32 v8, v5;
	v8 =	vld.idx.msk [tilespmem:v45+s16+$0x0], $0xffff  }
0x19c: {  	v40 =	vmul.f32 v32, v18;
	v10 =	vmul.f32 v10, v10;
	v6 =	vadd.f32 v46, v6  }
0x19d: {  	v19 =	vld.idx.msk [tilespmem:v26+s18+$0x0], $0xffff;
	v26 =	vor.u32 $0x1C, v2;
	v55 =	vmul.f32 v17, v17;
	v30 =	vmul.f32 v61, v58  }
0x19e: {  	v27 =	vld.idx.msk [tilespmem:v59+s16+$0x0], $0xffff;
	v36 =	vor.u32 $0x18, v1;
	v38 =	vmul.f32 v35, v35;
	v6 =	vadd.f32 v9, v6  }
0x19f: {  	v61 =	vor.u32 $0x1B, v3;
	v7 =	vadd.f32 v10, v7;
	v5 =	vadd.f32 v10, v5  }
0x1a0: {  	v14 =	vld.idx.msk [tilespmem:v28+s19+$0x0], $0xffff;
	v10 =	vmul.f32 v56, v56;
	v6 =	vadd.f32 v55, v6;
	v11 =	vsub.f32 v8, v49  }
0x1a1: {  	v35 =	vor.u32 $0x1D, v2;
	v34 =	vadd.f32 v30, v20;
	v9 =	vsub.f32 v54, v47  }
0x1a2: {  	v30 =	vor.u32 $0x1C, v3;
	v6 =	vadd.f32 v10, v6;
	v11 =	vmul.f32 v11, v11  }
0x1a3: {  	v42 =	vsub.f32 v27, v18;
	v9 =	vmul.f32 v9, v9;
	v8 =	vadd.f32 v60, v8  }
0x1a4: {  	v18 =	vld.idx.msk [tilespmem:v43+s16+$0x0], $0xffff;
	v43 =	vor.u32 $0x1E, v3;
	v45 =	vor.u32 $0x19, v1;
	v6 =	vadd.f32 v11, v6  }
0x1a5: {  	v46 =	vmul.f32 v14, v19;
	v7 =	vadd.f32 v9, v7;
	v10 =	vld.idx.msk [tilespmem:v24+s17+$0x0], $0xffff;
	v8 =	vsub.f32 v8, v13  }
0x1a6: {  	v5 =	vadd.f32 v9, v5;
	v9 =	vmul.f32 v31, v31;
	v6 =	vadd.f32 v29, v6  }
0x1a7: {  	v47 =	vor.u32 $0x1A, v4;
	v8 =	vmul.f32 v8, v8;
	v11 =	vsub.f32 v34, v16  }
0x1a8: {  	v48 =	vld.idx.msk [tilespmem:v39+s19+$0x0], $0xffff;
	v51 =	vadd.f32 v46, v41;
	v49 =	vor.u32 $0x1A, v3;
	v6 =	vadd.f32 v9, v6  }
0x1a9: {  	v44 =	vld.idx.msk [tilespmem:v36+s17+$0x0], $0xffff;
	v7 =	vadd.f32 v8, v7;
	v5 =	vadd.f32 v8, v5;
	v8 =	vmul.f32 v11, v11  }
0x1aa: {  	v59 =	vld.idx.msk [tilespmem:v52+s16+$0x0], $0xffff;
	v12 =	vsub.f32 v10, v32;
	v9 =	vmul.f32 v42, v42;
	v6 =	vadd.f32 v38, v6  }
0x1ab: {  	v36 =	vor.u32 $0x1D, v4;
	v54 =	vld.idx.msk [tilespmem:v45+s17+$0x0], $0xffff;
	v7 =	vadd.f32 v8, v7;
	v5 =	vadd.f32 v8, v5  }
0x1ac: {  	v56 =	vld.idx.msk [tilespmem:v47+s18+$0x0], $0xffff;
	v50 =	vmul.f32 v12, v12;
	v8 =	vsub.f32 v41, v19;
	v6 =	vadd.f32 v9, v6  }
0x1ad: {  	v55 =	vor.u32 $0x1A, v1;
	v60 =	vor.u32 $0x1B, v2;
	v45 =	vor.u32 $0x1E, v2;
	v16 =	vld.idx.msk [tilespmem:v37+s18+$0x0], $0xffff  }
0x1ae: {  	v13 =	vsub.f32 v44, v14;
	v15 =	vld.idx.msk [tilespmem:v49+s19+$0x0], $0xffff;
	v8 =	vmul.f32 v8, v8;
	v6 =	vadd.f32 v50, v6  }
0x1af: {  	v2 =	vor.u32 $0x1F, v2;
	v53 =	vsub.f32 v51, v44;
	v11 =	vadd.f32 v40, v27;
	v29 =	vld.idx.msk [tilespmem:v61+s19+$0x0], $0xffff  }
0x1b0: {  	v27 =	vor.u32 $0x1C, v4;
	v32 =	vld.idx.msk [tilespmem:v63+s17+$0x0], $0xffff;
	v6 =	vadd.f32 v8, v6;
	v8 =	vmul.f32 v13, v13  }
0x1b1: {  	v39 =	vld.idx.msk [tilespmem:v30+s19+$0x0], $0xffff;
	v40 =	vor.u32 $0x1D, v1;
	v10 =	vsub.f32 v11, v10;
	v11 =	vsub.f32 v54, v48  }
0x1b2: {  	v44 =	vld.idx.msk [tilespmem:v36+s18+$0x0], $0xffff;
	v41 =	vor.u32 $0x1E, v4;
	v6 =	vadd.f32 v8, v6;
	v8 =	vor.u32 $0x1B, v4  }
0x1b3: {  	v19 =	vld.idx.msk [tilespmem:v33+s17+$0x0], $0xffff;
	v57 =	vmul.f32 v48, v16;
	v58 =	vsub.f32 v18, v16;
	v16 =	vsub.f32 v59, v56  }
0x1b4: {  	v14 =	vld.idx.msk [tilespmem:v55+s17+$0x0], $0xffff;
	v48 =	vor.u32 $0x1E, v1;
	v1 =	vor.u32 $0x1F, v1;
	v10 =	vmul.f32 v10, v10  }
0x1b5: {  	v42 =	vld.idx.msk [tilespmem:v35+s16+$0x0], $0xffff;
	v62 =	vmul.f32 v15, v56;
	v23 =	vmul.f32 v11, v11;
	v11 =	vsub.f32 v32, v29  }
0x1b6: {  	v25 =	vld.idx.msk [tilespmem:v60+s16+$0x0], $0xffff;
	v7 =	vadd.f32 v10, v7;
	v5 =	vadd.f32 v10, v5;
	v13 =	vmul.f32 v58, v58  }
0x1b7: {  	v38 =	vor.u32 $0x1D, v3;
	v10 =	vadd.f32 v57, v18;
	v24 =	vadd.f32 v62, v59;
	v8 =	vld.idx.msk [tilespmem:v8+s18+$0x0], $0xffff  }
0x1b8: {  	v3 =	vor.u32 $0x1F, v3;
	v52 =	vsub.f32 v19, v39;
	v6 =	vadd.f32 v13, v6  }
0x1b9: {  	v17 =	vld.idx.msk [tilespmem:v27+s18+$0x0], $0xffff;
	v9 =	vmul.f32 v53, v53;
	v28 =	vsub.f32 v24, v14;
	v14 =	vsub.f32 v14, v15  }
0x1ba: {  	v31 =	vmul.f32 v16, v16;
	v12 =	vsub.f32 v42, v44;
	v13 =	vld.idx.msk [tilespmem:v26+s16+$0x0], $0xffff;
	v6 =	vadd.f32 v23, v6  }
0x1bb: {  	v7 =	vadd.f32 v9, v7;
	v10 =	vsub.f32 v10, v54;
	v14 =	vmul.f32 v14, v14  }
0x1bc: {  	v6 =	vadd.f32 v31, v6;
	v37 =	vsub.f32 v25, v8;
	v8 =	vmul.f32 v29, v8  }
0x1bd: {  	v53 =	vld.idx.msk [tilespmem:v45+s16+$0x0], $0xffff;
	v5 =	vadd.f32 v9, v5;
	v22 =	vmul.f32 v10, v10;
	v34 =	vmul.f32 v28, v28  }
0x1be: {  	v51 =	vld.idx.msk [tilespmem:v41+s18+$0x0], $0xffff;
	v6 =	vadd.f32 v14, v6;
	v20 =	vmul.f32 v37, v37;
	v8 =	vadd.f32 v8, v25  }
0x1bf: {  	v47 =	vld.idx.msk [tilespmem:v38+s19+$0x0], $0xffff;
	v7 =	vadd.f32 v22, v7;
	v4 =	vor.u32 $0x1F, v4;
	v46 =	vsub.f32 v13, v17  }
0x1c0: {  	v11 =	vmul.f32 v11, v11;
	v50 =	vld.idx.msk [tilespmem:v40+s17+$0x0], $0xffff;
	v6 =	vadd.f32 v20, v6;
	v8 =	vsub.f32 v8, v32  }
0x1c1: {  	v49 =	vmul.f32 v39, v17;
	v10 =	vld.idx.msk [tilespmem:v43+s19+$0x0], $0xffff;
	v5 =	vadd.f32 v22, v5;
	v7 =	vadd.f32 v34, v7  }
0x1c2: {  	v55 =	vld.idx.msk [tilespmem:v48+s17+$0x0], $0xffff;
	v16 =	vmul.f32 v46, v46;
	v6 =	vadd.f32 v11, v6;
	v8 =	vmul.f32 v8, v8  }
0x1c3: {  	v56 =	vmul.f32 v12, v12;
	v3 =	vld.idx.msk [tilespmem:v3+s19+$0x0], $0xffff;
	v5 =	vadd.f32 v34, v5;
	v11 =	vadd.f32 v49, v13  }
0x1c4: {  	v54 =	vmul.f32 v47, v44;
	v4 =	vld.idx.msk [tilespmem:v4+s18+$0x0], $0xffff;
	v7 =	vadd.f32 v8, v7;
	v6 =	vadd.f32 v16, v6  }
0x1c5: {  	v13 =	vmul.f32 v52, v52;
	v5 =	vadd.f32 v8, v5;
	v8 =	vsub.f32 v11, v19  }
0x1c6: {  	v2 =	vld.idx.msk [tilespmem:v2+s16+$0x0], $0xffff;
	v57 =	vsub.f32 v50, v47;
	v58 =	vmul.f32 v10, v51;
	v9 =	vadd.f32 v54, v42  }
0x1c7: {  	v10 =	vsub.f32 v55, v10;
	v6 =	vadd.f32 v13, v6;
	v8 =	vmul.f32 v8, v8  }
0x1c8: {  	v60 =	vadd.f32 v58, v53;
	v9 =	vsub.f32 v9, v50  }
0x1c9: {  	v1 =	vld.idx.msk [tilespmem:v1+s17+$0x0], $0xffff;
	v62 =	vmul.f32 v3, v4;
	v6 =	vadd.f32 v56, v6;
	v7 =	vadd.f32 v8, v7  }
0x1ca: {  	v59 =	vmul.f32 v57, v57;
	v5 =	vadd.f32 v8, v5;
	v8 =	vsub.f32 v53, v51  }
0x1cb: {  	v61 =	vsub.f32 v60, v55;
	v9 =	vmul.f32 v9, v9;
	v63 =	vadd.f32 v62, v2  }
0x1cc: {  	v2 =	vsub.f32 v2, v4;
	v6 =	vadd.f32 v59, v6;
	v8 =	vmul.f32 v8, v8  }
0x1cd: {  	v11 =	vmul.f32 v61, v61;
	v7 =	vadd.f32 v9, v7;
	v5 =	vadd.f32 v9, v5  }
0x1ce: {  	v9 =	vsub.f32 v63, v1;
	v6 =	vadd.f32 v8, v6;
	v8 =	vmul.f32 v10, v10  }
0x1cf: {  	p0 =	sne.s32 s25, $0x7C0;
	v2 =	vmul.f32 v2, v2;
	v1 =	vsub.f32 v1, v3  }
.Ltmp0:
0x1d0: {  	v4 =	vadd.f32 v11, v7;
	v7 =	vmul.f32 v9, v9;
	v6 =	vadd.f32 v8, v6;
	(pc) =	sbr.rel @p0 .LBB2_2-.Ltmp0, $3  }
0x1d1: {  	v3 =	vadd.f32 v11, v5  }
0x1d2: {  	v1 =	vmul.f32 v1, v1;
	v4 =	vadd.f32 v7, v4;
	v2 =	vadd.f32 v2, v6;
	_ =	sdelay $0x1  }
0x1d3: {  	s25 =	sadd.s32 $0x40, s25;
	v5 =	vadd.f32 v7, v3;
	[tilespmem:s26+$0x10800] =	vst v4;
	v6 =	vadd.f32 v1, v2  }
0x1d4: {  	_ = 	snop  }
0x1d5: {  	[tilespmem:$0x10A00] =	vst v5  }
0x1d6: {  	[tilespmem:$0x10A80] =	vst v6  }
0x1d7: {  	[hbm4b:s9+s21] =	stream.strided.scatter [tilespmem:s22], [sflag:$0x2], $0x200, s14, s21, $0x38;
	[tilespmem:$0x10B00] =	vst v63  }
0x1d8: {  	s24 =	sadd.s32 $0x1, s24;
	_ =	swait.ge [sflag:s12], $0x200  }
0x1d9: {  	p0 =	sne.s32 s24, s11;
	[sflag:s12] =	ssyncset.done $0x0  }
.Ltmp1:
0x1da: {  	[sflag:s12] =	ssyncadd.s32 $0xFFFFFE00;
	(pc) =	sbr.rel @p0 .LBB2_1-.Ltmp1, $4  }
0x1db: {  	[hbm4b:s10+s1] =	stream.linear.scatter [tilespmem:s23], [sflag:$0x2], $0x100, $0x38;
	[tilespmem:$0x10B00] =	vst v63  }
0x1dc: {  	_ =	swait.ge [sflag:s12], $0x100  }
0x1dd: {  	[sflag:s12] =	ssyncset.done $0x0  }
0x1de: {  	[sflag:s12] =	ssyncadd.s32 $0xFFFFFF00  }
0x1df: {  	_ =	sfence.sel $0x180000  }
0x1e0: {  	[bflag:$0x0] =	sbarrier.arrive $0xFFFF  }
0x1e1: {  	p0 =	sne.s32 s4, $0x0;
	_ =	strace $0x90000047  }
0x1e2: {  	s0 =	sadd.s32 @!p0 $0x100000, s0;
	[bflag:$0x2] =	sbarrier.arrive $0xFFFF  }
0x1e3: {  	[sflag:s0] =	ssyncadd.tile.s32 @!p0 $0x1;
	_ =	shalt  }
.Lfunc_end2:
_tile_overlayer_lowered:
.L_overlay_start_2:
0x1e4: {  	(tag) =	ssettag $0x2  }
0x1e5: {  	s0 =	rddreg [dreg:$0x0];
	s2 =	stileid.u32  }
0x1e6: {  	s1 =	rddreg [dreg:$0x1];
	p0 =	sne.s32 s2, $0x0  }
0x1e7: {  	s3 =	rddreg [dreg:$0x2];
	[bflag:$0x3] =	sbarrier.arrive $0xFFFF;
	s2 =	simm.s32 @!p0 $0x1C02  }
0x1e8: {  	[timem:s3], [sflag:s2] =	dma.local @!p0 [hbm:s0], s1  }
0x1e9: {  	s0 =	simm.s32 @!p0 $0x2  }
0x1ea: {  	_ =	swait.ge @!p0 [sflag:s0], s1  }
0x1eb: {  	s1 =	ssub.s32 @!p0 $0x0, s1;
	[sflag:s0] =	ssyncset.done @!p0 $0x0  }
0x1ec: {  	[sflag:s0] =	ssyncadd.s32 @!p0 s1  }
0x1ed: {  	[bflag:$0x3] =	sbarrier.arrive $0xFFFF  }
0x1ee: {  	_ =	shalt  }

</sc_bundles>
